<compile_context>
chip_gen: v7x
topology: tpu7x:2x2x1
jax: 0.10.2.dev20260603
libtpu: 0.0.44.dev20260713+nightly
codegen_flags: <defaults>
</compile_context>

<pallas_src>
import functools

import jax
import jax.numpy as jnp
from jax import lax
from jax.experimental import pallas as pl
from jax.experimental.pallas import tpu as pltpu
from jax.experimental.pallas import tpu_sc as plsc

N = 10000
NP = 10240
E = 160000
B = 16384
D = 128
H = 256
CH = 128
NT = 16
ROWS_PER_TILE = NP // NT
NCH = 80
SLOTS = NT * NCH * CH
F32 = jnp.float32



def _make_sc_aggregate():
    mesh = plsc.VectorSubcoreMesh(core_axis_name="c", subcore_axis_name="s")

    out_type = [
        jax.ShapeDtypeStruct((NP, D), F32),
        jax.ShapeDtypeStruct((NP, D), F32),
    ]
    scratch = [
        pltpu.VMEM_SHARED((NP, D), F32),
        pltpu.VMEM((1, CH), jnp.int32),
        pltpu.VMEM((1, CH), jnp.int32),
        pltpu.VMEM((CH, D), F32),
    ]

    def body(t0_hbm, t1_hbm, g0_hbm, s0_hbm, g1_hbm, s1_hbm, z128_hbm,
             out0, out1, acc_sh, gidx_v, sidx_v, rows0):
        cid = lax.axis_index("c")
        sid = lax.axis_index("s")
        row0 = sid * ROWS_PER_TILE

        pltpu.sync_copy(z128_hbm, acc_sh.at[pl.ds(row0, ROWS_PER_TILE)])
        plsc.subcore_barrier()

        def direction(tbl, gsrc, ssrc):
            def chunk(j, carry):
                pltpu.sync_copy(gsrc.at[sid, j], gidx_v.at[0])
                pltpu.sync_copy(tbl.at[gidx_v.at[0]], rows0)
                pltpu.sync_copy(ssrc.at[sid, j], sidx_v.at[0])
                pltpu.sync_copy(rows0, acc_sh.at[sidx_v.at[0]], add=True)
                return carry
            lax.fori_loop(0, NCH, chunk, 0)

        @pl.when(cid == 0)
        def _():
            direction(t0_hbm, g0_hbm, s0_hbm)

        @pl.when(cid == 1)
        def _():
            direction(t1_hbm, g1_hbm, s1_hbm)

        plsc.subcore_barrier()

        rows = pl.ds(row0, ROWS_PER_TILE)

        @pl.when(cid == 0)
        def _():
            pltpu.sync_copy(acc_sh.at[rows], out0.at[rows])

        @pl.when(cid == 1)
        def _():
            pltpu.sync_copy(acc_sh.at[rows], out1.at[rows])

    return pl.kernel(body, out_type=out_type, mesh=mesh, scratch_types=scratch,
                     name="sc_segsum")


_sc_aggregate = _make_sc_aggregate()


def _make_sc_counts():
    mesh = plsc.VectorSubcoreMesh(core_axis_name="c", subcore_axis_name="s")

    out_type = [
        jax.ShapeDtypeStruct((NP, D), F32),
        jax.ShapeDtypeStruct((NP, D), F32),
    ]
    scratch = [
        pltpu.VMEM_SHARED((NP, D), F32),
        pltpu.VMEM((NCH, CH), jnp.int32),
        pltpu.VMEM((CH, D), F32),
    ]

    def body(s0_hbm, s1_hbm, z128_hbm, ones_hbm,
             out0, out1, acc_sh, sidx_v, ones_v):
        cid = lax.axis_index("c")
        sid = lax.axis_index("s")
        row0 = sid * ROWS_PER_TILE

        pltpu.sync_copy(z128_hbm, acc_sh.at[pl.ds(row0, ROWS_PER_TILE)])
        pltpu.sync_copy(ones_hbm, ones_v)
        plsc.subcore_barrier()

        def direction(ssrc):
            pltpu.sync_copy(ssrc.at[sid], sidx_v)

            def chunk(j, carry):
                pltpu.sync_copy(ones_v, acc_sh.at[sidx_v.at[j]], add=True)
                return carry
            lax.fori_loop(0, NCH, chunk, 0)

        @pl.when(cid == 0)
        def _():
            direction(s0_hbm)

        @pl.when(cid == 1)
        def _():
            direction(s1_hbm)

        plsc.subcore_barrier()

        rows = pl.ds(row0, ROWS_PER_TILE)

        @pl.when(cid == 0)
        def _():
            pltpu.sync_copy(acc_sh.at[rows], out0.at[rows])

        @pl.when(cid == 1)
        def _():
            pltpu.sync_copy(acc_sh.at[rows], out1.at[rows])

    return pl.kernel(body, out_type=out_type, mesh=mesh, scratch_types=scratch,
                     name="sc_counts")


_sc_counts = _make_sc_counts()


def _sc_decoder_gather():
    mesh = plsc.VectorSubcoreMesh(core_axis_name="c", subcore_axis_name="s")
    rows_per_tile = B // NT
    chunks = rows_per_tile // CH

    def body(t0_hbm, t1_hbm, i0_hbm, i1_hbm, out0, out1, idx_v, rows_v, sem):
        cid = lax.axis_index("c")
        sid = lax.axis_index("s")

        def run(tbl, isrc, out):
            def chunk(j, carry):
                base = (sid * chunks + j) * CH
                pltpu.sync_copy(isrc.at[pl.ds(base, CH)], idx_v)
                pltpu.async_copy(tbl.at[idx_v], rows_v, sem).wait()
                pltpu.sync_copy(rows_v, out.at[pl.ds(base, CH)])
                return carry
            lax.fori_loop(0, chunks, chunk, 0)

        @pl.when(cid == 0)
        def _():
            run(t0_hbm, i0_hbm, out0)

        @pl.when(cid == 1)
        def _():
            run(t1_hbm, i1_hbm, out1)

    return pl.kernel(
        body,
        out_type=[jax.ShapeDtypeStruct((B, D), F32),
                  jax.ShapeDtypeStruct((B, D), F32)],
        mesh=mesh,
        scratch_types=[pltpu.VMEM((CH,), jnp.int32),
                       pltpu.VMEM((CH, D), F32),
                       pltpu.SemaphoreType.DMA],
        name="sc_decoder_gather")


_decoder_gather = _sc_decoder_gather()



_RB = 1000


def _layer1_body(x_s, x_v, a_sv, c_v, a_vs, c_s,
                 Wsi, bsi, Wvi, bvi,
                 W1svl, b1svl, W1svr, W1vsl, b1vsl, W1vsr,
                 W2svl, W2vsl,
                 hv1_o, hs1_o, psv_o, pvs_o):
    dot = functools.partial(jnp.dot, preferred_element_type=F32)
    cntv = c_v[:, :1]
    cnts = c_s[:, :1]
    mean_sv = a_sv[:] / jnp.maximum(cntv, 1.0)
    mean_vs = a_vs[:] / jnp.maximum(cnts, 1.0)
    maskv = (cntv > 0.0).astype(F32)
    masks = (cnts > 0.0).astype(F32)
    hsm = dot(mean_sv, Wsi[:]) + maskv * bsi[:]
    hvm = dot(mean_vs, Wvi[:]) + masks * bvi[:]
    hv = dot(x_v[:], Wvi[:]) + bvi[:]
    hs = dot(x_s[:], Wsi[:]) + bsi[:]
    hv1 = jnp.maximum(dot(hsm, W1svl[:]) + b1svl[:] + dot(hv, W1svr[:]), 0.0)
    hs1 = jnp.maximum(dot(hvm, W1vsl[:]) + b1vsl[:] + dot(hs, W1vsr[:]), 0.0)
    hv1_o[:] = hv1
    hs1_o[:] = hs1
    psv_o[:] = dot(hs1, W2svl[:])
    pvs_o[:] = dot(hv1, W2vsl[:])


def _layer1_call(x_s, x_v, a_sv, c_v, a_vs, c_s, Wsi, bsi, Wvi, bvi,
                 W1svl, b1svl, W1svr, W1vsl, b1vsl, W1vsr, W2svl, W2vsl):
    g = N // _RB
    row = pl.BlockSpec((_RB, D), lambda i: (i, 0))
    full = lambda a: pl.BlockSpec(a.shape, lambda i: tuple(0 for _ in a.shape))
    return pl.pallas_call(
        _layer1_body,
        grid=(g,),
        in_specs=[row, row, row, row, row, row,
                  full(Wsi), full(bsi), full(Wvi), full(bvi),
                  full(W1svl), full(b1svl), full(W1svr),
                  full(W1vsl), full(b1vsl), full(W1vsr),
                  full(W2svl), full(W2vsl)],
        out_specs=[pl.BlockSpec((_RB, H), lambda i: (i, 0)),
                   pl.BlockSpec((_RB, H), lambda i: (i, 0)),
                   pl.BlockSpec((_RB, D), lambda i: (i, 0)),
                   pl.BlockSpec((_RB, D), lambda i: (i, 0))],
        out_shape=[jax.ShapeDtypeStruct((N, H), F32),
                   jax.ShapeDtypeStruct((N, H), F32),
                   jax.ShapeDtypeStruct((N, D), F32),
                   jax.ShapeDtypeStruct((N, D), F32)],
    )(x_s, x_v, a_sv, c_v, a_vs, c_s, Wsi, bsi, Wvi, bvi,
      W1svl, b1svl, W1svr, W1vsl, b1vsl, W1vsr, W2svl, W2vsl)


def _layer2_body(a2v, c_v, hv1, a2s, c_s, hs1,
                 b2svl, W2svr, b2vsl, W2vsr, hv2_o, hs2_o):
    dot = functools.partial(jnp.dot, preferred_element_type=F32)
    m2v = a2v[:] / jnp.maximum(c_v[:, :1], 1.0)
    m2s = a2s[:] / jnp.maximum(c_s[:, :1], 1.0)
    hv2_o[:] = jnp.maximum(m2v + b2svl[:] + dot(hv1[:], W2svr[:]), 0.0)
    hs2_o[:] = jnp.maximum(m2s + b2vsl[:] + dot(hs1[:], W2vsr[:]), 0.0)


def _layer2_call(a2v, c_v, hv1, a2s, c_s, hs1, b2svl, W2svr, b2vsl, W2vsr):
    g = N // _RB
    row = pl.BlockSpec((_RB, D), lambda i: (i, 0))
    hrow = pl.BlockSpec((_RB, H), lambda i: (i, 0))
    full = lambda a: pl.BlockSpec(a.shape, lambda i: tuple(0 for _ in a.shape))
    return pl.pallas_call(
        _layer2_body,
        grid=(g,),
        in_specs=[row, row, hrow, row, row, hrow,
                  full(b2svl), full(W2svr), full(b2vsl), full(W2vsr)],
        out_specs=[pl.BlockSpec((_RB, D), lambda i: (i, 0)),
                   pl.BlockSpec((_RB, D), lambda i: (i, 0))],
        out_shape=[jax.ShapeDtypeStruct((N, D), F32),
                   jax.ShapeDtypeStruct((N, D), F32)],
    )(a2v, c_v, hv1, a2s, c_s, hs1, b2svl, W2svr, b2vsl, W2vsr)


_DB = 2048


def _decoder_body(zs, zv, Wd1a, Wd1b, bd1, Wd2, bd2, Wd3, bd3, out_o):
    dot = functools.partial(jnp.dot, preferred_element_type=F32)
    z = jnp.maximum(dot(zs[:], Wd1a[:]) + dot(zv[:], Wd1b[:]) + bd1[:], 0.0)
    z = jnp.maximum(dot(z, Wd2[:]) + bd2[:], 0.0)
    out_o[:] = jax.nn.sigmoid(dot(z, Wd3[:]) + bd3[:])


def _decoder_call(zs, zv, Wd1a, Wd1b, bd1, Wd2, bd2, Wd3, bd3):
    g = B // _DB
    row = pl.BlockSpec((_DB, D), lambda i: (i, 0))
    full = lambda a: pl.BlockSpec(a.shape, lambda i: tuple(0 for _ in a.shape))
    return pl.pallas_call(
        _decoder_body,
        grid=(g,),
        in_specs=[row, row, full(Wd1a), full(Wd1b), full(bd1),
                  full(Wd2), full(bd2), full(Wd3), full(bd3)],
        out_specs=pl.BlockSpec((_DB, 1), lambda i: (i, 0)),
        out_shape=jax.ShapeDtypeStruct((B, 1), F32),
    )(zs, zv, Wd1a, Wd1b, bd1, Wd2, bd2, Wd3, bd3)



def kernel(x_site, x_vendor, edge_index, edge_label_index,
           W_site_in, b_site_in, W_vendor_in, b_vendor_in,
           W1sv_l, b1sv_l, W1sv_r, W1vs_l, b1vs_l, W1vs_r,
           W2sv_l, b2sv_l, W2sv_r, W2vs_l, b2vs_l, W2vs_r,
           Wd1, bd1, Wd2, bd2, Wd3, bd3):
    pad_g = jnp.zeros((SLOTS - E,), jnp.int32)
    pad_s = jnp.full((SLOTS - E,), NP - 1, jnp.int32)

    def chunk_g(a):
        a = a.reshape(NT, NCH, CH)
        return jnp.concatenate([a, jnp.zeros((NT, 1, CH), jnp.int32)], axis=1)

    s = chunk_g(jnp.concatenate([edge_index[0], pad_g]))
    v = chunk_g(jnp.concatenate([edge_index[1], pad_g]))
    s_sc = jnp.concatenate([edge_index[0], pad_s]).reshape(NT, NCH, CH)
    v_sc = jnp.concatenate([edge_index[1], pad_s]).reshape(NT, NCH, CH)
    eli0 = edge_label_index[0]
    eli1 = edge_label_index[1]

    z128 = jnp.zeros((ROWS_PER_TILE, D), F32)
    ones128 = jnp.ones((CH, D), F32)

    cnt_v, cnt_s = _sc_counts(v_sc, s_sc, z128, ones128)

    cslice = cnt_v[:ROWS_PER_TILE, :D]
    z128a = jnp.where(cslice < 0.0, cslice, z128)

    agg_sv, agg_vs = _sc_aggregate(x_site, x_vendor, s, v_sc, v, s_sc, z128a)

    r = lambda b: b.reshape(1, -1)
    hv1, hs1, p_sv, p_vs = _layer1_call(
        x_site, x_vendor, agg_sv, cnt_v, agg_vs, cnt_s,
        W_site_in, r(b_site_in), W_vendor_in, r(b_vendor_in),
        W1sv_l, r(b1sv_l), W1sv_r, W1vs_l, r(b1vs_l), W1vs_r,
        W2sv_l, W2vs_l)

    agg2_v, agg2_s = _sc_aggregate(p_sv, p_vs, s, v_sc, v, s_sc, z128)

    hv2, hs2 = _layer2_call(agg2_v, cnt_v, hv1, agg2_s, cnt_s, hs1,
                            r(b2sv_l), W2sv_r, r(b2vs_l), W2vs_r)

    zs, zv = _decoder_gather(hs2, hv2, eli0, eli1)

    return _decoder_call(zs, zv, Wd1[:D], Wd1[D:], r(bd1),
                         Wd2, r(bd2), Wd3, r(bd3))

# --- scband reference (transcript-rebuilt; emitter-appended) ---
"""Pipeline reference for scband-bipartite-gnn-7026566496900 (READ-ONLY COPY).

The authoritative reference and input builder live on the scoring server;
editing this copy changes nothing except your own understanding.
"""

import jax, jax.numpy as jnp
import numpy as np

N_SITE = 10000
N_VENDOR = 10000
E = 160000
B = 16384
D_IN = 128
H = 256
D_OUT = 128


def setup_inputs(seed: int = 0) -> dict:
    key = jax.random.key(seed)
    ks = jax.random.split(key, 32)

    def g(i, shape, scale=0.05):
        return jax.random.normal(ks[i], shape, dtype=jnp.float32) * scale

    inp = {
        "x_site": jax.random.normal(ks[0], (N_SITE, D_IN), dtype=jnp.float32),
        "x_vendor": jax.random.normal(ks[1], (N_VENDOR, D_IN), dtype=jnp.float32),
        "edge_index": jax.random.randint(ks[2], (2, E), 0, N_SITE, dtype=jnp.int32),
        "edge_label_index": jax.random.randint(ks[3], (2, B), 0, N_SITE, dtype=jnp.int32),
        # input projections
        "W_site_in": g(4, (D_IN, H)), "b_site_in": jnp.zeros((H,), jnp.float32),
        "W_vendor_in": g(5, (D_IN, H)), "b_vendor_in": jnp.zeros((H,), jnp.float32),
        # SAGEConv layer 1 (site->vendor) : lin_l (aggregated neighbors, with bias), lin_r (self, no bias)
        "W1sv_l": g(6, (H, H)), "b1sv_l": jnp.zeros((H,), jnp.float32), "W1sv_r": g(7, (H, H)),
        # SAGEConv layer 1 (vendor->site)
        "W1vs_l": g(8, (H, H)), "b1vs_l": jnp.zeros((H,), jnp.float32), "W1vs_r": g(9, (H, H)),
        # SAGEConv layer 2 (site->vendor)
        "W2sv_l": g(10, (H, D_OUT)), "b2sv_l": jnp.zeros((D_OUT,), jnp.float32), "W2sv_r": g(11, (H, D_OUT)),
        # SAGEConv layer 2 (vendor->site)
        "W2vs_l": g(12, (H, D_OUT)), "b2vs_l": jnp.zeros((D_OUT,), jnp.float32), "W2vs_r": g(13, (H, D_OUT)),
        # MLP decoder
        "Wd1": g(14, (2 * D_OUT, H)), "bd1": jnp.zeros((H,), jnp.float32),
        "Wd2": g(15, (H, H // 2)), "bd2": jnp.zeros((H // 2,), jnp.float32),
        "Wd3": g(16, (H // 2, 1)), "bd3": jnp.zeros((1,), jnp.float32),
    }
    return inp


def _sage(x_src, x_dst, src, dst, Wl, bl, Wr):
    # mean aggregation of source messages onto destination nodes (PyG SAGEConv, aggr='mean')
    agg = jax.ops.segment_sum(x_src[src], dst, num_segments=x_dst.shape[0])
    cnt = jax.ops.segment_sum(jnp.ones((src.shape[0],), x_src.dtype), dst, num_segments=x_dst.shape[0])
    mean = agg / jnp.maximum(cnt, 1.0)[:, None]
    return mean @ Wl + bl + x_dst @ Wr


def reference(x_site, x_vendor, edge_index, edge_label_index,
              W_site_in, b_site_in, W_vendor_in, b_vendor_in,
              W1sv_l, b1sv_l, W1sv_r, W1vs_l, b1vs_l, W1vs_r,
              W2sv_l, b2sv_l, W2sv_r, W2vs_l, b2vs_l, W2vs_r,
              Wd1, bd1, Wd2, bd2, Wd3, bd3):
    # input projections
    hs = x_site @ W_site_in + b_site_in
    hv = x_vendor @ W_vendor_in + b_vendor_in
    s, v = edge_index[0], edge_index[1]
    # layer 1 (dropout is identity at inference)
    hv1 = jax.nn.relu(_sage(hs, hv, s, v, W1sv_l, b1sv_l, W1sv_r))
    hs1 = jax.nn.relu(_sage(hv, hs, v, s, W1vs_l, b1vs_l, W1vs_r))
    # layer 2
    hv2 = jax.nn.relu(_sage(hs1, hv1, s, v, W2sv_l, b2sv_l, W2sv_r))
    hs2 = jax.nn.relu(_sage(hv1, hs1, v, s, W2vs_l, b2vs_l, W2vs_r))
    # decode link probabilities on edge_label_index
    zs = hs2[edge_label_index[0]]
    zv = hv2[edge_label_index[1]]
    z = jnp.concatenate([zs, zv], axis=-1)
    z = jax.nn.relu(z @ Wd1 + bd1)
    z = jax.nn.relu(z @ Wd2 + bd2)
    return jax.nn.sigmoid(z @ Wd3 + bd3)

if __name__ == "__main__":
    import jax
    _d = setup_inputs()
    print(jax.jit(kernel)(*tuple(_d.values())))

</pallas_src>

<mosaic_0001>
#map = affine_map<(d0, d1) -> (0, 0)>
#map1 = affine_map<(d0, d1) -> (0, 0, 0)>
module attributes {stable_mosaic.version = 14 : i64} {
  func.func @sc_segsum(%arg0: i32, %arg1: i32, %arg2: memref<10000x128xf32, #tpu.memory_space<hbm>>, %arg3: memref<10000x128xf32, #tpu.memory_space<hbm>>, %arg4: memref<16x81x128xi32, #tpu.memory_space<hbm>>, %arg5: memref<16x80x128xi32, #tpu.memory_space<hbm>>, %arg6: memref<16x81x128xi32, #tpu.memory_space<hbm>>, %arg7: memref<16x80x128xi32, #tpu.memory_space<hbm>>, %arg8: memref<640x128xf32, #tpu.memory_space<hbm>>, %arg9: memref<10240x128xf32, #tpu.memory_space<hbm>>, %arg10: memref<10240x128xf32, #tpu.memory_space<hbm>>, %arg11: memref<10240x128xf32, #tpu.memory_space<vmem_shared>>, %arg12: memref<1x128xi32, #tpu.memory_space<vmem>>, %arg13: memref<1x128xi32, #tpu.memory_space<vmem>>, %arg14: memref<128x128xf32, #tpu.memory_space<vmem>>) attributes {dimension_semantics = [#tpu.dimension_semantics<core_parallel>, #tpu.dimension_semantics<subcore_parallel>], iteration_bounds = array<i64: 2, 16>, scalar_prefetch = 0 : i64, scratch_operands = 4 : i64, tpu.core_type = #tpu.core_type<sc_vector_subcore>, window_params = [{transform_indices = #map}, {transform_indices = #map}, {transform_indices = #map1}, {transform_indices = #map1}, {transform_indices = #map1}, {transform_indices = #map1}, {transform_indices = #map}, {transform_indices = #map}, {transform_indices = #map}]} {
    %mul3A = arith.constant 640 : i32
    %mul3A_0 = arith.muli %arg1, %mul3A : i32
    "tpu.region"() ({
      %run_scoped3A = tpu.sem_alloc : memref<!tpu.dma_semaphore, #tpu.memory_space<semaphore_mem>>
      %dma_start3A = arith.constant 0 : i32
      %dma_start3A_19 = tpu.memref_slice %arg11[%mul3A_0, %dma_start3A] : memref<10240x128xf32, #tpu.memory_space<vmem_shared>> -> memref<640x128xf32, #tpu.memory_space<vmem_shared>>
      tpu.enqueue_dma source(%arg8 : memref<640x128xf32, #tpu.memory_space<hbm>>) target(%dma_start3A_19 : memref<640x128xf32, #tpu.memory_space<vmem_shared>>) target_semaphore(%run_scoped3A : memref<!tpu.dma_semaphore, #tpu.memory_space<semaphore_mem>>)
      %dma_wait3A = arith.constant 0 : i32
      %dma_wait3A_20 = tpu.memref_slice %arg11[%mul3A_0, %dma_wait3A] : memref<10240x128xf32, #tpu.memory_space<vmem_shared>> -> memref<640x128xf32, #tpu.memory_space<vmem_shared>>
      tpu.wait_dma2 semaphore(%run_scoped3A : memref<!tpu.dma_semaphore, #tpu.memory_space<semaphore_mem>>) src(%arg8 : memref<640x128xf32, #tpu.memory_space<hbm>>) dst(%dma_wait3A_20 : memref<640x128xf32, #tpu.memory_space<vmem_shared>>)
      tpu.yield
    }) : () -> ()
    %barrier3A = arith.constant 0 : index
    tpu.barrier barrier_id(%barrier3A)
    %eq3A = arith.constant 0 : i32
    %eq3A_1 = arith.cmpi eq, %arg0, %eq3A : i32
    %convert_element_type3A = arith.extui %eq3A_1 : i1 to i32
    %cond3A = arith.constant 0 : i32
    %cond3A_2 = arith.cmpi ne, %convert_element_type3A, %cond3A : i32
    scf.if %cond3A_2 {
      %scan3A = arith.constant 0 : i32
      %scan3A_19 = arith.constant 0 : i32
      %scan3A_20 = arith.constant 80 : i32
      %scan3A_21 = arith.addi %scan3A_19, %scan3A_20 : i32
      %scan3A_22 = arith.constant 1 : i32
      scf.for %scan3A_24 = %scan3A_19 to %scan3A_21 step %scan3A_22  : i32 {
        %run_scoped3A = arith.constant 0 : i32
        "tpu.region"() ({
          %run_scoped3A_28 = tpu.sem_alloc : memref<!tpu.dma_semaphore, #tpu.memory_space<semaphore_mem>>
          %dma_start3A = arith.constant 0 : i32
          %dma_start3A_29 = tpu.memref_slice %arg12[%run_scoped3A, %dma_start3A] : memref<1x128xi32, #tpu.memory_space<vmem>> -> memref<1x128xi32, #tpu.memory_space<vmem>>
          %dma_start3A_30 = tpu.memref_squeeze %dma_start3A_29 : memref<1x128xi32, #tpu.memory_space<vmem>> -> memref<128xi32, #tpu.memory_space<vmem>>
          %dma_start3A_31 = arith.constant 0 : i32
          %dma_start3A_32 = tpu.memref_slice %arg4[%arg1, %scan3A_24, %dma_start3A_31] : memref<16x81x128xi32, #tpu.memory_space<hbm>> -> memref<1x1x128xi32, #tpu.memory_space<hbm>>
          %dma_start3A_33 = tpu.memref_squeeze %dma_start3A_32 : memref<1x1x128xi32, #tpu.memory_space<hbm>> -> memref<128xi32, #tpu.memory_space<hbm>>
          %dma_start3A_34 = arith.constant 0 : i32
          %dma_start3A_35 = tpu.memref_slice %arg12[%run_scoped3A, %dma_start3A_34] : memref<1x128xi32, #tpu.memory_space<vmem>> -> memref<1x128xi32, #tpu.memory_space<vmem>>
          %dma_start3A_36 = tpu.memref_squeeze %dma_start3A_35 : memref<1x128xi32, #tpu.memory_space<vmem>> -> memref<128xi32, #tpu.memory_space<vmem>>
          %dma_start3A_37 = arith.constant 0 : i32
          %dma_start3A_38 = tpu.memref_slice %arg4[%arg1, %scan3A_24, %dma_start3A_37] : memref<16x81x128xi32, #tpu.memory_space<hbm>> -> memref<1x1x128xi32, #tpu.memory_space<hbm>>
          %dma_start3A_39 = tpu.memref_squeeze %dma_start3A_38 : memref<1x1x128xi32, #tpu.memory_space<hbm>> -> memref<128xi32, #tpu.memory_space<hbm>>
          tpu.enqueue_dma source(%dma_start3A_39 : memref<128xi32, #tpu.memory_space<hbm>>) target(%dma_start3A_36 : memref<128xi32, #tpu.memory_space<vmem>>) target_semaphore(%run_scoped3A_28 : memref<!tpu.dma_semaphore, #tpu.memory_space<semaphore_mem>>)
          %dma_wait3A = arith.constant 0 : i32
          %dma_wait3A_40 = tpu.memref_slice %arg12[%run_scoped3A, %dma_wait3A] : memref<1x128xi32, #tpu.memory_space<vmem>> -> memref<1x128xi32, #tpu.memory_space<vmem>>
          %dma_wait3A_41 = tpu.memref_squeeze %dma_wait3A_40 : memref<1x128xi32, #tpu.memory_space<vmem>> -> memref<128xi32, #tpu.memory_space<vmem>>
          %dma_wait3A_42 = arith.constant 0 : i32
          %dma_wait3A_43 = tpu.memref_slice %arg4[%arg1, %scan3A_24, %dma_wait3A_42] : memref<16x81x128xi32, #tpu.memory_space<hbm>> -> memref<1x1x128xi32, #tpu.memory_space<hbm>>
          %dma_wait3A_44 = tpu.memref_squeeze %dma_wait3A_43 : memref<1x1x128xi32, #tpu.memory_space<hbm>> -> memref<128xi32, #tpu.memory_space<hbm>>
          %dma_wait3A_45 = arith.constant 0 : i32
          %dma_wait3A_46 = tpu.memref_slice %arg12[%run_scoped3A, %dma_wait3A_45] : memref<1x128xi32, #tpu.memory_space<vmem>> -> memref<1x128xi32, #tpu.memory_space<vmem>>
          %dma_wait3A_47 = tpu.memref_squeeze %dma_wait3A_46 : memref<1x128xi32, #tpu.memory_space<vmem>> -> memref<128xi32, #tpu.memory_space<vmem>>
          %dma_wait3A_48 = arith.constant 0 : i32
          %dma_wait3A_49 = tpu.memref_slice %arg4[%arg1, %scan3A_24, %dma_wait3A_48] : memref<16x81x128xi32, #tpu.memory_space<hbm>> -> memref<1x1x128xi32, #tpu.memory_space<hbm>>
          %dma_wait3A_50 = tpu.memref_squeeze %dma_wait3A_49 : memref<1x1x128xi32, #tpu.memory_space<hbm>> -> memref<128xi32, #tpu.memory_space<hbm>>
          tpu.wait_dma2 semaphore(%run_scoped3A_28 : memref<!tpu.dma_semaphore, #tpu.memory_space<semaphore_mem>>) src(%dma_wait3A_50 : memref<128xi32, #tpu.memory_space<hbm>>) dst(%dma_wait3A_47 : memref<128xi32, #tpu.memory_space<vmem>>)
          tpu.yield
        }) : () -> ()
        %run_scoped3A_25 = arith.constant 0 : i32
        "tpu.region"() ({
          %run_scoped3A_28 = tpu.sem_alloc : memref<!tpu.dma_semaphore, #tpu.memory_space<semaphore_mem>>
          %dma_start3A = arith.constant 0 : i32
          %dma_start3A_29 = tpu.memref_slice %arg12[%run_scoped3A_25, %dma_start3A] : memref<1x128xi32, #tpu.memory_space<vmem>> -> memref<1x128xi32, #tpu.memory_space<vmem>>
          %dma_start3A_30 = tpu.memref_squeeze %dma_start3A_29 : memref<1x128xi32, #tpu.memory_space<vmem>> -> memref<128xi32, #tpu.memory_space<vmem>>
          %dma_start3A_31 = arith.constant 0 : i32
          %dma_start3A_32 = arith.constant 0 : i32
          %dma_start3A_33 = tpu.memref_slice %arg2[%dma_start3A_31, %dma_start3A_32] : memref<10000x128xf32, #tpu.memory_space<hbm>> -> memref<10000x128xf32, #tpu.memory_space<hbm>>
          tpu.enqueue_indirect_dma source(%dma_start3A_33 : memref<10000x128xf32, #tpu.memory_space<hbm>>) target(%arg14 : memref<128x128xf32, #tpu.memory_space<vmem>>) offsets(%dma_start3A_30 : memref<128xi32, #tpu.memory_space<vmem>>) semaphore(%run_scoped3A_28 : memref<!tpu.dma_semaphore, #tpu.memory_space<semaphore_mem>>)
          %dma_wait3A = arith.constant 0 : i32
          %dma_wait3A_34 = tpu.memref_slice %arg12[%run_scoped3A_25, %dma_wait3A] : memref<1x128xi32, #tpu.memory_space<vmem>> -> memref<1x128xi32, #tpu.memory_space<vmem>>
          %dma_wait3A_35 = tpu.memref_squeeze %dma_wait3A_34 : memref<1x128xi32, #tpu.memory_space<vmem>> -> memref<128xi32, #tpu.memory_space<vmem>>
          %dma_wait3A_36 = arith.constant 0 : i32
          %dma_wait3A_37 = arith.constant 0 : i32
          %dma_wait3A_38 = tpu.memref_slice %arg2[%dma_wait3A_36, %dma_wait3A_37] : memref<10000x128xf32, #tpu.memory_space<hbm>> -> memref<10000x128xf32, #tpu.memory_space<hbm>>
          tpu.wait_indirect_dma semaphore(%run_scoped3A_28 : memref<!tpu.dma_semaphore, #tpu.memory_space<semaphore_mem>>) src(%dma_wait3A_38 : memref<10000x128xf32, #tpu.memory_space<hbm>>) dst(%arg14 : memref<128x128xf32, #tpu.memory_space<vmem>>)
          tpu.yield
        }) : () -> ()
        %run_scoped3A_26 = arith.constant 0 : i32
        "tpu.region"() ({
          %run_scoped3A_28 = tpu.sem_alloc : memref<!tpu.dma_semaphore, #tpu.memory_space<semaphore_mem>>
          %dma_start3A = arith.constant 0 : i32
          %dma_start3A_29 = tpu.memref_slice %arg13[%run_scoped3A_26, %dma_start3A] : memref<1x128xi32, #tpu.memory_space<vmem>> -> memref<1x128xi32, #tpu.memory_space<vmem>>
          %dma_start3A_30 = tpu.memref_squeeze %dma_start3A_29 : memref<1x128xi32, #tpu.memory_space<vmem>> -> memref<128xi32, #tpu.memory_space<vmem>>
          %dma_start3A_31 = arith.constant 0 : i32
          %dma_start3A_32 = tpu.memref_slice %arg5[%arg1, %scan3A_24, %dma_start3A_31] : memref<16x80x128xi32, #tpu.memory_space<hbm>> -> memref<1x1x128xi32, #tpu.memory_space<hbm>>
          %dma_start3A_33 = tpu.memref_squeeze %dma_start3A_32 : memref<1x1x128xi32, #tpu.memory_space<hbm>> -> memref<128xi32, #tpu.memory_space<hbm>>
          %dma_start3A_34 = arith.constant 0 : i32
          %dma_start3A_35 = tpu.memref_slice %arg13[%run_scoped3A_26, %dma_start3A_34] : memref<1x128xi32, #tpu.memory_space<vmem>> -> memref<1x128xi32, #tpu.memory_space<vmem>>
          %dma_start3A_36 = tpu.memref_squeeze %dma_start3A_35 : memref<1x128xi32, #tpu.memory_space<vmem>> -> memref<128xi32, #tpu.memory_space<vmem>>
          %dma_start3A_37 = arith.constant 0 : i32
          %dma_start3A_38 = tpu.memref_slice %arg5[%arg1, %scan3A_24, %dma_start3A_37] : memref<16x80x128xi32, #tpu.memory_space<hbm>> -> memref<1x1x128xi32, #tpu.memory_space<hbm>>
          %dma_start3A_39 = tpu.memref_squeeze %dma_start3A_38 : memref<1x1x128xi32, #tpu.memory_space<hbm>> -> memref<128xi32, #tpu.memory_space<hbm>>
          tpu.enqueue_dma source(%dma_start3A_39 : memref<128xi32, #tpu.memory_space<hbm>>) target(%dma_start3A_36 : memref<128xi32, #tpu.memory_space<vmem>>) target_semaphore(%run_scoped3A_28 : memref<!tpu.dma_semaphore, #tpu.memory_space<semaphore_mem>>)
          %dma_wait3A = arith.constant 0 : i32
          %dma_wait3A_40 = tpu.memref_slice %arg13[%run_scoped3A_26, %dma_wait3A] : memref<1x128xi32, #tpu.memory_space<vmem>> -> memref<1x128xi32, #tpu.memory_space<vmem>>
          %dma_wait3A_41 = tpu.memref_squeeze %dma_wait3A_40 : memref<1x128xi32, #tpu.memory_space<vmem>> -> memref<128xi32, #tpu.memory_space<vmem>>
          %dma_wait3A_42 = arith.constant 0 : i32
          %dma_wait3A_43 = tpu.memref_slice %arg5[%arg1, %scan3A_24, %dma_wait3A_42] : memref<16x80x128xi32, #tpu.memory_space<hbm>> -> memref<1x1x128xi32, #tpu.memory_space<hbm>>
          %dma_wait3A_44 = tpu.memref_squeeze %dma_wait3A_43 : memref<1x1x128xi32, #tpu.memory_space<hbm>> -> memref<128xi32, #tpu.memory_space<hbm>>
          %dma_wait3A_45 = arith.constant 0 : i32
          %dma_wait3A_46 = tpu.memref_slice %arg13[%run_scoped3A_26, %dma_wait3A_45] : memref<1x128xi32, #tpu.memory_space<vmem>> -> memref<1x128xi32, #tpu.memory_space<vmem>>
          %dma_wait3A_47 = tpu.memref_squeeze %dma_wait3A_46 : memref<1x128xi32, #tpu.memory_space<vmem>> -> memref<128xi32, #tpu.memory_space<vmem>>
          %dma_wait3A_48 = arith.constant 0 : i32
          %dma_wait3A_49 = tpu.memref_slice %arg5[%arg1, %scan3A_24, %dma_wait3A_48] : memref<16x80x128xi32, #tpu.memory_space<hbm>> -> memref<1x1x128xi32, #tpu.memory_space<hbm>>
          %dma_wait3A_50 = tpu.memref_squeeze %dma_wait3A_49 : memref<1x1x128xi32, #tpu.memory_space<hbm>> -> memref<128xi32, #tpu.memory_space<hbm>>
          tpu.wait_dma2 semaphore(%run_scoped3A_28 : memref<!tpu.dma_semaphore, #tpu.memory_space<semaphore_mem>>) src(%dma_wait3A_50 : memref<128xi32, #tpu.memory_space<hbm>>) dst(%dma_wait3A_47 : memref<128xi32, #tpu.memory_space<vmem>>)
          tpu.yield
        }) : () -> ()
        %run_scoped3A_27 = arith.constant 0 : i32
        "tpu.region"() ({
          %run_scoped3A_28 = tpu.sem_alloc : memref<!tpu.dma_semaphore, #tpu.memory_space<semaphore_mem>>
          %dma_start3A = arith.constant 0 : i32
          %dma_start3A_29 = tpu.memref_slice %arg13[%run_scoped3A_27, %dma_start3A] : memref<1x128xi32, #tpu.memory_space<vmem>> -> memref<1x128xi32, #tpu.memory_space<vmem>>
          %dma_start3A_30 = tpu.memref_squeeze %dma_start3A_29 : memref<1x128xi32, #tpu.memory_space<vmem>> -> memref<128xi32, #tpu.memory_space<vmem>>
          %dma_start3A_31 = arith.constant 0 : i32
          %dma_start3A_32 = arith.constant 0 : i32
          %dma_start3A_33 = tpu.memref_slice %arg11[%dma_start3A_31, %dma_start3A_32] : memref<10240x128xf32, #tpu.memory_space<vmem_shared>> -> memref<10240x128xf32, #tpu.memory_space<vmem_shared>>
          tpu.enqueue_indirect_dma source(%arg14 : memref<128x128xf32, #tpu.memory_space<vmem>>) target(%dma_start3A_33 : memref<10240x128xf32, #tpu.memory_space<vmem_shared>>) offsets(%dma_start3A_30 : memref<128xi32, #tpu.memory_space<vmem>>) semaphore(%run_scoped3A_28 : memref<!tpu.dma_semaphore, #tpu.memory_space<semaphore_mem>>) {add = true}
          %dma_wait3A = arith.constant 0 : i32
          %dma_wait3A_34 = tpu.memref_slice %arg13[%run_scoped3A_27, %dma_wait3A] : memref<1x128xi32, #tpu.memory_space<vmem>> -> memref<1x128xi32, #tpu.memory_space<vmem>>
          %dma_wait3A_35 = tpu.memref_squeeze %dma_wait3A_34 : memref<1x128xi32, #tpu.memory_space<vmem>> -> memref<128xi32, #tpu.memory_space<vmem>>
          %dma_wait3A_36 = arith.constant 0 : i32
          %dma_wait3A_37 = arith.constant 0 : i32
          %dma_wait3A_38 = tpu.memref_slice %arg11[%dma_wait3A_36, %dma_wait3A_37] : memref<10240x128xf32, #tpu.memory_space<vmem_shared>> -> memref<10240x128xf32, #tpu.memory_space<vmem_shared>>
          tpu.wait_indirect_dma semaphore(%run_scoped3A_28 : memref<!tpu.dma_semaphore, #tpu.memory_space<semaphore_mem>>) src(%arg14 : memref<128x128xf32, #tpu.memory_space<vmem>>) dst(%dma_wait3A_38 : memref<10240x128xf32, #tpu.memory_space<vmem_shared>>)
          tpu.yield
        }) : () -> ()
      }
      %scan3A_23 = arith.constant 80 : i32
    } else {
    }
    %eq3A_3 = arith.constant 1 : i32
    %eq3A_4 = arith.cmpi eq, %arg0, %eq3A_3 : i32
    %convert_element_type3A_5 = arith.extui %eq3A_4 : i1 to i32
    %cond3A_6 = arith.constant 0 : i32
    %cond3A_7 = arith.cmpi ne, %convert_element_type3A_5, %cond3A_6 : i32
    scf.if %cond3A_7 {
      %scan3A = arith.constant 0 : i32
      %scan3A_19 = arith.constant 0 : i32
      %scan3A_20 = arith.constant 80 : i32
      %scan3A_21 = arith.addi %scan3A_19, %scan3A_20 : i32
      %scan3A_22 = arith.constant 1 : i32
      scf.for %scan3A_24 = %scan3A_19 to %scan3A_21 step %scan3A_22  : i32 {
        %run_scoped3A = arith.constant 0 : i32
        "tpu.region"() ({
          %run_scoped3A_28 = tpu.sem_alloc : memref<!tpu.dma_semaphore, #tpu.memory_space<semaphore_mem>>
          %dma_start3A = arith.constant 0 : i32
          %dma_start3A_29 = tpu.memref_slice %arg12[%run_scoped3A, %dma_start3A] : memref<1x128xi32, #tpu.memory_space<vmem>> -> memref<1x128xi32, #tpu.memory_space<vmem>>
          %dma_start3A_30 = tpu.memref_squeeze %dma_start3A_29 : memref<1x128xi32, #tpu.memory_space<vmem>> -> memref<128xi32, #tpu.memory_space<vmem>>
          %dma_start3A_31 = arith.constant 0 : i32
          %dma_start3A_32 = tpu.memref_slice %arg6[%arg1, %scan3A_24, %dma_start3A_31] : memref<16x81x128xi32, #tpu.memory_space<hbm>> -> memref<1x1x128xi32, #tpu.memory_space<hbm>>
          %dma_start3A_33 = tpu.memref_squeeze %dma_start3A_32 : memref<1x1x128xi32, #tpu.memory_space<hbm>> -> memref<128xi32, #tpu.memory_space<hbm>>
          %dma_start3A_34 = arith.constant 0 : i32
          %dma_start3A_35 = tpu.memref_slice %arg12[%run_scoped3A, %dma_start3A_34] : memref<1x128xi32, #tpu.memory_space<vmem>> -> memref<1x128xi32, #tpu.memory_space<vmem>>
          %dma_start3A_36 = tpu.memref_squeeze %dma_start3A_35 : memref<1x128xi32, #tpu.memory_space<vmem>> -> memref<128xi32, #tpu.memory_space<vmem>>
          %dma_start3A_37 = arith.constant 0 : i32
          %dma_start3A_38 = tpu.memref_slice %arg6[%arg1, %scan3A_24, %dma_start3A_37] : memref<16x81x128xi32, #tpu.memory_space<hbm>> -> memref<1x1x128xi32, #tpu.memory_space<hbm>>
          %dma_start3A_39 = tpu.memref_squeeze %dma_start3A_38 : memref<1x1x128xi32, #tpu.memory_space<hbm>> -> memref<128xi32, #tpu.memory_space<hbm>>
          tpu.enqueue_dma source(%dma_start3A_39 : memref<128xi32, #tpu.memory_space<hbm>>) target(%dma_start3A_36 : memref<128xi32, #tpu.memory_space<vmem>>) target_semaphore(%run_scoped3A_28 : memref<!tpu.dma_semaphore, #tpu.memory_space<semaphore_mem>>)
          %dma_wait3A = arith.constant 0 : i32
          %dma_wait3A_40 = tpu.memref_slice %arg12[%run_scoped3A, %dma_wait3A] : memref<1x128xi32, #tpu.memory_space<vmem>> -> memref<1x128xi32, #tpu.memory_space<vmem>>
          %dma_wait3A_41 = tpu.memref_squeeze %dma_wait3A_40 : memref<1x128xi32, #tpu.memory_space<vmem>> -> memref<128xi32, #tpu.memory_space<vmem>>
          %dma_wait3A_42 = arith.constant 0 : i32
          %dma_wait3A_43 = tpu.memref_slice %arg6[%arg1, %scan3A_24, %dma_wait3A_42] : memref<16x81x128xi32, #tpu.memory_space<hbm>> -> memref<1x1x128xi32, #tpu.memory_space<hbm>>
          %dma_wait3A_44 = tpu.memref_squeeze %dma_wait3A_43 : memref<1x1x128xi32, #tpu.memory_space<hbm>> -> memref<128xi32, #tpu.memory_space<hbm>>
          %dma_wait3A_45 = arith.constant 0 : i32
          %dma_wait3A_46 = tpu.memref_slice %arg12[%run_scoped3A, %dma_wait3A_45] : memref<1x128xi32, #tpu.memory_space<vmem>> -> memref<1x128xi32, #tpu.memory_space<vmem>>
          %dma_wait3A_47 = tpu.memref_squeeze %dma_wait3A_46 : memref<1x128xi32, #tpu.memory_space<vmem>> -> memref<128xi32, #tpu.memory_space<vmem>>
          %dma_wait3A_48 = arith.constant 0 : i32
          %dma_wait3A_49 = tpu.memref_slice %arg6[%arg1, %scan3A_24, %dma_wait3A_48] : memref<16x81x128xi32, #tpu.memory_space<hbm>> -> memref<1x1x128xi32, #tpu.memory_space<hbm>>
          %dma_wait3A_50 = tpu.memref_squeeze %dma_wait3A_49 : memref<1x1x128xi32, #tpu.memory_space<hbm>> -> memref<128xi32, #tpu.memory_space<hbm>>
          tpu.wait_dma2 semaphore(%run_scoped3A_28 : memref<!tpu.dma_semaphore, #tpu.memory_space<semaphore_mem>>) src(%dma_wait3A_50 : memref<128xi32, #tpu.memory_space<hbm>>) dst(%dma_wait3A_47 : memref<128xi32, #tpu.memory_space<vmem>>)
          tpu.yield
        }) : () -> ()
        %run_scoped3A_25 = arith.constant 0 : i32
        "tpu.region"() ({
          %run_scoped3A_28 = tpu.sem_alloc : memref<!tpu.dma_semaphore, #tpu.memory_space<semaphore_mem>>
          %dma_start3A = arith.constant 0 : i32
          %dma_start3A_29 = tpu.memref_slice %arg12[%run_scoped3A_25, %dma_start3A] : memref<1x128xi32, #tpu.memory_space<vmem>> -> memref<1x128xi32, #tpu.memory_space<vmem>>
          %dma_start3A_30 = tpu.memref_squeeze %dma_start3A_29 : memref<1x128xi32, #tpu.memory_space<vmem>> -> memref<128xi32, #tpu.memory_space<vmem>>
          %dma_start3A_31 = arith.constant 0 : i32
          %dma_start3A_32 = arith.constant 0 : i32
          %dma_start3A_33 = tpu.memref_slice %arg3[%dma_start3A_31, %dma_start3A_32] : memref<10000x128xf32, #tpu.memory_space<hbm>> -> memref<10000x128xf32, #tpu.memory_space<hbm>>
          tpu.enqueue_indirect_dma source(%dma_start3A_33 : memref<10000x128xf32, #tpu.memory_space<hbm>>) target(%arg14 : memref<128x128xf32, #tpu.memory_space<vmem>>) offsets(%dma_start3A_30 : memref<128xi32, #tpu.memory_space<vmem>>) semaphore(%run_scoped3A_28 : memref<!tpu.dma_semaphore, #tpu.memory_space<semaphore_mem>>)
          %dma_wait3A = arith.constant 0 : i32
          %dma_wait3A_34 = tpu.memref_slice %arg12[%run_scoped3A_25, %dma_wait3A] : memref<1x128xi32, #tpu.memory_space<vmem>> -> memref<1x128xi32, #tpu.memory_space<vmem>>
          %dma_wait3A_35 = tpu.memref_squeeze %dma_wait3A_34 : memref<1x128xi32, #tpu.memory_space<vmem>> -> memref<128xi32, #tpu.memory_space<vmem>>
          %dma_wait3A_36 = arith.constant 0 : i32
          %dma_wait3A_37 = arith.constant 0 : i32
          %dma_wait3A_38 = tpu.memref_slice %arg3[%dma_wait3A_36, %dma_wait3A_37] : memref<10000x128xf32, #tpu.memory_space<hbm>> -> memref<10000x128xf32, #tpu.memory_space<hbm>>
          tpu.wait_indirect_dma semaphore(%run_scoped3A_28 : memref<!tpu.dma_semaphore, #tpu.memory_space<semaphore_mem>>) src(%dma_wait3A_38 : memref<10000x128xf32, #tpu.memory_space<hbm>>) dst(%arg14 : memref<128x128xf32, #tpu.memory_space<vmem>>)
          tpu.yield
        }) : () -> ()
        %run_scoped3A_26 = arith.constant 0 : i32
        "tpu.region"() ({
          %run_scoped3A_28 = tpu.sem_alloc : memref<!tpu.dma_semaphore, #tpu.memory_space<semaphore_mem>>
          %dma_start3A = arith.constant 0 : i32
          %dma_start3A_29 = tpu.memref_slice %arg13[%run_scoped3A_26, %dma_start3A] : memref<1x128xi32, #tpu.memory_space<vmem>> -> memref<1x128xi32, #tpu.memory_space<vmem>>
          %dma_start3A_30 = tpu.memref_squeeze %dma_start3A_29 : memref<1x128xi32, #tpu.memory_space<vmem>> -> memref<128xi32, #tpu.memory_space<vmem>>
          %dma_start3A_31 = arith.constant 0 : i32
          %dma_start3A_32 = tpu.memref_slice %arg7[%arg1, %scan3A_24, %dma_start3A_31] : memref<16x80x128xi32, #tpu.memory_space<hbm>> -> memref<1x1x128xi32, #tpu.memory_space<hbm>>
          %dma_start3A_33 = tpu.memref_squeeze %dma_start3A_32 : memref<1x1x128xi32, #tpu.memory_space<hbm>> -> memref<128xi32, #tpu.memory_space<hbm>>
          %dma_start3A_34 = arith.constant 0 : i32
          %dma_start3A_35 = tpu.memref_slice %arg13[%run_scoped3A_26, %dma_start3A_34] : memref<1x128xi32, #tpu.memory_space<vmem>> -> memref<1x128xi32, #tpu.memory_space<vmem>>
          %dma_start3A_36 = tpu.memref_squeeze %dma_start3A_35 : memref<1x128xi32, #tpu.memory_space<vmem>> -> memref<128xi32, #tpu.memory_space<vmem>>
          %dma_start3A_37 = arith.constant 0 : i32
          %dma_start3A_38 = tpu.memref_slice %arg7[%arg1, %scan3A_24, %dma_start3A_37] : memref<16x80x128xi32, #tpu.memory_space<hbm>> -> memref<1x1x128xi32, #tpu.memory_space<hbm>>
          %dma_start3A_39 = tpu.memref_squeeze %dma_start3A_38 : memref<1x1x128xi32, #tpu.memory_space<hbm>> -> memref<128xi32, #tpu.memory_space<hbm>>
          tpu.enqueue_dma source(%dma_start3A_39 : memref<128xi32, #tpu.memory_space<hbm>>) target(%dma_start3A_36 : memref<128xi32, #tpu.memory_space<vmem>>) target_semaphore(%run_scoped3A_28 : memref<!tpu.dma_semaphore, #tpu.memory_space<semaphore_mem>>)
          %dma_wait3A = arith.constant 0 : i32
          %dma_wait3A_40 = tpu.memref_slice %arg13[%run_scoped3A_26, %dma_wait3A] : memref<1x128xi32, #tpu.memory_space<vmem>> -> memref<1x128xi32, #tpu.memory_space<vmem>>
          %dma_wait3A_41 = tpu.memref_squeeze %dma_wait3A_40 : memref<1x128xi32, #tpu.memory_space<vmem>> -> memref<128xi32, #tpu.memory_space<vmem>>
          %dma_wait3A_42 = arith.constant 0 : i32
          %dma_wait3A_43 = tpu.memref_slice %arg7[%arg1, %scan3A_24, %dma_wait3A_42] : memref<16x80x128xi32, #tpu.memory_space<hbm>> -> memref<1x1x128xi32, #tpu.memory_space<hbm>>
          %dma_wait3A_44 = tpu.memref_squeeze %dma_wait3A_43 : memref<1x1x128xi32, #tpu.memory_space<hbm>> -> memref<128xi32, #tpu.memory_space<hbm>>
          %dma_wait3A_45 = arith.constant 0 : i32
          %dma_wait3A_46 = tpu.memref_slice %arg13[%run_scoped3A_26, %dma_wait3A_45] : memref<1x128xi32, #tpu.memory_space<vmem>> -> memref<1x128xi32, #tpu.memory_space<vmem>>
          %dma_wait3A_47 = tpu.memref_squeeze %dma_wait3A_46 : memref<1x128xi32, #tpu.memory_space<vmem>> -> memref<128xi32, #tpu.memory_space<vmem>>
          %dma_wait3A_48 = arith.constant 0 : i32
          %dma_wait3A_49 = tpu.memref_slice %arg7[%arg1, %scan3A_24, %dma_wait3A_48] : memref<16x80x128xi32, #tpu.memory_space<hbm>> -> memref<1x1x128xi32, #tpu.memory_space<hbm>>
          %dma_wait3A_50 = tpu.memref_squeeze %dma_wait3A_49 : memref<1x1x128xi32, #tpu.memory_space<hbm>> -> memref<128xi32, #tpu.memory_space<hbm>>
          tpu.wait_dma2 semaphore(%run_scoped3A_28 : memref<!tpu.dma_semaphore, #tpu.memory_space<semaphore_mem>>) src(%dma_wait3A_50 : memref<128xi32, #tpu.memory_space<hbm>>) dst(%dma_wait3A_47 : memref<128xi32, #tpu.memory_space<vmem>>)
          tpu.yield
        }) : () -> ()
        %run_scoped3A_27 = arith.constant 0 : i32
        "tpu.region"() ({
          %run_scoped3A_28 = tpu.sem_alloc : memref<!tpu.dma_semaphore, #tpu.memory_space<semaphore_mem>>
          %dma_start3A = arith.constant 0 : i32
          %dma_start3A_29 = tpu.memref_slice %arg13[%run_scoped3A_27, %dma_start3A] : memref<1x128xi32, #tpu.memory_space<vmem>> -> memref<1x128xi32, #tpu.memory_space<vmem>>
          %dma_start3A_30 = tpu.memref_squeeze %dma_start3A_29 : memref<1x128xi32, #tpu.memory_space<vmem>> -> memref<128xi32, #tpu.memory_space<vmem>>
          %dma_start3A_31 = arith.constant 0 : i32
          %dma_start3A_32 = arith.constant 0 : i32
          %dma_start3A_33 = tpu.memref_slice %arg11[%dma_start3A_31, %dma_start3A_32] : memref<10240x128xf32, #tpu.memory_space<vmem_shared>> -> memref<10240x128xf32, #tpu.memory_space<vmem_shared>>
          tpu.enqueue_indirect_dma source(%arg14 : memref<128x128xf32, #tpu.memory_space<vmem>>) target(%dma_start3A_33 : memref<10240x128xf32, #tpu.memory_space<vmem_shared>>) offsets(%dma_start3A_30 : memref<128xi32, #tpu.memory_space<vmem>>) semaphore(%run_scoped3A_28 : memref<!tpu.dma_semaphore, #tpu.memory_space<semaphore_mem>>) {add = true}
          %dma_wait3A = arith.constant 0 : i32
          %dma_wait3A_34 = tpu.memref_slice %arg13[%run_scoped3A_27, %dma_wait3A] : memref<1x128xi32, #tpu.memory_space<vmem>> -> memref<1x128xi32, #tpu.memory_space<vmem>>
          %dma_wait3A_35 = tpu.memref_squeeze %dma_wait3A_34 : memref<1x128xi32, #tpu.memory_space<vmem>> -> memref<128xi32, #tpu.memory_space<vmem>>
          %dma_wait3A_36 = arith.constant 0 : i32
          %dma_wait3A_37 = arith.constant 0 : i32
          %dma_wait3A_38 = tpu.memref_slice %arg11[%dma_wait3A_36, %dma_wait3A_37] : memref<10240x128xf32, #tpu.memory_space<vmem_shared>> -> memref<10240x128xf32, #tpu.memory_space<vmem_shared>>
          tpu.wait_indirect_dma semaphore(%run_scoped3A_28 : memref<!tpu.dma_semaphore, #tpu.memory_space<semaphore_mem>>) src(%arg14 : memref<128x128xf32, #tpu.memory_space<vmem>>) dst(%dma_wait3A_38 : memref<10240x128xf32, #tpu.memory_space<vmem_shared>>)
          tpu.yield
        }) : () -> ()
      }
      %scan3A_23 = arith.constant 80 : i32
    } else {
    }
    %barrier3A_8 = arith.constant 0 : index
    tpu.barrier barrier_id(%barrier3A_8)
    %eq3A_9 = arith.constant 0 : i32
    %eq3A_10 = arith.cmpi eq, %arg0, %eq3A_9 : i32
    %convert_element_type3A_11 = arith.extui %eq3A_10 : i1 to i32
    %cond3A_12 = arith.constant 0 : i32
    %cond3A_13 = arith.cmpi ne, %convert_element_type3A_11, %cond3A_12 : i32
    scf.if %cond3A_13 {
      "tpu.region"() ({
        %run_scoped3A = tpu.sem_alloc : memref<!tpu.dma_semaphore, #tpu.memory_space<semaphore_mem>>
        %dma_start3A = arith.constant 0 : i32
        %dma_start3A_19 = tpu.memref_slice %arg9[%mul3A_0, %dma_start3A] : memref<10240x128xf32, #tpu.memory_space<hbm>> -> memref<640x128xf32, #tpu.memory_space<hbm>>
        %dma_start3A_20 = arith.constant 0 : i32
        %dma_start3A_21 = tpu.memref_slice %arg11[%mul3A_0, %dma_start3A_20] : memref<10240x128xf32, #tpu.memory_space<vmem_shared>> -> memref<640x128xf32, #tpu.memory_space<vmem_shared>>
        tpu.enqueue_dma source(%dma_start3A_21 : memref<640x128xf32, #tpu.memory_space<vmem_shared>>) target(%dma_start3A_19 : memref<640x128xf32, #tpu.memory_space<hbm>>) target_semaphore(%run_scoped3A : memref<!tpu.dma_semaphore, #tpu.memory_space<semaphore_mem>>)
        %dma_wait3A = arith.constant 0 : i32
        %dma_wait3A_22 = tpu.memref_slice %arg9[%mul3A_0, %dma_wait3A] : memref<10240x128xf32, #tpu.memory_space<hbm>> -> memref<640x128xf32, #tpu.memory_space<hbm>>
        %dma_wait3A_23 = arith.constant 0 : i32
        %dma_wait3A_24 = tpu.memref_slice %arg11[%mul3A_0, %dma_wait3A_23] : memref<10240x128xf32, #tpu.memory_space<vmem_shared>> -> memref<640x128xf32, #tpu.memory_space<vmem_shared>>
        tpu.wait_dma2 semaphore(%run_scoped3A : memref<!tpu.dma_semaphore, #tpu.memory_space<semaphore_mem>>) src(%dma_wait3A_24 : memref<640x128xf32, #tpu.memory_space<vmem_shared>>) dst(%dma_wait3A_22 : memref<640x128xf32, #tpu.memory_space<hbm>>)
        tpu.yield
      }) : () -> ()
    } else {
    }
    %eq3A_14 = arith.constant 1 : i32
    %eq3A_15 = arith.cmpi eq, %arg0, %eq3A_14 : i32
    %convert_element_type3A_16 = arith.extui %eq3A_15 : i1 to i32
    %cond3A_17 = arith.constant 0 : i32
    %cond3A_18 = arith.cmpi ne, %convert_element_type3A_16, %cond3A_17 : i32
    scf.if %cond3A_18 {
      "tpu.region"() ({
        %run_scoped3A = tpu.sem_alloc : memref<!tpu.dma_semaphore, #tpu.memory_space<semaphore_mem>>
        %dma_start3A = arith.constant 0 : i32
        %dma_start3A_19 = tpu.memref_slice %arg10[%mul3A_0, %dma_start3A] : memref<10240x128xf32, #tpu.memory_space<hbm>> -> memref<640x128xf32, #tpu.memory_space<hbm>>
        %dma_start3A_20 = arith.constant 0 : i32
        %dma_start3A_21 = tpu.memref_slice %arg11[%mul3A_0, %dma_start3A_20] : memref<10240x128xf32, #tpu.memory_space<vmem_shared>> -> memref<640x128xf32, #tpu.memory_space<vmem_shared>>
        tpu.enqueue_dma source(%dma_start3A_21 : memref<640x128xf32, #tpu.memory_space<vmem_shared>>) target(%dma_start3A_19 : memref<640x128xf32, #tpu.memory_space<hbm>>) target_semaphore(%run_scoped3A : memref<!tpu.dma_semaphore, #tpu.memory_space<semaphore_mem>>)
        %dma_wait3A = arith.constant 0 : i32
        %dma_wait3A_22 = tpu.memref_slice %arg10[%mul3A_0, %dma_wait3A] : memref<10240x128xf32, #tpu.memory_space<hbm>> -> memref<640x128xf32, #tpu.memory_space<hbm>>
        %dma_wait3A_23 = arith.constant 0 : i32
        %dma_wait3A_24 = tpu.memref_slice %arg11[%mul3A_0, %dma_wait3A_23] : memref<10240x128xf32, #tpu.memory_space<vmem_shared>> -> memref<640x128xf32, #tpu.memory_space<vmem_shared>>
        tpu.wait_dma2 semaphore(%run_scoped3A : memref<!tpu.dma_semaphore, #tpu.memory_space<semaphore_mem>>) src(%dma_wait3A_24 : memref<640x128xf32, #tpu.memory_space<vmem_shared>>) dst(%dma_wait3A_22 : memref<640x128xf32, #tpu.memory_space<hbm>>)
        tpu.yield
      }) : () -> ()
    } else {
    }
    return
  }
}

#map = affine_map<(d0, d1) -> (0, 0)>
#map1 = affine_map<(d0, d1) -> (0)>
module attributes {stable_mosaic.version = 14 : i64} {
  func.func @sc_decoder_gather(%arg0: i32, %arg1: i32, %arg2: memref<10000x128xf32, #tpu.memory_space<hbm>>, %arg3: memref<10000x128xf32, #tpu.memory_space<hbm>>, %arg4: memref<16384xi32, #tpu.memory_space<hbm>>, %arg5: memref<16384xi32, #tpu.memory_space<hbm>>, %arg6: memref<16384x128xf32, #tpu.memory_space<hbm>>, %arg7: memref<16384x128xf32, #tpu.memory_space<hbm>>, %arg8: memref<128xi32, #tpu.memory_space<vmem>>, %arg9: memref<128x128xf32, #tpu.memory_space<vmem>>, %arg10: memref<!tpu.dma_semaphore, #tpu.memory_space<semaphore_mem>>) attributes {dimension_semantics = [#tpu.dimension_semantics<core_parallel>, #tpu.dimension_semantics<subcore_parallel>], iteration_bounds = array<i64: 2, 16>, scalar_prefetch = 0 : i64, scratch_operands = 3 : i64, tpu.core_type = #tpu.core_type<sc_vector_subcore>, window_params = [{transform_indices = #map}, {transform_indices = #map}, {transform_indices = #map1}, {transform_indices = #map1}, {transform_indices = #map}, {transform_indices = #map}]} {
    %eq3A = arith.constant 0 : i32
    %eq3A_0 = arith.cmpi eq, %arg0, %eq3A : i32
    %convert_element_type3A = arith.extui %eq3A_0 : i1 to i32
    %cond3A = arith.constant 0 : i32
    %cond3A_1 = arith.cmpi ne, %convert_element_type3A, %cond3A : i32
    scf.if %cond3A_1 {
      %scan3A = arith.constant 0 : i32
      %scan3A_7 = arith.constant 0 : i32
      %scan3A_8 = arith.constant 8 : i32
      %scan3A_9 = arith.addi %scan3A_7, %scan3A_8 : i32
      %scan3A_10 = arith.constant 1 : i32
      scf.for %scan3A_12 = %scan3A_7 to %scan3A_9 step %scan3A_10  : i32 {
        %mul3A = arith.constant 8 : i32
        %mul3A_13 = arith.muli %arg1, %mul3A : i32
        %add3A = arith.addi %mul3A_13, %scan3A_12 : i32
        %mul3A_14 = arith.constant 128 : i32
        %mul3A_15 = arith.muli %add3A, %mul3A_14 : i32
        "tpu.region"() ({
          %run_scoped3A = tpu.sem_alloc : memref<!tpu.dma_semaphore, #tpu.memory_space<semaphore_mem>>
          %dma_start3A_20 = tpu.memref_slice %arg4[%mul3A_15] : memref<16384xi32, #tpu.memory_space<hbm>> -> memref<128xi32, #tpu.memory_space<hbm>>
          %dma_start3A_21 = tpu.memref_slice %arg4[%mul3A_15] : memref<16384xi32, #tpu.memory_space<hbm>> -> memref<128xi32, #tpu.memory_space<hbm>>
          tpu.enqueue_dma source(%dma_start3A_21 : memref<128xi32, #tpu.memory_space<hbm>>) target(%arg8 : memref<128xi32, #tpu.memory_space<vmem>>) target_semaphore(%run_scoped3A : memref<!tpu.dma_semaphore, #tpu.memory_space<semaphore_mem>>)
          %dma_wait3A_22 = tpu.memref_slice %arg4[%mul3A_15] : memref<16384xi32, #tpu.memory_space<hbm>> -> memref<128xi32, #tpu.memory_space<hbm>>
          %dma_wait3A_23 = tpu.memref_slice %arg4[%mul3A_15] : memref<16384xi32, #tpu.memory_space<hbm>> -> memref<128xi32, #tpu.memory_space<hbm>>
          tpu.wait_dma2 semaphore(%run_scoped3A : memref<!tpu.dma_semaphore, #tpu.memory_space<semaphore_mem>>) src(%dma_wait3A_23 : memref<128xi32, #tpu.memory_space<hbm>>) dst(%arg8 : memref<128xi32, #tpu.memory_space<vmem>>)
          tpu.yield
        }) : () -> ()
        %dma_start3A = arith.constant 0 : i32
        %dma_start3A_16 = arith.constant 0 : i32
        %dma_start3A_17 = tpu.memref_slice %arg2[%dma_start3A, %dma_start3A_16] : memref<10000x128xf32, #tpu.memory_space<hbm>> -> memref<10000x128xf32, #tpu.memory_space<hbm>>
        tpu.enqueue_indirect_dma source(%dma_start3A_17 : memref<10000x128xf32, #tpu.memory_space<hbm>>) target(%arg9 : memref<128x128xf32, #tpu.memory_space<vmem>>) offsets(%arg8 : memref<128xi32, #tpu.memory_space<vmem>>) semaphore(%arg10 : memref<!tpu.dma_semaphore, #tpu.memory_space<semaphore_mem>>)
        %dma_wait3A = arith.constant 0 : i32
        %dma_wait3A_18 = arith.constant 0 : i32
        %dma_wait3A_19 = tpu.memref_slice %arg2[%dma_wait3A, %dma_wait3A_18] : memref<10000x128xf32, #tpu.memory_space<hbm>> -> memref<10000x128xf32, #tpu.memory_space<hbm>>
        tpu.wait_indirect_dma semaphore(%arg10 : memref<!tpu.dma_semaphore, #tpu.memory_space<semaphore_mem>>) src(%dma_wait3A_19 : memref<10000x128xf32, #tpu.memory_space<hbm>>) dst(%arg9 : memref<128x128xf32, #tpu.memory_space<vmem>>)
        "tpu.region"() ({
          %run_scoped3A = tpu.sem_alloc : memref<!tpu.dma_semaphore, #tpu.memory_space<semaphore_mem>>
          %dma_start3A_20 = arith.constant 0 : i32
          %dma_start3A_21 = tpu.memref_slice %arg6[%mul3A_15, %dma_start3A_20] : memref<16384x128xf32, #tpu.memory_space<hbm>> -> memref<128x128xf32, #tpu.memory_space<hbm>>
          %dma_start3A_22 = arith.constant 0 : i32
          %dma_start3A_23 = tpu.memref_slice %arg6[%mul3A_15, %dma_start3A_22] : memref<16384x128xf32, #tpu.memory_space<hbm>> -> memref<128x128xf32, #tpu.memory_space<hbm>>
          tpu.enqueue_dma source(%arg9 : memref<128x128xf32, #tpu.memory_space<vmem>>) target(%dma_start3A_23 : memref<128x128xf32, #tpu.memory_space<hbm>>) target_semaphore(%run_scoped3A : memref<!tpu.dma_semaphore, #tpu.memory_space<semaphore_mem>>)
          %dma_wait3A_24 = arith.constant 0 : i32
          %dma_wait3A_25 = tpu.memref_slice %arg6[%mul3A_15, %dma_wait3A_24] : memref<16384x128xf32, #tpu.memory_space<hbm>> -> memref<128x128xf32, #tpu.memory_space<hbm>>
          %dma_wait3A_26 = arith.constant 0 : i32
          %dma_wait3A_27 = tpu.memref_slice %arg6[%mul3A_15, %dma_wait3A_26] : memref<16384x128xf32, #tpu.memory_space<hbm>> -> memref<128x128xf32, #tpu.memory_space<hbm>>
          tpu.wait_dma2 semaphore(%run_scoped3A : memref<!tpu.dma_semaphore, #tpu.memory_space<semaphore_mem>>) src(%arg9 : memref<128x128xf32, #tpu.memory_space<vmem>>) dst(%dma_wait3A_27 : memref<128x128xf32, #tpu.memory_space<hbm>>)
          tpu.yield
        }) : () -> ()
      }
      %scan3A_11 = arith.constant 8 : i32
    } else {
    }
    %eq3A_2 = arith.constant 1 : i32
    %eq3A_3 = arith.cmpi eq, %arg0, %eq3A_2 : i32
    %convert_element_type3A_4 = arith.extui %eq3A_3 : i1 to i32
    %cond3A_5 = arith.constant 0 : i32
    %cond3A_6 = arith.cmpi ne, %convert_element_type3A_4, %cond3A_5 : i32
    scf.if %cond3A_6 {
      %scan3A = arith.constant 0 : i32
      %scan3A_7 = arith.constant 0 : i32
      %scan3A_8 = arith.constant 8 : i32
      %scan3A_9 = arith.addi %scan3A_7, %scan3A_8 : i32
      %scan3A_10 = arith.constant 1 : i32
      scf.for %scan3A_12 = %scan3A_7 to %scan3A_9 step %scan3A_10  : i32 {
        %mul3A = arith.constant 8 : i32
        %mul3A_13 = arith.muli %arg1, %mul3A : i32
        %add3A = arith.addi %mul3A_13, %scan3A_12 : i32
        %mul3A_14 = arith.constant 128 : i32
        %mul3A_15 = arith.muli %add3A, %mul3A_14 : i32
        "tpu.region"() ({
          %run_scoped3A = tpu.sem_alloc : memref<!tpu.dma_semaphore, #tpu.memory_space<semaphore_mem>>
          %dma_start3A_20 = tpu.memref_slice %arg5[%mul3A_15] : memref<16384xi32, #tpu.memory_space<hbm>> -> memref<128xi32, #tpu.memory_space<hbm>>
          %dma_start3A_21 = tpu.memref_slice %arg5[%mul3A_15] : memref<16384xi32, #tpu.memory_space<hbm>> -> memref<128xi32, #tpu.memory_space<hbm>>
          tpu.enqueue_dma source(%dma_start3A_21 : memref<128xi32, #tpu.memory_space<hbm>>) target(%arg8 : memref<128xi32, #tpu.memory_space<vmem>>) target_semaphore(%run_scoped3A : memref<!tpu.dma_semaphore, #tpu.memory_space<semaphore_mem>>)
          %dma_wait3A_22 = tpu.memref_slice %arg5[%mul3A_15] : memref<16384xi32, #tpu.memory_space<hbm>> -> memref<128xi32, #tpu.memory_space<hbm>>
          %dma_wait3A_23 = tpu.memref_slice %arg5[%mul3A_15] : memref<16384xi32, #tpu.memory_space<hbm>> -> memref<128xi32, #tpu.memory_space<hbm>>
          tpu.wait_dma2 semaphore(%run_scoped3A : memref<!tpu.dma_semaphore, #tpu.memory_space<semaphore_mem>>) src(%dma_wait3A_23 : memref<128xi32, #tpu.memory_space<hbm>>) dst(%arg8 : memref<128xi32, #tpu.memory_space<vmem>>)
          tpu.yield
        }) : () -> ()
        %dma_start3A = arith.constant 0 : i32
        %dma_start3A_16 = arith.constant 0 : i32
        %dma_start3A_17 = tpu.memref_slice %arg3[%dma_start3A, %dma_start3A_16] : memref<10000x128xf32, #tpu.memory_space<hbm>> -> memref<10000x128xf32, #tpu.memory_space<hbm>>
        tpu.enqueue_indirect_dma source(%dma_start3A_17 : memref<10000x128xf32, #tpu.memory_space<hbm>>) target(%arg9 : memref<128x128xf32, #tpu.memory_space<vmem>>) offsets(%arg8 : memref<128xi32, #tpu.memory_space<vmem>>) semaphore(%arg10 : memref<!tpu.dma_semaphore, #tpu.memory_space<semaphore_mem>>)
        %dma_wait3A = arith.constant 0 : i32
        %dma_wait3A_18 = arith.constant 0 : i32
        %dma_wait3A_19 = tpu.memref_slice %arg3[%dma_wait3A, %dma_wait3A_18] : memref<10000x128xf32, #tpu.memory_space<hbm>> -> memref<10000x128xf32, #tpu.memory_space<hbm>>
        tpu.wait_indirect_dma semaphore(%arg10 : memref<!tpu.dma_semaphore, #tpu.memory_space<semaphore_mem>>) src(%dma_wait3A_19 : memref<10000x128xf32, #tpu.memory_space<hbm>>) dst(%arg9 : memref<128x128xf32, #tpu.memory_space<vmem>>)
        "tpu.region"() ({
          %run_scoped3A = tpu.sem_alloc : memref<!tpu.dma_semaphore, #tpu.memory_space<semaphore_mem>>
          %dma_start3A_20 = arith.constant 0 : i32
          %dma_start3A_21 = tpu.memref_slice %arg7[%mul3A_15, %dma_start3A_20] : memref<16384x128xf32, #tpu.memory_space<hbm>> -> memref<128x128xf32, #tpu.memory_space<hbm>>
          %dma_start3A_22 = arith.constant 0 : i32
          %dma_start3A_23 = tpu.memref_slice %arg7[%mul3A_15, %dma_start3A_22] : memref<16384x128xf32, #tpu.memory_space<hbm>> -> memref<128x128xf32, #tpu.memory_space<hbm>>
          tpu.enqueue_dma source(%arg9 : memref<128x128xf32, #tpu.memory_space<vmem>>) target(%dma_start3A_23 : memref<128x128xf32, #tpu.memory_space<hbm>>) target_semaphore(%run_scoped3A : memref<!tpu.dma_semaphore, #tpu.memory_space<semaphore_mem>>)
          %dma_wait3A_24 = arith.constant 0 : i32
          %dma_wait3A_25 = tpu.memref_slice %arg7[%mul3A_15, %dma_wait3A_24] : memref<16384x128xf32, #tpu.memory_space<hbm>> -> memref<128x128xf32, #tpu.memory_space<hbm>>
          %dma_wait3A_26 = arith.constant 0 : i32
          %dma_wait3A_27 = tpu.memref_slice %arg7[%mul3A_15, %dma_wait3A_26] : memref<16384x128xf32, #tpu.memory_space<hbm>> -> memref<128x128xf32, #tpu.memory_space<hbm>>
          tpu.wait_dma2 semaphore(%run_scoped3A : memref<!tpu.dma_semaphore, #tpu.memory_space<semaphore_mem>>) src(%arg9 : memref<128x128xf32, #tpu.memory_space<vmem>>) dst(%dma_wait3A_27 : memref<128x128xf32, #tpu.memory_space<hbm>>)
          tpu.yield
        }) : () -> ()
      }
      %scan3A_11 = arith.constant 8 : i32
    } else {
    }
    return
  }
}

#map = affine_map<(d0, d1) -> (0, 0, 0)>
#map1 = affine_map<(d0, d1) -> (0, 0)>
module attributes {stable_mosaic.version = 14 : i64} {
  func.func @sc_counts(%arg0: i32, %arg1: i32, %arg2: memref<16x80x128xi32, #tpu.memory_space<hbm>>, %arg3: memref<16x80x128xi32, #tpu.memory_space<hbm>>, %arg4: memref<640x128xf32, #tpu.memory_space<hbm>>, %arg5: memref<128x128xf32, #tpu.memory_space<hbm>>, %arg6: memref<10240x128xf32, #tpu.memory_space<hbm>>, %arg7: memref<10240x128xf32, #tpu.memory_space<hbm>>, %arg8: memref<10240x128xf32, #tpu.memory_space<vmem_shared>>, %arg9: memref<80x128xi32, #tpu.memory_space<vmem>>, %arg10: memref<128x128xf32, #tpu.memory_space<vmem>>) attributes {dimension_semantics = [#tpu.dimension_semantics<core_parallel>, #tpu.dimension_semantics<subcore_parallel>], iteration_bounds = array<i64: 2, 16>, scalar_prefetch = 0 : i64, scratch_operands = 3 : i64, tpu.core_type = #tpu.core_type<sc_vector_subcore>, window_params = [{transform_indices = #map}, {transform_indices = #map}, {transform_indices = #map1}, {transform_indices = #map1}, {transform_indices = #map1}, {transform_indices = #map1}]} {
    %mul3A = arith.constant 640 : i32
    %mul3A_0 = arith.muli %arg1, %mul3A : i32
    "tpu.region"() ({
      %run_scoped3A = tpu.sem_alloc : memref<!tpu.dma_semaphore, #tpu.memory_space<semaphore_mem>>
      %dma_start3A = arith.constant 0 : i32
      %dma_start3A_19 = tpu.memref_slice %arg8[%mul3A_0, %dma_start3A] : memref<10240x128xf32, #tpu.memory_space<vmem_shared>> -> memref<640x128xf32, #tpu.memory_space<vmem_shared>>
      tpu.enqueue_dma source(%arg4 : memref<640x128xf32, #tpu.memory_space<hbm>>) target(%dma_start3A_19 : memref<640x128xf32, #tpu.memory_space<vmem_shared>>) target_semaphore(%run_scoped3A : memref<!tpu.dma_semaphore, #tpu.memory_space<semaphore_mem>>)
      %dma_wait3A = arith.constant 0 : i32
      %dma_wait3A_20 = tpu.memref_slice %arg8[%mul3A_0, %dma_wait3A] : memref<10240x128xf32, #tpu.memory_space<vmem_shared>> -> memref<640x128xf32, #tpu.memory_space<vmem_shared>>
      tpu.wait_dma2 semaphore(%run_scoped3A : memref<!tpu.dma_semaphore, #tpu.memory_space<semaphore_mem>>) src(%arg4 : memref<640x128xf32, #tpu.memory_space<hbm>>) dst(%dma_wait3A_20 : memref<640x128xf32, #tpu.memory_space<vmem_shared>>)
      tpu.yield
    }) : () -> ()
    "tpu.region"() ({
      %run_scoped3A = tpu.sem_alloc : memref<!tpu.dma_semaphore, #tpu.memory_space<semaphore_mem>>
      tpu.enqueue_dma source(%arg5 : memref<128x128xf32, #tpu.memory_space<hbm>>) target(%arg10 : memref<128x128xf32, #tpu.memory_space<vmem>>) target_semaphore(%run_scoped3A : memref<!tpu.dma_semaphore, #tpu.memory_space<semaphore_mem>>)
      tpu.wait_dma2 semaphore(%run_scoped3A : memref<!tpu.dma_semaphore, #tpu.memory_space<semaphore_mem>>) src(%arg5 : memref<128x128xf32, #tpu.memory_space<hbm>>) dst(%arg10 : memref<128x128xf32, #tpu.memory_space<vmem>>)
      tpu.yield
    }) : () -> ()
    %barrier3A = arith.constant 0 : index
    tpu.barrier barrier_id(%barrier3A)
    %eq3A = arith.constant 0 : i32
    %eq3A_1 = arith.cmpi eq, %arg0, %eq3A : i32
    %convert_element_type3A = arith.extui %eq3A_1 : i1 to i32
    %cond3A = arith.constant 0 : i32
    %cond3A_2 = arith.cmpi ne, %convert_element_type3A, %cond3A : i32
    scf.if %cond3A_2 {
      "tpu.region"() ({
        %run_scoped3A = tpu.sem_alloc : memref<!tpu.dma_semaphore, #tpu.memory_space<semaphore_mem>>
        %dma_start3A = arith.constant 0 : i32
        %dma_start3A_24 = arith.constant 0 : i32
        %dma_start3A_25 = tpu.memref_slice %arg2[%arg1, %dma_start3A, %dma_start3A_24] : memref<16x80x128xi32, #tpu.memory_space<hbm>> -> memref<1x80x128xi32, #tpu.memory_space<hbm>>
        %dma_start3A_26 = tpu.memref_squeeze %dma_start3A_25 : memref<1x80x128xi32, #tpu.memory_space<hbm>> -> memref<80x128xi32, #tpu.memory_space<hbm>>
        %dma_start3A_27 = arith.constant 0 : i32
        %dma_start3A_28 = arith.constant 0 : i32
        %dma_start3A_29 = tpu.memref_slice %arg2[%arg1, %dma_start3A_27, %dma_start3A_28] : memref<16x80x128xi32, #tpu.memory_space<hbm>> -> memref<1x80x128xi32, #tpu.memory_space<hbm>>
        %dma_start3A_30 = tpu.memref_squeeze %dma_start3A_29 : memref<1x80x128xi32, #tpu.memory_space<hbm>> -> memref<80x128xi32, #tpu.memory_space<hbm>>
        tpu.enqueue_dma source(%dma_start3A_30 : memref<80x128xi32, #tpu.memory_space<hbm>>) target(%arg9 : memref<80x128xi32, #tpu.memory_space<vmem>>) target_semaphore(%run_scoped3A : memref<!tpu.dma_semaphore, #tpu.memory_space<semaphore_mem>>)
        %dma_wait3A = arith.constant 0 : i32
        %dma_wait3A_31 = arith.constant 0 : i32
        %dma_wait3A_32 = tpu.memref_slice %arg2[%arg1, %dma_wait3A, %dma_wait3A_31] : memref<16x80x128xi32, #tpu.memory_space<hbm>> -> memref<1x80x128xi32, #tpu.memory_space<hbm>>
        %dma_wait3A_33 = tpu.memref_squeeze %dma_wait3A_32 : memref<1x80x128xi32, #tpu.memory_space<hbm>> -> memref<80x128xi32, #tpu.memory_space<hbm>>
        %dma_wait3A_34 = arith.constant 0 : i32
        %dma_wait3A_35 = arith.constant 0 : i32
        %dma_wait3A_36 = tpu.memref_slice %arg2[%arg1, %dma_wait3A_34, %dma_wait3A_35] : memref<16x80x128xi32, #tpu.memory_space<hbm>> -> memref<1x80x128xi32, #tpu.memory_space<hbm>>
        %dma_wait3A_37 = tpu.memref_squeeze %dma_wait3A_36 : memref<1x80x128xi32, #tpu.memory_space<hbm>> -> memref<80x128xi32, #tpu.memory_space<hbm>>
        tpu.wait_dma2 semaphore(%run_scoped3A : memref<!tpu.dma_semaphore, #tpu.memory_space<semaphore_mem>>) src(%dma_wait3A_37 : memref<80x128xi32, #tpu.memory_space<hbm>>) dst(%arg9 : memref<80x128xi32, #tpu.memory_space<vmem>>)
        tpu.yield
      }) : () -> ()
      %scan3A = arith.constant 0 : i32
      %scan3A_19 = arith.constant 0 : i32
      %scan3A_20 = arith.constant 80 : i32
      %scan3A_21 = arith.addi %scan3A_19, %scan3A_20 : i32
      %scan3A_22 = arith.constant 1 : i32
      scf.for %scan3A_24 = %scan3A_19 to %scan3A_21 step %scan3A_22  : i32 {
        "tpu.region"() ({
          %run_scoped3A = tpu.sem_alloc : memref<!tpu.dma_semaphore, #tpu.memory_space<semaphore_mem>>
          %dma_start3A = arith.constant 0 : i32
          %dma_start3A_25 = tpu.memref_slice %arg9[%scan3A_24, %dma_start3A] : memref<80x128xi32, #tpu.memory_space<vmem>> -> memref<1x128xi32, #tpu.memory_space<vmem>>
          %dma_start3A_26 = tpu.memref_squeeze %dma_start3A_25 : memref<1x128xi32, #tpu.memory_space<vmem>> -> memref<128xi32, #tpu.memory_space<vmem>>
          %dma_start3A_27 = arith.constant 0 : i32
          %dma_start3A_28 = arith.constant 0 : i32
          %dma_start3A_29 = tpu.memref_slice %arg8[%dma_start3A_27, %dma_start3A_28] : memref<10240x128xf32, #tpu.memory_space<vmem_shared>> -> memref<10240x128xf32, #tpu.memory_space<vmem_shared>>
          tpu.enqueue_indirect_dma source(%arg10 : memref<128x128xf32, #tpu.memory_space<vmem>>) target(%dma_start3A_29 : memref<10240x128xf32, #tpu.memory_space<vmem_shared>>) offsets(%dma_start3A_26 : memref<128xi32, #tpu.memory_space<vmem>>) semaphore(%run_scoped3A : memref<!tpu.dma_semaphore, #tpu.memory_space<semaphore_mem>>) {add = true}
          %dma_wait3A = arith.constant 0 : i32
          %dma_wait3A_30 = tpu.memref_slice %arg9[%scan3A_24, %dma_wait3A] : memref<80x128xi32, #tpu.memory_space<vmem>> -> memref<1x128xi32, #tpu.memory_space<vmem>>
          %dma_wait3A_31 = tpu.memref_squeeze %dma_wait3A_30 : memref<1x128xi32, #tpu.memory_space<vmem>> -> memref<128xi32, #tpu.memory_space<vmem>>
          %dma_wait3A_32 = arith.constant 0 : i32
          %dma_wait3A_33 = arith.constant 0 : i32
          %dma_wait3A_34 = tpu.memref_slice %arg8[%dma_wait3A_32, %dma_wait3A_33] : memref<10240x128xf32, #tpu.memory_space<vmem_shared>> -> memref<10240x128xf32, #tpu.memory_space<vmem_shared>>
          tpu.wait_indirect_dma semaphore(%run_scoped3A : memref<!tpu.dma_semaphore, #tpu.memory_space<semaphore_mem>>) src(%arg10 : memref<128x128xf32, #tpu.memory_space<vmem>>) dst(%dma_wait3A_34 : memref<10240x128xf32, #tpu.memory_space<vmem_shared>>)
          tpu.yield
        }) : () -> ()
      }
      %scan3A_23 = arith.constant 80 : i32
    } else {
    }
    %eq3A_3 = arith.constant 1 : i32
    %eq3A_4 = arith.cmpi eq, %arg0, %eq3A_3 : i32
    %convert_element_type3A_5 = arith.extui %eq3A_4 : i1 to i32
    %cond3A_6 = arith.constant 0 : i32
    %cond3A_7 = arith.cmpi ne, %convert_element_type3A_5, %cond3A_6 : i32
    scf.if %cond3A_7 {
      "tpu.region"() ({
        %run_scoped3A = tpu.sem_alloc : memref<!tpu.dma_semaphore, #tpu.memory_space<semaphore_mem>>
        %dma_start3A = arith.constant 0 : i32
        %dma_start3A_24 = arith.constant 0 : i32
        %dma_start3A_25 = tpu.memref_slice %arg3[%arg1, %dma_start3A, %dma_start3A_24] : memref<16x80x128xi32, #tpu.memory_space<hbm>> -> memref<1x80x128xi32, #tpu.memory_space<hbm>>
        %dma_start3A_26 = tpu.memref_squeeze %dma_start3A_25 : memref<1x80x128xi32, #tpu.memory_space<hbm>> -> memref<80x128xi32, #tpu.memory_space<hbm>>
        %dma_start3A_27 = arith.constant 0 : i32
        %dma_start3A_28 = arith.constant 0 : i32
        %dma_start3A_29 = tpu.memref_slice %arg3[%arg1, %dma_start3A_27, %dma_start3A_28] : memref<16x80x128xi32, #tpu.memory_space<hbm>> -> memref<1x80x128xi32, #tpu.memory_space<hbm>>
        %dma_start3A_30 = tpu.memref_squeeze %dma_start3A_29 : memref<1x80x128xi32, #tpu.memory_space<hbm>> -> memref<80x128xi32, #tpu.memory_space<hbm>>
        tpu.enqueue_dma source(%dma_start3A_30 : memref<80x128xi32, #tpu.memory_space<hbm>>) target(%arg9 : memref<80x128xi32, #tpu.memory_space<vmem>>) target_semaphore(%run_scoped3A : memref<!tpu.dma_semaphore, #tpu.memory_space<semaphore_mem>>)
        %dma_wait3A = arith.constant 0 : i32
        %dma_wait3A_31 = arith.constant 0 : i32
        %dma_wait3A_32 = tpu.memref_slice %arg3[%arg1, %dma_wait3A, %dma_wait3A_31] : memref<16x80x128xi32, #tpu.memory_space<hbm>> -> memref<1x80x128xi32, #tpu.memory_space<hbm>>
        %dma_wait3A_33 = tpu.memref_squeeze %dma_wait3A_32 : memref<1x80x128xi32, #tpu.memory_space<hbm>> -> memref<80x128xi32, #tpu.memory_space<hbm>>
        %dma_wait3A_34 = arith.constant 0 : i32
        %dma_wait3A_35 = arith.constant 0 : i32
        %dma_wait3A_36 = tpu.memref_slice %arg3[%arg1, %dma_wait3A_34, %dma_wait3A_35] : memref<16x80x128xi32, #tpu.memory_space<hbm>> -> memref<1x80x128xi32, #tpu.memory_space<hbm>>
        %dma_wait3A_37 = tpu.memref_squeeze %dma_wait3A_36 : memref<1x80x128xi32, #tpu.memory_space<hbm>> -> memref<80x128xi32, #tpu.memory_space<hbm>>
        tpu.wait_dma2 semaphore(%run_scoped3A : memref<!tpu.dma_semaphore, #tpu.memory_space<semaphore_mem>>) src(%dma_wait3A_37 : memref<80x128xi32, #tpu.memory_space<hbm>>) dst(%arg9 : memref<80x128xi32, #tpu.memory_space<vmem>>)
        tpu.yield
      }) : () -> ()
      %scan3A = arith.constant 0 : i32
      %scan3A_19 = arith.constant 0 : i32
      %scan3A_20 = arith.constant 80 : i32
      %scan3A_21 = arith.addi %scan3A_19, %scan3A_20 : i32
      %scan3A_22 = arith.constant 1 : i32
      scf.for %scan3A_24 = %scan3A_19 to %scan3A_21 step %scan3A_22  : i32 {
        "tpu.region"() ({
          %run_scoped3A = tpu.sem_alloc : memref<!tpu.dma_semaphore, #tpu.memory_space<semaphore_mem>>
          %dma_start3A = arith.constant 0 : i32
          %dma_start3A_25 = tpu.memref_slice %arg9[%scan3A_24, %dma_start3A] : memref<80x128xi32, #tpu.memory_space<vmem>> -> memref<1x128xi32, #tpu.memory_space<vmem>>
          %dma_start3A_26 = tpu.memref_squeeze %dma_start3A_25 : memref<1x128xi32, #tpu.memory_space<vmem>> -> memref<128xi32, #tpu.memory_space<vmem>>
          %dma_start3A_27 = arith.constant 0 : i32
          %dma_start3A_28 = arith.constant 0 : i32
          %dma_start3A_29 = tpu.memref_slice %arg8[%dma_start3A_27, %dma_start3A_28] : memref<10240x128xf32, #tpu.memory_space<vmem_shared>> -> memref<10240x128xf32, #tpu.memory_space<vmem_shared>>
          tpu.enqueue_indirect_dma source(%arg10 : memref<128x128xf32, #tpu.memory_space<vmem>>) target(%dma_start3A_29 : memref<10240x128xf32, #tpu.memory_space<vmem_shared>>) offsets(%dma_start3A_26 : memref<128xi32, #tpu.memory_space<vmem>>) semaphore(%run_scoped3A : memref<!tpu.dma_semaphore, #tpu.memory_space<semaphore_mem>>) {add = true}
          %dma_wait3A = arith.constant 0 : i32
          %dma_wait3A_30 = tpu.memref_slice %arg9[%scan3A_24, %dma_wait3A] : memref<80x128xi32, #tpu.memory_space<vmem>> -> memref<1x128xi32, #tpu.memory_space<vmem>>
          %dma_wait3A_31 = tpu.memref_squeeze %dma_wait3A_30 : memref<1x128xi32, #tpu.memory_space<vmem>> -> memref<128xi32, #tpu.memory_space<vmem>>
          %dma_wait3A_32 = arith.constant 0 : i32
          %dma_wait3A_33 = arith.constant 0 : i32
          %dma_wait3A_34 = tpu.memref_slice %arg8[%dma_wait3A_32, %dma_wait3A_33] : memref<10240x128xf32, #tpu.memory_space<vmem_shared>> -> memref<10240x128xf32, #tpu.memory_space<vmem_shared>>
          tpu.wait_indirect_dma semaphore(%run_scoped3A : memref<!tpu.dma_semaphore, #tpu.memory_space<semaphore_mem>>) src(%arg10 : memref<128x128xf32, #tpu.memory_space<vmem>>) dst(%dma_wait3A_34 : memref<10240x128xf32, #tpu.memory_space<vmem_shared>>)
          tpu.yield
        }) : () -> ()
      }
      %scan3A_23 = arith.constant 80 : i32
    } else {
    }
    %barrier3A_8 = arith.constant 0 : index
    tpu.barrier barrier_id(%barrier3A_8)
    %eq3A_9 = arith.constant 0 : i32
    %eq3A_10 = arith.cmpi eq, %arg0, %eq3A_9 : i32
    %convert_element_type3A_11 = arith.extui %eq3A_10 : i1 to i32
    %cond3A_12 = arith.constant 0 : i32
    %cond3A_13 = arith.cmpi ne, %convert_element_type3A_11, %cond3A_12 : i32
    scf.if %cond3A_13 {
      "tpu.region"() ({
        %run_scoped3A = tpu.sem_alloc : memref<!tpu.dma_semaphore, #tpu.memory_space<semaphore_mem>>
        %dma_start3A = arith.constant 0 : i32
        %dma_start3A_19 = tpu.memref_slice %arg6[%mul3A_0, %dma_start3A] : memref<10240x128xf32, #tpu.memory_space<hbm>> -> memref<640x128xf32, #tpu.memory_space<hbm>>
        %dma_start3A_20 = arith.constant 0 : i32
        %dma_start3A_21 = tpu.memref_slice %arg8[%mul3A_0, %dma_start3A_20] : memref<10240x128xf32, #tpu.memory_space<vmem_shared>> -> memref<640x128xf32, #tpu.memory_space<vmem_shared>>
        tpu.enqueue_dma source(%dma_start3A_21 : memref<640x128xf32, #tpu.memory_space<vmem_shared>>) target(%dma_start3A_19 : memref<640x128xf32, #tpu.memory_space<hbm>>) target_semaphore(%run_scoped3A : memref<!tpu.dma_semaphore, #tpu.memory_space<semaphore_mem>>)
        %dma_wait3A = arith.constant 0 : i32
        %dma_wait3A_22 = tpu.memref_slice %arg6[%mul3A_0, %dma_wait3A] : memref<10240x128xf32, #tpu.memory_space<hbm>> -> memref<640x128xf32, #tpu.memory_space<hbm>>
        %dma_wait3A_23 = arith.constant 0 : i32
        %dma_wait3A_24 = tpu.memref_slice %arg8[%mul3A_0, %dma_wait3A_23] : memref<10240x128xf32, #tpu.memory_space<vmem_shared>> -> memref<640x128xf32, #tpu.memory_space<vmem_shared>>
        tpu.wait_dma2 semaphore(%run_scoped3A : memref<!tpu.dma_semaphore, #tpu.memory_space<semaphore_mem>>) src(%dma_wait3A_24 : memref<640x128xf32, #tpu.memory_space<vmem_shared>>) dst(%dma_wait3A_22 : memref<640x128xf32, #tpu.memory_space<hbm>>)
        tpu.yield
      }) : () -> ()
    } else {
    }
    %eq3A_14 = arith.constant 1 : i32
    %eq3A_15 = arith.cmpi eq, %arg0, %eq3A_14 : i32
    %convert_element_type3A_16 = arith.extui %eq3A_15 : i1 to i32
    %cond3A_17 = arith.constant 0 : i32
    %cond3A_18 = arith.cmpi ne, %convert_element_type3A_16, %cond3A_17 : i32
    scf.if %cond3A_18 {
      "tpu.region"() ({
        %run_scoped3A = tpu.sem_alloc : memref<!tpu.dma_semaphore, #tpu.memory_space<semaphore_mem>>
        %dma_start3A = arith.constant 0 : i32
        %dma_start3A_19 = tpu.memref_slice %arg7[%mul3A_0, %dma_start3A] : memref<10240x128xf32, #tpu.memory_space<hbm>> -> memref<640x128xf32, #tpu.memory_space<hbm>>
        %dma_start3A_20 = arith.constant 0 : i32
        %dma_start3A_21 = tpu.memref_slice %arg8[%mul3A_0, %dma_start3A_20] : memref<10240x128xf32, #tpu.memory_space<vmem_shared>> -> memref<640x128xf32, #tpu.memory_space<vmem_shared>>
        tpu.enqueue_dma source(%dma_start3A_21 : memref<640x128xf32, #tpu.memory_space<vmem_shared>>) target(%dma_start3A_19 : memref<640x128xf32, #tpu.memory_space<hbm>>) target_semaphore(%run_scoped3A : memref<!tpu.dma_semaphore, #tpu.memory_space<semaphore_mem>>)
        %dma_wait3A = arith.constant 0 : i32
        %dma_wait3A_22 = tpu.memref_slice %arg7[%mul3A_0, %dma_wait3A] : memref<10240x128xf32, #tpu.memory_space<hbm>> -> memref<640x128xf32, #tpu.memory_space<hbm>>
        %dma_wait3A_23 = arith.constant 0 : i32
        %dma_wait3A_24 = tpu.memref_slice %arg8[%mul3A_0, %dma_wait3A_23] : memref<10240x128xf32, #tpu.memory_space<vmem_shared>> -> memref<640x128xf32, #tpu.memory_space<vmem_shared>>
        tpu.wait_dma2 semaphore(%run_scoped3A : memref<!tpu.dma_semaphore, #tpu.memory_space<semaphore_mem>>) src(%dma_wait3A_24 : memref<640x128xf32, #tpu.memory_space<vmem_shared>>) dst(%dma_wait3A_22 : memref<640x128xf32, #tpu.memory_space<hbm>>)
        tpu.yield
      }) : () -> ()
    } else {
    }
    return
  }
}

#map = affine_map<(d0, d1) -> (0, 0)>
#map1 = affine_map<(d0, d1) -> (0, 0, 0)>
module attributes {stable_mosaic.version = 14 : i64} {
  func.func @sc_segsum(%arg0: i32, %arg1: i32, %arg2: memref<10000x128xf32, #tpu.memory_space<hbm>>, %arg3: memref<10000x128xf32, #tpu.memory_space<hbm>>, %arg4: memref<16x81x128xi32, #tpu.memory_space<hbm>>, %arg5: memref<16x80x128xi32, #tpu.memory_space<hbm>>, %arg6: memref<16x81x128xi32, #tpu.memory_space<hbm>>, %arg7: memref<16x80x128xi32, #tpu.memory_space<hbm>>, %arg8: memref<640x128xf32, #tpu.memory_space<hbm>>, %arg9: memref<10240x128xf32, #tpu.memory_space<hbm>>, %arg10: memref<10240x128xf32, #tpu.memory_space<hbm>>, %arg11: memref<10240x128xf32, #tpu.memory_space<vmem_shared>>, %arg12: memref<1x128xi32, #tpu.memory_space<vmem>>, %arg13: memref<1x128xi32, #tpu.memory_space<vmem>>, %arg14: memref<128x128xf32, #tpu.memory_space<vmem>>) attributes {dimension_semantics = [#tpu.dimension_semantics<core_parallel>, #tpu.dimension_semantics<subcore_parallel>], iteration_bounds = array<i64: 2, 16>, scalar_prefetch = 0 : i64, scratch_operands = 4 : i64, tpu.core_type = #tpu.core_type<sc_vector_subcore>, window_params = [{transform_indices = #map}, {transform_indices = #map}, {transform_indices = #map1}, {transform_indices = #map1}, {transform_indices = #map1}, {transform_indices = #map1}, {transform_indices = #map}, {transform_indices = #map}, {transform_indices = #map}]} {
    %mul3A = arith.constant 640 : i32
    %mul3A_0 = arith.muli %arg1, %mul3A : i32
    "tpu.region"() ({
      %run_scoped3A = tpu.sem_alloc : memref<!tpu.dma_semaphore, #tpu.memory_space<semaphore_mem>>
      %dma_start3A = arith.constant 0 : i32
      %dma_start3A_19 = tpu.memref_slice %arg11[%mul3A_0, %dma_start3A] : memref<10240x128xf32, #tpu.memory_space<vmem_shared>> -> memref<640x128xf32, #tpu.memory_space<vmem_shared>>
      tpu.enqueue_dma source(%arg8 : memref<640x128xf32, #tpu.memory_space<hbm>>) target(%dma_start3A_19 : memref<640x128xf32, #tpu.memory_space<vmem_shared>>) target_semaphore(%run_scoped3A : memref<!tpu.dma_semaphore, #tpu.memory_space<semaphore_mem>>)
      %dma_wait3A = arith.constant 0 : i32
      %dma_wait3A_20 = tpu.memref_slice %arg11[%mul3A_0, %dma_wait3A] : memref<10240x128xf32, #tpu.memory_space<vmem_shared>> -> memref<640x128xf32, #tpu.memory_space<vmem_shared>>
      tpu.wait_dma2 semaphore(%run_scoped3A : memref<!tpu.dma_semaphore, #tpu.memory_space<semaphore_mem>>) src(%arg8 : memref<640x128xf32, #tpu.memory_space<hbm>>) dst(%dma_wait3A_20 : memref<640x128xf32, #tpu.memory_space<vmem_shared>>)
      tpu.yield
    }) : () -> ()
    %barrier3A = arith.constant 0 : index
    tpu.barrier barrier_id(%barrier3A)
    %eq3A = arith.constant 0 : i32
    %eq3A_1 = arith.cmpi eq, %arg0, %eq3A : i32
    %convert_element_type3A = arith.extui %eq3A_1 : i1 to i32
    %cond3A = arith.constant 0 : i32
    %cond3A_2 = arith.cmpi ne, %convert_element_type3A, %cond3A : i32
    scf.if %cond3A_2 {
      %scan3A = arith.constant 0 : i32
      %scan3A_19 = arith.constant 0 : i32
      %scan3A_20 = arith.constant 80 : i32
      %scan3A_21 = arith.addi %scan3A_19, %scan3A_20 : i32
      %scan3A_22 = arith.constant 1 : i32
      scf.for %scan3A_24 = %scan3A_19 to %scan3A_21 step %scan3A_22  : i32 {
        %run_scoped3A = arith.constant 0 : i32
        "tpu.region"() ({
          %run_scoped3A_28 = tpu.sem_alloc : memref<!tpu.dma_semaphore, #tpu.memory_space<semaphore_mem>>
          %dma_start3A = arith.constant 0 : i32
          %dma_start3A_29 = tpu.memref_slice %arg12[%run_scoped3A, %dma_start3A] : memref<1x128xi32, #tpu.memory_space<vmem>> -> memref<1x128xi32, #tpu.memory_space<vmem>>
          %dma_start3A_30 = tpu.memref_squeeze %dma_start3A_29 : memref<1x128xi32, #tpu.memory_space<vmem>> -> memref<128xi32, #tpu.memory_space<vmem>>
          %dma_start3A_31 = arith.constant 0 : i32
          %dma_start3A_32 = tpu.memref_slice %arg4[%arg1, %scan3A_24, %dma_start3A_31] : memref<16x81x128xi32, #tpu.memory_space<hbm>> -> memref<1x1x128xi32, #tpu.memory_space<hbm>>
          %dma_start3A_33 = tpu.memref_squeeze %dma_start3A_32 : memref<1x1x128xi32, #tpu.memory_space<hbm>> -> memref<128xi32, #tpu.memory_space<hbm>>
          %dma_start3A_34 = arith.constant 0 : i32
          %dma_start3A_35 = tpu.memref_slice %arg12[%run_scoped3A, %dma_start3A_34] : memref<1x128xi32, #tpu.memory_space<vmem>> -> memref<1x128xi32, #tpu.memory_space<vmem>>
          %dma_start3A_36 = tpu.memref_squeeze %dma_start3A_35 : memref<1x128xi32, #tpu.memory_space<vmem>> -> memref<128xi32, #tpu.memory_space<vmem>>
          %dma_start3A_37 = arith.constant 0 : i32
          %dma_start3A_38 = tpu.memref_slice %arg4[%arg1, %scan3A_24, %dma_start3A_37] : memref<16x81x128xi32, #tpu.memory_space<hbm>> -> memref<1x1x128xi32, #tpu.memory_space<hbm>>
          %dma_start3A_39 = tpu.memref_squeeze %dma_start3A_38 : memref<1x1x128xi32, #tpu.memory_space<hbm>> -> memref<128xi32, #tpu.memory_space<hbm>>
          tpu.enqueue_dma source(%dma_start3A_39 : memref<128xi32, #tpu.memory_space<hbm>>) target(%dma_start3A_36 : memref<128xi32, #tpu.memory_space<vmem>>) target_semaphore(%run_scoped3A_28 : memref<!tpu.dma_semaphore, #tpu.memory_space<semaphore_mem>>)
          %dma_wait3A = arith.constant 0 : i32
          %dma_wait3A_40 = tpu.memref_slice %arg12[%run_scoped3A, %dma_wait3A] : memref<1x128xi32, #tpu.memory_space<vmem>> -> memref<1x128xi32, #tpu.memory_space<vmem>>
          %dma_wait3A_41 = tpu.memref_squeeze %dma_wait3A_40 : memref<1x128xi32, #tpu.memory_space<vmem>> -> memref<128xi32, #tpu.memory_space<vmem>>
          %dma_wait3A_42 = arith.constant 0 : i32
          %dma_wait3A_43 = tpu.memref_slice %arg4[%arg1, %scan3A_24, %dma_wait3A_42] : memref<16x81x128xi32, #tpu.memory_space<hbm>> -> memref<1x1x128xi32, #tpu.memory_space<hbm>>
          %dma_wait3A_44 = tpu.memref_squeeze %dma_wait3A_43 : memref<1x1x128xi32, #tpu.memory_space<hbm>> -> memref<128xi32, #tpu.memory_space<hbm>>
          %dma_wait3A_45 = arith.constant 0 : i32
          %dma_wait3A_46 = tpu.memref_slice %arg12[%run_scoped3A, %dma_wait3A_45] : memref<1x128xi32, #tpu.memory_space<vmem>> -> memref<1x128xi32, #tpu.memory_space<vmem>>
          %dma_wait3A_47 = tpu.memref_squeeze %dma_wait3A_46 : memref<1x128xi32, #tpu.memory_space<vmem>> -> memref<128xi32, #tpu.memory_space<vmem>>
          %dma_wait3A_48 = arith.constant 0 : i32
          %dma_wait3A_49 = tpu.memref_slice %arg4[%arg1, %scan3A_24, %dma_wait3A_48] : memref<16x81x128xi32, #tpu.memory_space<hbm>> -> memref<1x1x128xi32, #tpu.memory_space<hbm>>
          %dma_wait3A_50 = tpu.memref_squeeze %dma_wait3A_49 : memref<1x1x128xi32, #tpu.memory_space<hbm>> -> memref<128xi32, #tpu.memory_space<hbm>>
          tpu.wait_dma2 semaphore(%run_scoped3A_28 : memref<!tpu.dma_semaphore, #tpu.memory_space<semaphore_mem>>) src(%dma_wait3A_50 : memref<128xi32, #tpu.memory_space<hbm>>) dst(%dma_wait3A_47 : memref<128xi32, #tpu.memory_space<vmem>>)
          tpu.yield
        }) : () -> ()
        %run_scoped3A_25 = arith.constant 0 : i32
        "tpu.region"() ({
          %run_scoped3A_28 = tpu.sem_alloc : memref<!tpu.dma_semaphore, #tpu.memory_space<semaphore_mem>>
          %dma_start3A = arith.constant 0 : i32
          %dma_start3A_29 = tpu.memref_slice %arg12[%run_scoped3A_25, %dma_start3A] : memref<1x128xi32, #tpu.memory_space<vmem>> -> memref<1x128xi32, #tpu.memory_space<vmem>>
          %dma_start3A_30 = tpu.memref_squeeze %dma_start3A_29 : memref<1x128xi32, #tpu.memory_space<vmem>> -> memref<128xi32, #tpu.memory_space<vmem>>
          %dma_start3A_31 = arith.constant 0 : i32
          %dma_start3A_32 = arith.constant 0 : i32
          %dma_start3A_33 = tpu.memref_slice %arg2[%dma_start3A_31, %dma_start3A_32] : memref<10000x128xf32, #tpu.memory_space<hbm>> -> memref<10000x128xf32, #tpu.memory_space<hbm>>
          tpu.enqueue_indirect_dma source(%dma_start3A_33 : memref<10000x128xf32, #tpu.memory_space<hbm>>) target(%arg14 : memref<128x128xf32, #tpu.memory_space<vmem>>) offsets(%dma_start3A_30 : memref<128xi32, #tpu.memory_space<vmem>>) semaphore(%run_scoped3A_28 : memref<!tpu.dma_semaphore, #tpu.memory_space<semaphore_mem>>)
          %dma_wait3A = arith.constant 0 : i32
          %dma_wait3A_34 = tpu.memref_slice %arg12[%run_scoped3A_25, %dma_wait3A] : memref<1x128xi32, #tpu.memory_space<vmem>> -> memref<1x128xi32, #tpu.memory_space<vmem>>
          %dma_wait3A_35 = tpu.memref_squeeze %dma_wait3A_34 : memref<1x128xi32, #tpu.memory_space<vmem>> -> memref<128xi32, #tpu.memory_space<vmem>>
          %dma_wait3A_36 = arith.constant 0 : i32
          %dma_wait3A_37 = arith.constant 0 : i32
          %dma_wait3A_38 = tpu.memref_slice %arg2[%dma_wait3A_36, %dma_wait3A_37] : memref<10000x128xf32, #tpu.memory_space<hbm>> -> memref<10000x128xf32, #tpu.memory_space<hbm>>
          tpu.wait_indirect_dma semaphore(%run_scoped3A_28 : memref<!tpu.dma_semaphore, #tpu.memory_space<semaphore_mem>>) src(%dma_wait3A_38 : memref<10000x128xf32, #tpu.memory_space<hbm>>) dst(%arg14 : memref<128x128xf32, #tpu.memory_space<vmem>>)
          tpu.yield
        }) : () -> ()
        %run_scoped3A_26 = arith.constant 0 : i32
        "tpu.region"() ({
          %run_scoped3A_28 = tpu.sem_alloc : memref<!tpu.dma_semaphore, #tpu.memory_space<semaphore_mem>>
          %dma_start3A = arith.constant 0 : i32
          %dma_start3A_29 = tpu.memref_slice %arg13[%run_scoped3A_26, %dma_start3A] : memref<1x128xi32, #tpu.memory_space<vmem>> -> memref<1x128xi32, #tpu.memory_space<vmem>>
          %dma_start3A_30 = tpu.memref_squeeze %dma_start3A_29 : memref<1x128xi32, #tpu.memory_space<vmem>> -> memref<128xi32, #tpu.memory_space<vmem>>
          %dma_start3A_31 = arith.constant 0 : i32
          %dma_start3A_32 = tpu.memref_slice %arg5[%arg1, %scan3A_24, %dma_start3A_31] : memref<16x80x128xi32, #tpu.memory_space<hbm>> -> memref<1x1x128xi32, #tpu.memory_space<hbm>>
          %dma_start3A_33 = tpu.memref_squeeze %dma_start3A_32 : memref<1x1x128xi32, #tpu.memory_space<hbm>> -> memref<128xi32, #tpu.memory_space<hbm>>
          %dma_start3A_34 = arith.constant 0 : i32
          %dma_start3A_35 = tpu.memref_slice %arg13[%run_scoped3A_26, %dma_start3A_34] : memref<1x128xi32, #tpu.memory_space<vmem>> -> memref<1x128xi32, #tpu.memory_space<vmem>>
          %dma_start3A_36 = tpu.memref_squeeze %dma_start3A_35 : memref<1x128xi32, #tpu.memory_space<vmem>> -> memref<128xi32, #tpu.memory_space<vmem>>
          %dma_start3A_37 = arith.constant 0 : i32
          %dma_start3A_38 = tpu.memref_slice %arg5[%arg1, %scan3A_24, %dma_start3A_37] : memref<16x80x128xi32, #tpu.memory_space<hbm>> -> memref<1x1x128xi32, #tpu.memory_space<hbm>>
          %dma_start3A_39 = tpu.memref_squeeze %dma_start3A_38 : memref<1x1x128xi32, #tpu.memory_space<hbm>> -> memref<128xi32, #tpu.memory_space<hbm>>
          tpu.enqueue_dma source(%dma_start3A_39 : memref<128xi32, #tpu.memory_space<hbm>>) target(%dma_start3A_36 : memref<128xi32, #tpu.memory_space<vmem>>) target_semaphore(%run_scoped3A_28 : memref<!tpu.dma_semaphore, #tpu.memory_space<semaphore_mem>>)
          %dma_wait3A = arith.constant 0 : i32
          %dma_wait3A_40 = tpu.memref_slice %arg13[%run_scoped3A_26, %dma_wait3A] : memref<1x128xi32, #tpu.memory_space<vmem>> -> memref<1x128xi32, #tpu.memory_space<vmem>>
          %dma_wait3A_41 = tpu.memref_squeeze %dma_wait3A_40 : memref<1x128xi32, #tpu.memory_space<vmem>> -> memref<128xi32, #tpu.memory_space<vmem>>
          %dma_wait3A_42 = arith.constant 0 : i32
          %dma_wait3A_43 = tpu.memref_slice %arg5[%arg1, %scan3A_24, %dma_wait3A_42] : memref<16x80x128xi32, #tpu.memory_space<hbm>> -> memref<1x1x128xi32, #tpu.memory_space<hbm>>
          %dma_wait3A_44 = tpu.memref_squeeze %dma_wait3A_43 : memref<1x1x128xi32, #tpu.memory_space<hbm>> -> memref<128xi32, #tpu.memory_space<hbm>>
          %dma_wait3A_45 = arith.constant 0 : i32
          %dma_wait3A_46 = tpu.memref_slice %arg13[%run_scoped3A_26, %dma_wait3A_45] : memref<1x128xi32, #tpu.memory_space<vmem>> -> memref<1x128xi32, #tpu.memory_space<vmem>>
          %dma_wait3A_47 = tpu.memref_squeeze %dma_wait3A_46 : memref<1x128xi32, #tpu.memory_space<vmem>> -> memref<128xi32, #tpu.memory_space<vmem>>
          %dma_wait3A_48 = arith.constant 0 : i32
          %dma_wait3A_49 = tpu.memref_slice %arg5[%arg1, %scan3A_24, %dma_wait3A_48] : memref<16x80x128xi32, #tpu.memory_space<hbm>> -> memref<1x1x128xi32, #tpu.memory_space<hbm>>
          %dma_wait3A_50 = tpu.memref_squeeze %dma_wait3A_49 : memref<1x1x128xi32, #tpu.memory_space<hbm>> -> memref<128xi32, #tpu.memory_space<hbm>>
          tpu.wait_dma2 semaphore(%run_scoped3A_28 : memref<!tpu.dma_semaphore, #tpu.memory_space<semaphore_mem>>) src(%dma_wait3A_50 : memref<128xi32, #tpu.memory_space<hbm>>) dst(%dma_wait3A_47 : memref<128xi32, #tpu.memory_space<vmem>>)
          tpu.yield
        }) : () -> ()
        %run_scoped3A_27 = arith.constant 0 : i32
        "tpu.region"() ({
          %run_scoped3A_28 = tpu.sem_alloc : memref<!tpu.dma_semaphore, #tpu.memory_space<semaphore_mem>>
          %dma_start3A = arith.constant 0 : i32
          %dma_start3A_29 = tpu.memref_slice %arg13[%run_scoped3A_27, %dma_start3A] : memref<1x128xi32, #tpu.memory_space<vmem>> -> memref<1x128xi32, #tpu.memory_space<vmem>>
          %dma_start3A_30 = tpu.memref_squeeze %dma_start3A_29 : memref<1x128xi32, #tpu.memory_space<vmem>> -> memref<128xi32, #tpu.memory_space<vmem>>
          %dma_start3A_31 = arith.constant 0 : i32
          %dma_start3A_32 = arith.constant 0 : i32
          %dma_start3A_33 = tpu.memref_slice %arg11[%dma_start3A_31, %dma_start3A_32] : memref<10240x128xf32, #tpu.memory_space<vmem_shared>> -> memref<10240x128xf32, #tpu.memory_space<vmem_shared>>
          tpu.enqueue_indirect_dma source(%arg14 : memref<128x128xf32, #tpu.memory_space<vmem>>) target(%dma_start3A_33 : memref<10240x128xf32, #tpu.memory_space<vmem_shared>>) offsets(%dma_start3A_30 : memref<128xi32, #tpu.memory_space<vmem>>) semaphore(%run_scoped3A_28 : memref<!tpu.dma_semaphore, #tpu.memory_space<semaphore_mem>>) {add = true}
          %dma_wait3A = arith.constant 0 : i32
          %dma_wait3A_34 = tpu.memref_slice %arg13[%run_scoped3A_27, %dma_wait3A] : memref<1x128xi32, #tpu.memory_space<vmem>> -> memref<1x128xi32, #tpu.memory_space<vmem>>
          %dma_wait3A_35 = tpu.memref_squeeze %dma_wait3A_34 : memref<1x128xi32, #tpu.memory_space<vmem>> -> memref<128xi32, #tpu.memory_space<vmem>>
          %dma_wait3A_36 = arith.constant 0 : i32
          %dma_wait3A_37 = arith.constant 0 : i32
          %dma_wait3A_38 = tpu.memref_slice %arg11[%dma_wait3A_36, %dma_wait3A_37] : memref<10240x128xf32, #tpu.memory_space<vmem_shared>> -> memref<10240x128xf32, #tpu.memory_space<vmem_shared>>
          tpu.wait_indirect_dma semaphore(%run_scoped3A_28 : memref<!tpu.dma_semaphore, #tpu.memory_space<semaphore_mem>>) src(%arg14 : memref<128x128xf32, #tpu.memory_space<vmem>>) dst(%dma_wait3A_38 : memref<10240x128xf32, #tpu.memory_space<vmem_shared>>)
          tpu.yield
        }) : () -> ()
      }
      %scan3A_23 = arith.constant 80 : i32
    } else {
    }
    %eq3A_3 = arith.constant 1 : i32
    %eq3A_4 = arith.cmpi eq, %arg0, %eq3A_3 : i32
    %convert_element_type3A_5 = arith.extui %eq3A_4 : i1 to i32
    %cond3A_6 = arith.constant 0 : i32
    %cond3A_7 = arith.cmpi ne, %convert_element_type3A_5, %cond3A_6 : i32
    scf.if %cond3A_7 {
      %scan3A = arith.constant 0 : i32
      %scan3A_19 = arith.constant 0 : i32
      %scan3A_20 = arith.constant 80 : i32
      %scan3A_21 = arith.addi %scan3A_19, %scan3A_20 : i32
      %scan3A_22 = arith.constant 1 : i32
      scf.for %scan3A_24 = %scan3A_19 to %scan3A_21 step %scan3A_22  : i32 {
        %run_scoped3A = arith.constant 0 : i32
        "tpu.region"() ({
          %run_scoped3A_28 = tpu.sem_alloc : memref<!tpu.dma_semaphore, #tpu.memory_space<semaphore_mem>>
          %dma_start3A = arith.constant 0 : i32
          %dma_start3A_29 = tpu.memref_slice %arg12[%run_scoped3A, %dma_start3A] : memref<1x128xi32, #tpu.memory_space<vmem>> -> memref<1x128xi32, #tpu.memory_space<vmem>>
          %dma_start3A_30 = tpu.memref_squeeze %dma_start3A_29 : memref<1x128xi32, #tpu.memory_space<vmem>> -> memref<128xi32, #tpu.memory_space<vmem>>
          %dma_start3A_31 = arith.constant 0 : i32
          %dma_start3A_32 = tpu.memref_slice %arg6[%arg1, %scan3A_24, %dma_start3A_31] : memref<16x81x128xi32, #tpu.memory_space<hbm>> -> memref<1x1x128xi32, #tpu.memory_space<hbm>>
          %dma_start3A_33 = tpu.memref_squeeze %dma_start3A_32 : memref<1x1x128xi32, #tpu.memory_space<hbm>> -> memref<128xi32, #tpu.memory_space<hbm>>
          %dma_start3A_34 = arith.constant 0 : i32
          %dma_start3A_35 = tpu.memref_slice %arg12[%run_scoped3A, %dma_start3A_34] : memref<1x128xi32, #tpu.memory_space<vmem>> -> memref<1x128xi32, #tpu.memory_space<vmem>>
          %dma_start3A_36 = tpu.memref_squeeze %dma_start3A_35 : memref<1x128xi32, #tpu.memory_space<vmem>> -> memref<128xi32, #tpu.memory_space<vmem>>
          %dma_start3A_37 = arith.constant 0 : i32
          %dma_start3A_38 = tpu.memref_slice %arg6[%arg1, %scan3A_24, %dma_start3A_37] : memref<16x81x128xi32, #tpu.memory_space<hbm>> -> memref<1x1x128xi32, #tpu.memory_space<hbm>>
          %dma_start3A_39 = tpu.memref_squeeze %dma_start3A_38 : memref<1x1x128xi32, #tpu.memory_space<hbm>> -> memref<128xi32, #tpu.memory_space<hbm>>
          tpu.enqueue_dma source(%dma_start3A_39 : memref<128xi32, #tpu.memory_space<hbm>>) target(%dma_start3A_36 : memref<128xi32, #tpu.memory_space<vmem>>) target_semaphore(%run_scoped3A_28 : memref<!tpu.dma_semaphore, #tpu.memory_space<semaphore_mem>>)
          %dma_wait3A = arith.constant 0 : i32
          %dma_wait3A_40 = tpu.memref_slice %arg12[%run_scoped3A, %dma_wait3A] : memref<1x128xi32, #tpu.memory_space<vmem>> -> memref<1x128xi32, #tpu.memory_space<vmem>>
          %dma_wait3A_41 = tpu.memref_squeeze %dma_wait3A_40 : memref<1x128xi32, #tpu.memory_space<vmem>> -> memref<128xi32, #tpu.memory_space<vmem>>
          %dma_wait3A_42 = arith.constant 0 : i32
          %dma_wait3A_43 = tpu.memref_slice %arg6[%arg1, %scan3A_24, %dma_wait3A_42] : memref<16x81x128xi32, #tpu.memory_space<hbm>> -> memref<1x1x128xi32, #tpu.memory_space<hbm>>
          %dma_wait3A_44 = tpu.memref_squeeze %dma_wait3A_43 : memref<1x1x128xi32, #tpu.memory_space<hbm>> -> memref<128xi32, #tpu.memory_space<hbm>>
          %dma_wait3A_45 = arith.constant 0 : i32
          %dma_wait3A_46 = tpu.memref_slice %arg12[%run_scoped3A, %dma_wait3A_45] : memref<1x128xi32, #tpu.memory_space<vmem>> -> memref<1x128xi32, #tpu.memory_space<vmem>>
          %dma_wait3A_47 = tpu.memref_squeeze %dma_wait3A_46 : memref<1x128xi32, #tpu.memory_space<vmem>> -> memref<128xi32, #tpu.memory_space<vmem>>
          %dma_wait3A_48 = arith.constant 0 : i32
          %dma_wait3A_49 = tpu.memref_slice %arg6[%arg1, %scan3A_24, %dma_wait3A_48] : memref<16x81x128xi32, #tpu.memory_space<hbm>> -> memref<1x1x128xi32, #tpu.memory_space<hbm>>
          %dma_wait3A_50 = tpu.memref_squeeze %dma_wait3A_49 : memref<1x1x128xi32, #tpu.memory_space<hbm>> -> memref<128xi32, #tpu.memory_space<hbm>>
          tpu.wait_dma2 semaphore(%run_scoped3A_28 : memref<!tpu.dma_semaphore, #tpu.memory_space<semaphore_mem>>) src(%dma_wait3A_50 : memref<128xi32, #tpu.memory_space<hbm>>) dst(%dma_wait3A_47 : memref<128xi32, #tpu.memory_space<vmem>>)
          tpu.yield
        }) : () -> ()
        %run_scoped3A_25 = arith.constant 0 : i32
        "tpu.region"() ({
          %run_scoped3A_28 = tpu.sem_alloc : memref<!tpu.dma_semaphore, #tpu.memory_space<semaphore_mem>>
          %dma_start3A = arith.constant 0 : i32
          %dma_start3A_29 = tpu.memref_slice %arg12[%run_scoped3A_25, %dma_start3A] : memref<1x128xi32, #tpu.memory_space<vmem>> -> memref<1x128xi32, #tpu.memory_space<vmem>>
          %dma_start3A_30 = tpu.memref_squeeze %dma_start3A_29 : memref<1x128xi32, #tpu.memory_space<vmem>> -> memref<128xi32, #tpu.memory_space<vmem>>
          %dma_start3A_31 = arith.constant 0 : i32
          %dma_start3A_32 = arith.constant 0 : i32
          %dma_start3A_33 = tpu.memref_slice %arg3[%dma_start3A_31, %dma_start3A_32] : memref<10000x128xf32, #tpu.memory_space<hbm>> -> memref<10000x128xf32, #tpu.memory_space<hbm>>
          tpu.enqueue_indirect_dma source(%dma_start3A_33 : memref<10000x128xf32, #tpu.memory_space<hbm>>) target(%arg14 : memref<128x128xf32, #tpu.memory_space<vmem>>) offsets(%dma_start3A_30 : memref<128xi32, #tpu.memory_space<vmem>>) semaphore(%run_scoped3A_28 : memref<!tpu.dma_semaphore, #tpu.memory_space<semaphore_mem>>)
          %dma_wait3A = arith.constant 0 : i32
          %dma_wait3A_34 = tpu.memref_slice %arg12[%run_scoped3A_25, %dma_wait3A] : memref<1x128xi32, #tpu.memory_space<vmem>> -> memref<1x128xi32, #tpu.memory_space<vmem>>
          %dma_wait3A_35 = tpu.memref_squeeze %dma_wait3A_34 : memref<1x128xi32, #tpu.memory_space<vmem>> -> memref<128xi32, #tpu.memory_space<vmem>>
          %dma_wait3A_36 = arith.constant 0 : i32
          %dma_wait3A_37 = arith.constant 0 : i32
          %dma_wait3A_38 = tpu.memref_slice %arg3[%dma_wait3A_36, %dma_wait3A_37] : memref<10000x128xf32, #tpu.memory_space<hbm>> -> memref<10000x128xf32, #tpu.memory_space<hbm>>
          tpu.wait_indirect_dma semaphore(%run_scoped3A_28 : memref<!tpu.dma_semaphore, #tpu.memory_space<semaphore_mem>>) src(%dma_wait3A_38 : memref<10000x128xf32, #tpu.memory_space<hbm>>) dst(%arg14 : memref<128x128xf32, #tpu.memory_space<vmem>>)
          tpu.yield
        }) : () -> ()
        %run_scoped3A_26 = arith.constant 0 : i32
        "tpu.region"() ({
          %run_scoped3A_28 = tpu.sem_alloc : memref<!tpu.dma_semaphore, #tpu.memory_space<semaphore_mem>>
          %dma_start3A = arith.constant 0 : i32
          %dma_start3A_29 = tpu.memref_slice %arg13[%run_scoped3A_26, %dma_start3A] : memref<1x128xi32, #tpu.memory_space<vmem>> -> memref<1x128xi32, #tpu.memory_space<vmem>>
          %dma_start3A_30 = tpu.memref_squeeze %dma_start3A_29 : memref<1x128xi32, #tpu.memory_space<vmem>> -> memref<128xi32, #tpu.memory_space<vmem>>
          %dma_start3A_31 = arith.constant 0 : i32
          %dma_start3A_32 = tpu.memref_slice %arg7[%arg1, %scan3A_24, %dma_start3A_31] : memref<16x80x128xi32, #tpu.memory_space<hbm>> -> memref<1x1x128xi32, #tpu.memory_space<hbm>>
          %dma_start3A_33 = tpu.memref_squeeze %dma_start3A_32 : memref<1x1x128xi32, #tpu.memory_space<hbm>> -> memref<128xi32, #tpu.memory_space<hbm>>
          %dma_start3A_34 = arith.constant 0 : i32
          %dma_start3A_35 = tpu.memref_slice %arg13[%run_scoped3A_26, %dma_start3A_34] : memref<1x128xi32, #tpu.memory_space<vmem>> -> memref<1x128xi32, #tpu.memory_space<vmem>>
          %dma_start3A_36 = tpu.memref_squeeze %dma_start3A_35 : memref<1x128xi32, #tpu.memory_space<vmem>> -> memref<128xi32, #tpu.memory_space<vmem>>
          %dma_start3A_37 = arith.constant 0 : i32
          %dma_start3A_38 = tpu.memref_slice %arg7[%arg1, %scan3A_24, %dma_start3A_37] : memref<16x80x128xi32, #tpu.memory_space<hbm>> -> memref<1x1x128xi32, #tpu.memory_space<hbm>>
          %dma_start3A_39 = tpu.memref_squeeze %dma_start3A_38 : memref<1x1x128xi32, #tpu.memory_space<hbm>> -> memref<128xi32, #tpu.memory_space<hbm>>
          tpu.enqueue_dma source(%dma_start3A_39 : memref<128xi32, #tpu.memory_space<hbm>>) target(%dma_start3A_36 : memref<128xi32, #tpu.memory_space<vmem>>) target_semaphore(%run_scoped3A_28 : memref<!tpu.dma_semaphore, #tpu.memory_space<semaphore_mem>>)
          %dma_wait3A = arith.constant 0 : i32
          %dma_wait3A_40 = tpu.memref_slice %arg13[%run_scoped3A_26, %dma_wait3A] : memref<1x128xi32, #tpu.memory_space<vmem>> -> memref<1x128xi32, #tpu.memory_space<vmem>>
          %dma_wait3A_41 = tpu.memref_squeeze %dma_wait3A_40 : memref<1x128xi32, #tpu.memory_space<vmem>> -> memref<128xi32, #tpu.memory_space<vmem>>
          %dma_wait3A_42 = arith.constant 0 : i32
          %dma_wait3A_43 = tpu.memref_slice %arg7[%arg1, %scan3A_24, %dma_wait3A_42] : memref<16x80x128xi32, #tpu.memory_space<hbm>> -> memref<1x1x128xi32, #tpu.memory_space<hbm>>
          %dma_wait3A_44 = tpu.memref_squeeze %dma_wait3A_43 : memref<1x1x128xi32, #tpu.memory_space<hbm>> -> memref<128xi32, #tpu.memory_space<hbm>>
          %dma_wait3A_45 = arith.constant 0 : i32
          %dma_wait3A_46 = tpu.memref_slice %arg13[%run_scoped3A_26, %dma_wait3A_45] : memref<1x128xi32, #tpu.memory_space<vmem>> -> memref<1x128xi32, #tpu.memory_space<vmem>>
          %dma_wait3A_47 = tpu.memref_squeeze %dma_wait3A_46 : memref<1x128xi32, #tpu.memory_space<vmem>> -> memref<128xi32, #tpu.memory_space<vmem>>
          %dma_wait3A_48 = arith.constant 0 : i32
          %dma_wait3A_49 = tpu.memref_slice %arg7[%arg1, %scan3A_24, %dma_wait3A_48] : memref<16x80x128xi32, #tpu.memory_space<hbm>> -> memref<1x1x128xi32, #tpu.memory_space<hbm>>
          %dma_wait3A_50 = tpu.memref_squeeze %dma_wait3A_49 : memref<1x1x128xi32, #tpu.memory_space<hbm>> -> memref<128xi32, #tpu.memory_space<hbm>>
          tpu.wait_dma2 semaphore(%run_scoped3A_28 : memref<!tpu.dma_semaphore, #tpu.memory_space<semaphore_mem>>) src(%dma_wait3A_50 : memref<128xi32, #tpu.memory_space<hbm>>) dst(%dma_wait3A_47 : memref<128xi32, #tpu.memory_space<vmem>>)
          tpu.yield
        }) : () -> ()
        %run_scoped3A_27 = arith.constant 0 : i32
        "tpu.region"() ({
          %run_scoped3A_28 = tpu.sem_alloc : memref<!tpu.dma_semaphore, #tpu.memory_space<semaphore_mem>>
          %dma_start3A = arith.constant 0 : i32
          %dma_start3A_29 = tpu.memref_slice %arg13[%run_scoped3A_27, %dma_start3A] : memref<1x128xi32, #tpu.memory_space<vmem>> -> memref<1x128xi32, #tpu.memory_space<vmem>>
          %dma_start3A_30 = tpu.memref_squeeze %dma_start3A_29 : memref<1x128xi32, #tpu.memory_space<vmem>> -> memref<128xi32, #tpu.memory_space<vmem>>
          %dma_start3A_31 = arith.constant 0 : i32
          %dma_start3A_32 = arith.constant 0 : i32
          %dma_start3A_33 = tpu.memref_slice %arg11[%dma_start3A_31, %dma_start3A_32] : memref<10240x128xf32, #tpu.memory_space<vmem_shared>> -> memref<10240x128xf32, #tpu.memory_space<vmem_shared>>
          tpu.enqueue_indirect_dma source(%arg14 : memref<128x128xf32, #tpu.memory_space<vmem>>) target(%dma_start3A_33 : memref<10240x128xf32, #tpu.memory_space<vmem_shared>>) offsets(%dma_start3A_30 : memref<128xi32, #tpu.memory_space<vmem>>) semaphore(%run_scoped3A_28 : memref<!tpu.dma_semaphore, #tpu.memory_space<semaphore_mem>>) {add = true}
          %dma_wait3A = arith.constant 0 : i32
          %dma_wait3A_34 = tpu.memref_slice %arg13[%run_scoped3A_27, %dma_wait3A] : memref<1x128xi32, #tpu.memory_space<vmem>> -> memref<1x128xi32, #tpu.memory_space<vmem>>
          %dma_wait3A_35 = tpu.memref_squeeze %dma_wait3A_34 : memref<1x128xi32, #tpu.memory_space<vmem>> -> memref<128xi32, #tpu.memory_space<vmem>>
          %dma_wait3A_36 = arith.constant 0 : i32
          %dma_wait3A_37 = arith.constant 0 : i32
          %dma_wait3A_38 = tpu.memref_slice %arg11[%dma_wait3A_36, %dma_wait3A_37] : memref<10240x128xf32, #tpu.memory_space<vmem_shared>> -> memref<10240x128xf32, #tpu.memory_space<vmem_shared>>
          tpu.wait_indirect_dma semaphore(%run_scoped3A_28 : memref<!tpu.dma_semaphore, #tpu.memory_space<semaphore_mem>>) src(%arg14 : memref<128x128xf32, #tpu.memory_space<vmem>>) dst(%dma_wait3A_38 : memref<10240x128xf32, #tpu.memory_space<vmem_shared>>)
          tpu.yield
        }) : () -> ()
      }
      %scan3A_23 = arith.constant 80 : i32
    } else {
    }
    %barrier3A_8 = arith.constant 0 : index
    tpu.barrier barrier_id(%barrier3A_8)
    %eq3A_9 = arith.constant 0 : i32
    %eq3A_10 = arith.cmpi eq, %arg0, %eq3A_9 : i32
    %convert_element_type3A_11 = arith.extui %eq3A_10 : i1 to i32
    %cond3A_12 = arith.constant 0 : i32
    %cond3A_13 = arith.cmpi ne, %convert_element_type3A_11, %cond3A_12 : i32
    scf.if %cond3A_13 {
      "tpu.region"() ({
        %run_scoped3A = tpu.sem_alloc : memref<!tpu.dma_semaphore, #tpu.memory_space<semaphore_mem>>
        %dma_start3A = arith.constant 0 : i32
        %dma_start3A_19 = tpu.memref_slice %arg9[%mul3A_0, %dma_start3A] : memref<10240x128xf32, #tpu.memory_space<hbm>> -> memref<640x128xf32, #tpu.memory_space<hbm>>
        %dma_start3A_20 = arith.constant 0 : i32
        %dma_start3A_21 = tpu.memref_slice %arg11[%mul3A_0, %dma_start3A_20] : memref<10240x128xf32, #tpu.memory_space<vmem_shared>> -> memref<640x128xf32, #tpu.memory_space<vmem_shared>>
        tpu.enqueue_dma source(%dma_start3A_21 : memref<640x128xf32, #tpu.memory_space<vmem_shared>>) target(%dma_start3A_19 : memref<640x128xf32, #tpu.memory_space<hbm>>) target_semaphore(%run_scoped3A : memref<!tpu.dma_semaphore, #tpu.memory_space<semaphore_mem>>)
        %dma_wait3A = arith.constant 0 : i32
        %dma_wait3A_22 = tpu.memref_slice %arg9[%mul3A_0, %dma_wait3A] : memref<10240x128xf32, #tpu.memory_space<hbm>> -> memref<640x128xf32, #tpu.memory_space<hbm>>
        %dma_wait3A_23 = arith.constant 0 : i32
        %dma_wait3A_24 = tpu.memref_slice %arg11[%mul3A_0, %dma_wait3A_23] : memref<10240x128xf32, #tpu.memory_space<vmem_shared>> -> memref<640x128xf32, #tpu.memory_space<vmem_shared>>
        tpu.wait_dma2 semaphore(%run_scoped3A : memref<!tpu.dma_semaphore, #tpu.memory_space<semaphore_mem>>) src(%dma_wait3A_24 : memref<640x128xf32, #tpu.memory_space<vmem_shared>>) dst(%dma_wait3A_22 : memref<640x128xf32, #tpu.memory_space<hbm>>)
        tpu.yield
      }) : () -> ()
    } else {
    }
    %eq3A_14 = arith.constant 1 : i32
    %eq3A_15 = arith.cmpi eq, %arg0, %eq3A_14 : i32
    %convert_element_type3A_16 = arith.extui %eq3A_15 : i1 to i32
    %cond3A_17 = arith.constant 0 : i32
    %cond3A_18 = arith.cmpi ne, %convert_element_type3A_16, %cond3A_17 : i32
    scf.if %cond3A_18 {
      "tpu.region"() ({
        %run_scoped3A = tpu.sem_alloc : memref<!tpu.dma_semaphore, #tpu.memory_space<semaphore_mem>>
        %dma_start3A = arith.constant 0 : i32
        %dma_start3A_19 = tpu.memref_slice %arg10[%mul3A_0, %dma_start3A] : memref<10240x128xf32, #tpu.memory_space<hbm>> -> memref<640x128xf32, #tpu.memory_space<hbm>>
        %dma_start3A_20 = arith.constant 0 : i32
        %dma_start3A_21 = tpu.memref_slice %arg11[%mul3A_0, %dma_start3A_20] : memref<10240x128xf32, #tpu.memory_space<vmem_shared>> -> memref<640x128xf32, #tpu.memory_space<vmem_shared>>
        tpu.enqueue_dma source(%dma_start3A_21 : memref<640x128xf32, #tpu.memory_space<vmem_shared>>) target(%dma_start3A_19 : memref<640x128xf32, #tpu.memory_space<hbm>>) target_semaphore(%run_scoped3A : memref<!tpu.dma_semaphore, #tpu.memory_space<semaphore_mem>>)
        %dma_wait3A = arith.constant 0 : i32
        %dma_wait3A_22 = tpu.memref_slice %arg10[%mul3A_0, %dma_wait3A] : memref<10240x128xf32, #tpu.memory_space<hbm>> -> memref<640x128xf32, #tpu.memory_space<hbm>>
        %dma_wait3A_23 = arith.constant 0 : i32
        %dma_wait3A_24 = tpu.memref_slice %arg11[%mul3A_0, %dma_wait3A_23] : memref<10240x128xf32, #tpu.memory_space<vmem_shared>> -> memref<640x128xf32, #tpu.memory_space<vmem_shared>>
        tpu.wait_dma2 semaphore(%run_scoped3A : memref<!tpu.dma_semaphore, #tpu.memory_space<semaphore_mem>>) src(%dma_wait3A_24 : memref<640x128xf32, #tpu.memory_space<vmem_shared>>) dst(%dma_wait3A_22 : memref<640x128xf32, #tpu.memory_space<hbm>>)
        tpu.yield
      }) : () -> ()
    } else {
    }
    return
  }
}

module attributes {stable_mosaic.version = 14 : i64} {
  func.func @_layer1_body(%arg0: i32, %arg1: memref<1000x128xf32, #tpu.memory_space<vmem>>, %arg2: memref<1000x128xf32, #tpu.memory_space<vmem>>, %arg3: memref<1000x128xf32, #tpu.memory_space<vmem>>, %arg4: memref<1000x128xf32, #tpu.memory_space<vmem>>, %arg5: memref<1000x128xf32, #tpu.memory_space<vmem>>, %arg6: memref<1000x128xf32, #tpu.memory_space<vmem>>, %arg7: memref<128x256xf32, #tpu.memory_space<vmem>>, %arg8: memref<1x256xf32, #tpu.memory_space<vmem>>, %arg9: memref<128x256xf32, #tpu.memory_space<vmem>>, %arg10: memref<1x256xf32, #tpu.memory_space<vmem>>, %arg11: memref<256x256xf32, #tpu.memory_space<vmem>>, %arg12: memref<1x256xf32, #tpu.memory_space<vmem>>, %arg13: memref<256x256xf32, #tpu.memory_space<vmem>>, %arg14: memref<256x256xf32, #tpu.memory_space<vmem>>, %arg15: memref<1x256xf32, #tpu.memory_space<vmem>>, %arg16: memref<256x256xf32, #tpu.memory_space<vmem>>, %arg17: memref<256x128xf32, #tpu.memory_space<vmem>>, %arg18: memref<256x128xf32, #tpu.memory_space<vmem>>, %arg19: memref<1000x256xf32, #tpu.memory_space<vmem>>, %arg20: memref<1000x256xf32, #tpu.memory_space<vmem>>, %arg21: memref<1000x128xf32, #tpu.memory_space<vmem>>, %arg22: memref<1000x128xf32, #tpu.memory_space<vmem>>) attributes {dimension_semantics = [#tpu.dimension_semantics<arbitrary>], iteration_bounds = array<i64: 10>, scalar_prefetch = 0 : i64, scratch_operands = 0 : i64, tpu.core_type = #tpu.core_type<tc>, window_params = [{transform_indices = @transform_0, window_bounds = array<i64: 1000, 128>}, {transform_indices = @transform_1, window_bounds = array<i64: 1000, 128>}, {transform_indices = @transform_2, window_bounds = array<i64: 1000, 128>}, {transform_indices = @transform_3, window_bounds = array<i64: 1000, 128>}, {transform_indices = @transform_4, window_bounds = array<i64: 1000, 128>}, {transform_indices = @transform_5, window_bounds = array<i64: 1000, 128>}, {pipeline_mode = #tpu.pipeline_mode<synchronous>, transform_indices = @transform_6, window_bounds = array<i64: 128, 256>}, {pipeline_mode = #tpu.pipeline_mode<synchronous>, transform_indices = @transform_7, window_bounds = array<i64: 1, 256>}, {pipeline_mode = #tpu.pipeline_mode<synchronous>, transform_indices = @transform_8, window_bounds = array<i64: 128, 256>}, {pipeline_mode = #tpu.pipeline_mode<synchronous>, transform_indices = @transform_9, window_bounds = array<i64: 1, 256>}, {pipeline_mode = #tpu.pipeline_mode<synchronous>, transform_indices = @transform_10, window_bounds = array<i64: 256, 256>}, {pipeline_mode = #tpu.pipeline_mode<synchronous>, transform_indices = @transform_11, window_bounds = array<i64: 1, 256>}, {pipeline_mode = #tpu.pipeline_mode<synchronous>, transform_indices = @transform_12, window_bounds = array<i64: 256, 256>}, {pipeline_mode = #tpu.pipeline_mode<synchronous>, transform_indices = @transform_13, window_bounds = array<i64: 256, 256>}, {pipeline_mode = #tpu.pipeline_mode<synchronous>, transform_indices = @transform_14, window_bounds = array<i64: 1, 256>}, {pipeline_mode = #tpu.pipeline_mode<synchronous>, transform_indices = @transform_15, window_bounds = array<i64: 256, 256>}, {pipeline_mode = #tpu.pipeline_mode<synchronous>, transform_indices = @transform_16, window_bounds = array<i64: 256, 128>}, {pipeline_mode = #tpu.pipeline_mode<synchronous>, transform_indices = @transform_17, window_bounds = array<i64: 256, 128>}, {transform_indices = @transform_18, window_bounds = array<i64: 1000, 256>}, {transform_indices = @transform_19, window_bounds = array<i64: 1000, 256>}, {transform_indices = @transform_20, window_bounds = array<i64: 1000, 128>}, {transform_indices = @transform_21, window_bounds = array<i64: 1000, 128>}]} {
    %get3A = arith.constant 0 : index
    %get3A_0 = arith.constant 0 : index
    %get3A_1 = vector.load %arg4[%get3A, %get3A_0] : memref<1000x128xf32, #tpu.memory_space<vmem>>, vector<1000x1xf32>
    %get3A_2 = arith.constant 0 : index
    %get3A_3 = arith.constant 0 : index
    %get3A_4 = vector.load %arg6[%get3A_2, %get3A_3] : memref<1000x128xf32, #tpu.memory_space<vmem>>, vector<1000x1xf32>
    %get3A_5 = arith.constant 0 : index
    %get3A_6 = arith.constant 0 : index
    %get3A_7 = vector.load %arg3[%get3A_5, %get3A_6] : memref<1000x128xf32, #tpu.memory_space<vmem>>, vector<1000x128xf32>
    %max3A = arith.constant 1.000000e+00 : f32
    %max3A_8 = vector.broadcast %max3A : f32 to vector<1000x1xf32>
    %max3A_9 = arith.maximumf %get3A_1, %max3A_8 : vector<1000x1xf32>
    %div3A = vector.broadcast %max3A_9 : vector<1000x1xf32> to vector<1000x128xf32>
    %div3A_10 = arith.divf %get3A_7, %div3A : vector<1000x128xf32>
    %get3A_11 = arith.constant 0 : index
    %get3A_12 = arith.constant 0 : index
    %get3A_13 = vector.load %arg5[%get3A_11, %get3A_12] : memref<1000x128xf32, #tpu.memory_space<vmem>>, vector<1000x128xf32>
    %max3A_14 = arith.constant 1.000000e+00 : f32
    %max3A_15 = vector.broadcast %max3A_14 : f32 to vector<1000x1xf32>
    %max3A_16 = arith.maximumf %get3A_4, %max3A_15 : vector<1000x1xf32>
    %div3A_17 = vector.broadcast %max3A_16 : vector<1000x1xf32> to vector<1000x128xf32>
    %div3A_18 = arith.divf %get3A_13, %div3A_17 : vector<1000x128xf32>
    %gt3A = arith.constant 0.000000e+00 : f32
    %gt3A_19 = vector.broadcast %gt3A : f32 to vector<1000x1xf32>
    %gt3A_20 = arith.cmpf ogt, %get3A_1, %gt3A_19 : vector<1000x1xf32>
    %convert_element_type3A = arith.extui %gt3A_20 : vector<1000x1xi1> to vector<1000x1xi32>
    %convert_element_type3A_21 = arith.sitofp %convert_element_type3A : vector<1000x1xi32> to vector<1000x1xf32>
    %gt3A_22 = arith.constant 0.000000e+00 : f32
    %gt3A_23 = vector.broadcast %gt3A_22 : f32 to vector<1000x1xf32>
    %gt3A_24 = arith.cmpf ogt, %get3A_4, %gt3A_23 : vector<1000x1xf32>
    %convert_element_type3A_25 = arith.extui %gt3A_24 : vector<1000x1xi1> to vector<1000x1xi32>
    %convert_element_type3A_26 = arith.sitofp %convert_element_type3A_25 : vector<1000x1xi32> to vector<1000x1xf32>
    %get3A_27 = arith.constant 0 : index
    %get3A_28 = arith.constant 0 : index
    %get3A_29 = vector.load %arg7[%get3A_27, %get3A_28] : memref<128x256xf32, #tpu.memory_space<vmem>>, vector<128x256xf32>
    %dot_general3A = arith.constant dense<0.000000e+00> : vector<1000x256xf32>
    %dot_general3A_30 = tpu.matmul %div3A_10, %get3A_29, %dot_general3A {dimension_numbers = #tpu.dot_dimension_numbers<[1], [0], [0], [1], [0, 0, 1, 1], [], []>, transpose_lhs_hint = false} : vector<1000x128xf32>, vector<128x256xf32>, vector<1000x256xf32> -> vector<1000x256xf32>
    %get3A_31 = arith.constant 0 : index
    %get3A_32 = arith.constant 0 : index
    %get3A_33 = vector.load %arg8[%get3A_31, %get3A_32] : memref<1x256xf32, #tpu.memory_space<vmem>>, vector<1x256xf32>
    %mul3A = vector.broadcast %convert_element_type3A_21 : vector<1000x1xf32> to vector<1000x256xf32>
    %mul3A_34 = vector.broadcast %get3A_33 : vector<1x256xf32> to vector<1000x256xf32>
    %mul3A_35 = arith.mulf %mul3A, %mul3A_34 : vector<1000x256xf32>
    %add3A = arith.addf %dot_general3A_30, %mul3A_35 : vector<1000x256xf32>
    %get3A_36 = arith.constant 0 : index
    %get3A_37 = arith.constant 0 : index
    %get3A_38 = vector.load %arg9[%get3A_36, %get3A_37] : memref<128x256xf32, #tpu.memory_space<vmem>>, vector<128x256xf32>
    %dot_general3A_39 = arith.constant dense<0.000000e+00> : vector<1000x256xf32>
    %dot_general3A_40 = tpu.matmul %div3A_18, %get3A_38, %dot_general3A_39 {dimension_numbers = #tpu.dot_dimension_numbers<[1], [0], [0], [1], [0, 0, 1, 1], [], []>, transpose_lhs_hint = false} : vector<1000x128xf32>, vector<128x256xf32>, vector<1000x256xf32> -> vector<1000x256xf32>
    %get3A_41 = arith.constant 0 : index
    %get3A_42 = arith.constant 0 : index
    %get3A_43 = vector.load %arg10[%get3A_41, %get3A_42] : memref<1x256xf32, #tpu.memory_space<vmem>>, vector<1x256xf32>
    %mul3A_44 = vector.broadcast %convert_element_type3A_26 : vector<1000x1xf32> to vector<1000x256xf32>
    %mul3A_45 = vector.broadcast %get3A_43 : vector<1x256xf32> to vector<1000x256xf32>
    %mul3A_46 = arith.mulf %mul3A_44, %mul3A_45 : vector<1000x256xf32>
    %add3A_47 = arith.addf %dot_general3A_40, %mul3A_46 : vector<1000x256xf32>
    %get3A_48 = arith.constant 0 : index
    %get3A_49 = arith.constant 0 : index
    %get3A_50 = vector.load %arg2[%get3A_48, %get3A_49] : memref<1000x128xf32, #tpu.memory_space<vmem>>, vector<1000x128xf32>
    %get3A_51 = arith.constant 0 : index
    %get3A_52 = arith.constant 0 : index
    %get3A_53 = vector.load %arg9[%get3A_51, %get3A_52] : memref<128x256xf32, #tpu.memory_space<vmem>>, vector<128x256xf32>
    %dot_general3A_54 = arith.constant dense<0.000000e+00> : vector<1000x256xf32>
    %dot_general3A_55 = tpu.matmul %get3A_50, %get3A_53, %dot_general3A_54 {dimension_numbers = #tpu.dot_dimension_numbers<[1], [0], [0], [1], [0, 0, 1, 1], [], []>, transpose_lhs_hint = false} : vector<1000x128xf32>, vector<128x256xf32>, vector<1000x256xf32> -> vector<1000x256xf32>
    %get3A_56 = arith.constant 0 : index
    %get3A_57 = arith.constant 0 : index
    %get3A_58 = vector.load %arg10[%get3A_56, %get3A_57] : memref<1x256xf32, #tpu.memory_space<vmem>>, vector<1x256xf32>
    %add3A_59 = vector.broadcast %get3A_58 : vector<1x256xf32> to vector<1000x256xf32>
    %add3A_60 = arith.addf %dot_general3A_55, %add3A_59 : vector<1000x256xf32>
    %get3A_61 = arith.constant 0 : index
    %get3A_62 = arith.constant 0 : index
    %get3A_63 = vector.load %arg1[%get3A_61, %get3A_62] : memref<1000x128xf32, #tpu.memory_space<vmem>>, vector<1000x128xf32>
    %get3A_64 = arith.constant 0 : index
    %get3A_65 = arith.constant 0 : index
    %get3A_66 = vector.load %arg7[%get3A_64, %get3A_65] : memref<128x256xf32, #tpu.memory_space<vmem>>, vector<128x256xf32>
    %dot_general3A_67 = arith.constant dense<0.000000e+00> : vector<1000x256xf32>
    %dot_general3A_68 = tpu.matmul %get3A_63, %get3A_66, %dot_general3A_67 {dimension_numbers = #tpu.dot_dimension_numbers<[1], [0], [0], [1], [0, 0, 1, 1], [], []>, transpose_lhs_hint = false} : vector<1000x128xf32>, vector<128x256xf32>, vector<1000x256xf32> -> vector<1000x256xf32>
    %get3A_69 = arith.constant 0 : index
    %get3A_70 = arith.constant 0 : index
    %get3A_71 = vector.load %arg8[%get3A_69, %get3A_70] : memref<1x256xf32, #tpu.memory_space<vmem>>, vector<1x256xf32>
    %add3A_72 = vector.broadcast %get3A_71 : vector<1x256xf32> to vector<1000x256xf32>
    %add3A_73 = arith.addf %dot_general3A_68, %add3A_72 : vector<1000x256xf32>
    %get3A_74 = arith.constant 0 : index
    %get3A_75 = arith.constant 0 : index
    %get3A_76 = vector.load %arg11[%get3A_74, %get3A_75] : memref<256x256xf32, #tpu.memory_space<vmem>>, vector<256x256xf32>
    %dot_general3A_77 = arith.constant dense<0.000000e+00> : vector<1000x256xf32>
    %dot_general3A_78 = tpu.matmul %add3A, %get3A_76, %dot_general3A_77 {dimension_numbers = #tpu.dot_dimension_numbers<[1], [0], [0], [1], [0, 0, 1, 1], [], []>, transpose_lhs_hint = false} : vector<1000x256xf32>, vector<256x256xf32>, vector<1000x256xf32> -> vector<1000x256xf32>
    %get3A_79 = arith.constant 0 : index
    %get3A_80 = arith.constant 0 : index
    %get3A_81 = vector.load %arg12[%get3A_79, %get3A_80] : memref<1x256xf32, #tpu.memory_space<vmem>>, vector<1x256xf32>
    %add3A_82 = vector.broadcast %get3A_81 : vector<1x256xf32> to vector<1000x256xf32>
    %add3A_83 = arith.addf %dot_general3A_78, %add3A_82 : vector<1000x256xf32>
    %get3A_84 = arith.constant 0 : index
    %get3A_85 = arith.constant 0 : index
    %get3A_86 = vector.load %arg13[%get3A_84, %get3A_85] : memref<256x256xf32, #tpu.memory_space<vmem>>, vector<256x256xf32>
    %dot_general3A_87 = arith.constant dense<0.000000e+00> : vector<1000x256xf32>
    %dot_general3A_88 = tpu.matmul %add3A_60, %get3A_86, %dot_general3A_87 {dimension_numbers = #tpu.dot_dimension_numbers<[1], [0], [0], [1], [0, 0, 1, 1], [], []>, transpose_lhs_hint = false} : vector<1000x256xf32>, vector<256x256xf32>, vector<1000x256xf32> -> vector<1000x256xf32>
    %add3A_89 = arith.addf %add3A_83, %dot_general3A_88 : vector<1000x256xf32>
    %max3A_90 = arith.constant 0.000000e+00 : f32
    %max3A_91 = vector.broadcast %max3A_90 : f32 to vector<1000x256xf32>
    %max3A_92 = arith.maximumf %add3A_89, %max3A_91 : vector<1000x256xf32>
    %get3A_93 = arith.constant 0 : index
    %get3A_94 = arith.constant 0 : index
    %get3A_95 = vector.load %arg14[%get3A_93, %get3A_94] : memref<256x256xf32, #tpu.memory_space<vmem>>, vector<256x256xf32>
    %dot_general3A_96 = arith.constant dense<0.000000e+00> : vector<1000x256xf32>
    %dot_general3A_97 = tpu.matmul %add3A_47, %get3A_95, %dot_general3A_96 {dimension_numbers = #tpu.dot_dimension_numbers<[1], [0], [0], [1], [0, 0, 1, 1], [], []>, transpose_lhs_hint = false} : vector<1000x256xf32>, vector<256x256xf32>, vector<1000x256xf32> -> vector<1000x256xf32>
    %get3A_98 = arith.constant 0 : index
    %get3A_99 = arith.constant 0 : index
    %get3A_100 = vector.load %arg15[%get3A_98, %get3A_99] : memref<1x256xf32, #tpu.memory_space<vmem>>, vector<1x256xf32>
    %add3A_101 = vector.broadcast %get3A_100 : vector<1x256xf32> to vector<1000x256xf32>
    %add3A_102 = arith.addf %dot_general3A_97, %add3A_101 : vector<1000x256xf32>
    %get3A_103 = arith.constant 0 : index
    %get3A_104 = arith.constant 0 : index
    %get3A_105 = vector.load %arg16[%get3A_103, %get3A_104] : memref<256x256xf32, #tpu.memory_space<vmem>>, vector<256x256xf32>
    %dot_general3A_106 = arith.constant dense<0.000000e+00> : vector<1000x256xf32>
    %dot_general3A_107 = tpu.matmul %add3A_73, %get3A_105, %dot_general3A_106 {dimension_numbers = #tpu.dot_dimension_numbers<[1], [0], [0], [1], [0, 0, 1, 1], [], []>, transpose_lhs_hint = false} : vector<1000x256xf32>, vector<256x256xf32>, vector<1000x256xf32> -> vector<1000x256xf32>
    %add3A_108 = arith.addf %add3A_102, %dot_general3A_107 : vector<1000x256xf32>
    %max3A_109 = arith.constant 0.000000e+00 : f32
    %max3A_110 = vector.broadcast %max3A_109 : f32 to vector<1000x256xf32>
    %max3A_111 = arith.maximumf %add3A_108, %max3A_110 : vector<1000x256xf32>
    %swap3A = arith.constant 0 : index
    %swap3A_112 = arith.constant 0 : index
    %swap3A_113 = vector.load %arg19[%swap3A, %swap3A_112] : memref<1000x256xf32, #tpu.memory_space<vmem>>, vector<1000x256xf32>
    tpu.vector_store %arg19[%swap3A, %swap3A_112], %max3A_92 {strides = array<i32>} : memref<1000x256xf32, #tpu.memory_space<vmem>>, vector<1000x256xf32>,
    %swap3A_114 = arith.constant 0 : index
    %swap3A_115 = arith.constant 0 : index
    %swap3A_116 = vector.load %arg20[%swap3A_114, %swap3A_115] : memref<1000x256xf32, #tpu.memory_space<vmem>>, vector<1000x256xf32>
    tpu.vector_store %arg20[%swap3A_114, %swap3A_115], %max3A_111 {strides = array<i32>} : memref<1000x256xf32, #tpu.memory_space<vmem>>, vector<1000x256xf32>,
    %get3A_117 = arith.constant 0 : index
    %get3A_118 = arith.constant 0 : index
    %get3A_119 = vector.load %arg17[%get3A_117, %get3A_118] : memref<256x128xf32, #tpu.memory_space<vmem>>, vector<256x128xf32>
    %dot_general3A_120 = arith.constant dense<0.000000e+00> : vector<1000x128xf32>
    %dot_general3A_121 = tpu.matmul %max3A_111, %get3A_119, %dot_general3A_120 {dimension_numbers = #tpu.dot_dimension_numbers<[1], [0], [0], [1], [0, 0, 1, 1], [], []>, transpose_lhs_hint = false} : vector<1000x256xf32>, vector<256x128xf32>, vector<1000x128xf32> -> vector<1000x128xf32>
    %swap3A_122 = arith.constant 0 : index
    %swap3A_123 = arith.constant 0 : index
    %swap3A_124 = vector.load %arg21[%swap3A_122, %swap3A_123] : memref<1000x128xf32, #tpu.memory_space<vmem>>, vector<1000x128xf32>
    tpu.vector_store %arg21[%swap3A_122, %swap3A_123], %dot_general3A_121 {strides = array<i32>} : memref<1000x128xf32, #tpu.memory_space<vmem>>, vector<1000x128xf32>,
    %get3A_125 = arith.constant 0 : index
    %get3A_126 = arith.constant 0 : index
    %get3A_127 = vector.load %arg18[%get3A_125, %get3A_126] : memref<256x128xf32, #tpu.memory_space<vmem>>, vector<256x128xf32>
    %dot_general3A_128 = arith.constant dense<0.000000e+00> : vector<1000x128xf32>
    %dot_general3A_129 = tpu.matmul %max3A_92, %get3A_127, %dot_general3A_128 {dimension_numbers = #tpu.dot_dimension_numbers<[1], [0], [0], [1], [0, 0, 1, 1], [], []>, transpose_lhs_hint = false} : vector<1000x256xf32>, vector<256x128xf32>, vector<1000x128xf32> -> vector<1000x128xf32>
    %swap3A_130 = arith.constant 0 : index
    %swap3A_131 = arith.constant 0 : index
    %swap3A_132 = vector.load %arg22[%swap3A_130, %swap3A_131] : memref<1000x128xf32, #tpu.memory_space<vmem>>, vector<1000x128xf32>
    tpu.vector_store %arg22[%swap3A_130, %swap3A_131], %dot_general3A_129 {strides = array<i32>} : memref<1000x128xf32, #tpu.memory_space<vmem>>, vector<1000x128xf32>,
    return
  }
  func.func @transform_0(%arg0: i32) -> (i32, i32) {
    %c0_i32 = arith.constant 0 : i32
    %c0_i32_0 = arith.constant 0 : i32
    return %arg0, %c0_i32 : i32, i32
  }
  func.func @transform_1(%arg0: i32) -> (i32, i32) {
    %c0_i32 = arith.constant 0 : i32
    %c0_i32_0 = arith.constant 0 : i32
    return %arg0, %c0_i32 : i32, i32
  }
  func.func @transform_2(%arg0: i32) -> (i32, i32) {
    %c0_i32 = arith.constant 0 : i32
    %c0_i32_0 = arith.constant 0 : i32
    return %arg0, %c0_i32 : i32, i32
  }
  func.func @transform_3(%arg0: i32) -> (i32, i32) {
    %c0_i32 = arith.constant 0 : i32
    %c0_i32_0 = arith.constant 0 : i32
    return %arg0, %c0_i32 : i32, i32
  }
  func.func @transform_4(%arg0: i32) -> (i32, i32) {
    %c0_i32 = arith.constant 0 : i32
    %c0_i32_0 = arith.constant 0 : i32
    return %arg0, %c0_i32 : i32, i32
  }
  func.func @transform_5(%arg0: i32) -> (i32, i32) {
    %c0_i32 = arith.constant 0 : i32
    %c0_i32_0 = arith.constant 0 : i32
    return %arg0, %c0_i32 : i32, i32
  }
  func.func @transform_6(%arg0: i32) -> (i32, i32) {
    %c0_i32 = arith.constant 0 : i32
    %c0_i32_0 = arith.constant 0 : i32
    %c0_i32_1 = arith.constant 0 : i32
    return %c0_i32, %c0_i32_0 : i32, i32
  }
  func.func @transform_7(%arg0: i32) -> (i32, i32) {
    %c0_i32 = arith.constant 0 : i32
    %c0_i32_0 = arith.constant 0 : i32
    %c0_i32_1 = arith.constant 0 : i32
    return %c0_i32, %c0_i32_0 : i32, i32
  }
  func.func @transform_8(%arg0: i32) -> (i32, i32) {
    %c0_i32 = arith.constant 0 : i32
    %c0_i32_0 = arith.constant 0 : i32
    %c0_i32_1 = arith.constant 0 : i32
    return %c0_i32, %c0_i32_0 : i32, i32
  }
  func.func @transform_9(%arg0: i32) -> (i32, i32) {
    %c0_i32 = arith.constant 0 : i32
    %c0_i32_0 = arith.constant 0 : i32
    %c0_i32_1 = arith.constant 0 : i32
    return %c0_i32, %c0_i32_0 : i32, i32
  }
  func.func @transform_10(%arg0: i32) -> (i32, i32) {
    %c0_i32 = arith.constant 0 : i32
    %c0_i32_0 = arith.constant 0 : i32
    %c0_i32_1 = arith.constant 0 : i32
    return %c0_i32, %c0_i32_0 : i32, i32
  }
  func.func @transform_11(%arg0: i32) -> (i32, i32) {
    %c0_i32 = arith.constant 0 : i32
    %c0_i32_0 = arith.constant 0 : i32
    %c0_i32_1 = arith.constant 0 : i32
    return %c0_i32, %c0_i32_0 : i32, i32
  }
  func.func @transform_12(%arg0: i32) -> (i32, i32) {
    %c0_i32 = arith.constant 0 : i32
    %c0_i32_0 = arith.constant 0 : i32
    %c0_i32_1 = arith.constant 0 : i32
    return %c0_i32, %c0_i32_0 : i32, i32
  }
  func.func @transform_13(%arg0: i32) -> (i32, i32) {
    %c0_i32 = arith.constant 0 : i32
    %c0_i32_0 = arith.constant 0 : i32
    %c0_i32_1 = arith.constant 0 : i32
    return %c0_i32, %c0_i32_0 : i32, i32
  }
  func.func @transform_14(%arg0: i32) -> (i32, i32) {
    %c0_i32 = arith.constant 0 : i32
    %c0_i32_0 = arith.constant 0 : i32
    %c0_i32_1 = arith.constant 0 : i32
    return %c0_i32, %c0_i32_0 : i32, i32
  }
  func.func @transform_15(%arg0: i32) -> (i32, i32) {
    %c0_i32 = arith.constant 0 : i32
    %c0_i32_0 = arith.constant 0 : i32
    %c0_i32_1 = arith.constant 0 : i32
    return %c0_i32, %c0_i32_0 : i32, i32
  }
  func.func @transform_16(%arg0: i32) -> (i32, i32) {
    %c0_i32 = arith.constant 0 : i32
    %c0_i32_0 = arith.constant 0 : i32
    %c0_i32_1 = arith.constant 0 : i32
    return %c0_i32, %c0_i32_0 : i32, i32
  }
  func.func @transform_17(%arg0: i32) -> (i32, i32) {
    %c0_i32 = arith.constant 0 : i32
    %c0_i32_0 = arith.constant 0 : i32
    %c0_i32_1 = arith.constant 0 : i32
    return %c0_i32, %c0_i32_0 : i32, i32
  }
  func.func @transform_18(%arg0: i32) -> (i32, i32) {
    %c0_i32 = arith.constant 0 : i32
    %c0_i32_0 = arith.constant 0 : i32
    return %arg0, %c0_i32 : i32, i32
  }
  func.func @transform_19(%arg0: i32) -> (i32, i32) {
    %c0_i32 = arith.constant 0 : i32
    %c0_i32_0 = arith.constant 0 : i32
    return %arg0, %c0_i32 : i32, i32
  }
  func.func @transform_20(%arg0: i32) -> (i32, i32) {
    %c0_i32 = arith.constant 0 : i32
    %c0_i32_0 = arith.constant 0 : i32
    return %arg0, %c0_i32 : i32, i32
  }
  func.func @transform_21(%arg0: i32) -> (i32, i32) {
    %c0_i32 = arith.constant 0 : i32
    %c0_i32_0 = arith.constant 0 : i32
    return %arg0, %c0_i32 : i32, i32
  }
}

module attributes {stable_mosaic.version = 14 : i64} {
  func.func @_layer2_body(%arg0: i32, %arg1: memref<1000x128xf32, #tpu.memory_space<vmem>>, %arg2: memref<1000x128xf32, #tpu.memory_space<vmem>>, %arg3: memref<1000x256xf32, #tpu.memory_space<vmem>>, %arg4: memref<1000x128xf32, #tpu.memory_space<vmem>>, %arg5: memref<1000x128xf32, #tpu.memory_space<vmem>>, %arg6: memref<1000x256xf32, #tpu.memory_space<vmem>>, %arg7: memref<1x128xf32, #tpu.memory_space<vmem>>, %arg8: memref<256x128xf32, #tpu.memory_space<vmem>>, %arg9: memref<1x128xf32, #tpu.memory_space<vmem>>, %arg10: memref<256x128xf32, #tpu.memory_space<vmem>>, %arg11: memref<1000x128xf32, #tpu.memory_space<vmem>>, %arg12: memref<1000x128xf32, #tpu.memory_space<vmem>>) attributes {dimension_semantics = [#tpu.dimension_semantics<arbitrary>], iteration_bounds = array<i64: 10>, scalar_prefetch = 0 : i64, scratch_operands = 0 : i64, tpu.core_type = #tpu.core_type<tc>, window_params = [{transform_indices = @transform_0, window_bounds = array<i64: 1000, 128>}, {transform_indices = @transform_1, window_bounds = array<i64: 1000, 128>}, {transform_indices = @transform_2, window_bounds = array<i64: 1000, 256>}, {transform_indices = @transform_3, window_bounds = array<i64: 1000, 128>}, {transform_indices = @transform_4, window_bounds = array<i64: 1000, 128>}, {transform_indices = @transform_5, window_bounds = array<i64: 1000, 256>}, {pipeline_mode = #tpu.pipeline_mode<synchronous>, transform_indices = @transform_6, window_bounds = array<i64: 1, 128>}, {pipeline_mode = #tpu.pipeline_mode<synchronous>, transform_indices = @transform_7, window_bounds = array<i64: 256, 128>}, {pipeline_mode = #tpu.pipeline_mode<synchronous>, transform_indices = @transform_8, window_bounds = array<i64: 1, 128>}, {pipeline_mode = #tpu.pipeline_mode<synchronous>, transform_indices = @transform_9, window_bounds = array<i64: 256, 128>}, {transform_indices = @transform_10, window_bounds = array<i64: 1000, 128>}, {transform_indices = @transform_11, window_bounds = array<i64: 1000, 128>}]} {
    %get3A = arith.constant 0 : index
    %get3A_0 = arith.constant 0 : index
    %get3A_1 = vector.load %arg1[%get3A, %get3A_0] : memref<1000x128xf32, #tpu.memory_space<vmem>>, vector<1000x128xf32>
    %get3A_2 = arith.constant 0 : index
    %get3A_3 = arith.constant 0 : index
    %get3A_4 = vector.load %arg2[%get3A_2, %get3A_3] : memref<1000x128xf32, #tpu.memory_space<vmem>>, vector<1000x1xf32>
    %max3A = arith.constant 1.000000e+00 : f32
    %max3A_5 = vector.broadcast %max3A : f32 to vector<1000x1xf32>
    %max3A_6 = arith.maximumf %get3A_4, %max3A_5 : vector<1000x1xf32>
    %div3A = vector.broadcast %max3A_6 : vector<1000x1xf32> to vector<1000x128xf32>
    %div3A_7 = arith.divf %get3A_1, %div3A : vector<1000x128xf32>
    %get3A_8 = arith.constant 0 : index
    %get3A_9 = arith.constant 0 : index
    %get3A_10 = vector.load %arg4[%get3A_8, %get3A_9] : memref<1000x128xf32, #tpu.memory_space<vmem>>, vector<1000x128xf32>
    %get3A_11 = arith.constant 0 : index
    %get3A_12 = arith.constant 0 : index
    %get3A_13 = vector.load %arg5[%get3A_11, %get3A_12] : memref<1000x128xf32, #tpu.memory_space<vmem>>, vector<1000x1xf32>
    %max3A_14 = arith.constant 1.000000e+00 : f32
    %max3A_15 = vector.broadcast %max3A_14 : f32 to vector<1000x1xf32>
    %max3A_16 = arith.maximumf %get3A_13, %max3A_15 : vector<1000x1xf32>
    %div3A_17 = vector.broadcast %max3A_16 : vector<1000x1xf32> to vector<1000x128xf32>
    %div3A_18 = arith.divf %get3A_10, %div3A_17 : vector<1000x128xf32>
    %get3A_19 = arith.constant 0 : index
    %get3A_20 = arith.constant 0 : index
    %get3A_21 = vector.load %arg7[%get3A_19, %get3A_20] : memref<1x128xf32, #tpu.memory_space<vmem>>, vector<1x128xf32>
    %add3A = vector.broadcast %get3A_21 : vector<1x128xf32> to vector<1000x128xf32>
    %add3A_22 = arith.addf %div3A_7, %add3A : vector<1000x128xf32>
    %get3A_23 = arith.constant 0 : index
    %get3A_24 = arith.constant 0 : index
    %get3A_25 = vector.load %arg3[%get3A_23, %get3A_24] : memref<1000x256xf32, #tpu.memory_space<vmem>>, vector<1000x256xf32>
    %get3A_26 = arith.constant 0 : index
    %get3A_27 = arith.constant 0 : index
    %get3A_28 = vector.load %arg8[%get3A_26, %get3A_27] : memref<256x128xf32, #tpu.memory_space<vmem>>, vector<256x128xf32>
    %dot_general3A = arith.constant dense<0.000000e+00> : vector<1000x128xf32>
    %dot_general3A_29 = tpu.matmul %get3A_25, %get3A_28, %dot_general3A {dimension_numbers = #tpu.dot_dimension_numbers<[1], [0], [0], [1], [0, 0, 1, 1], [], []>, transpose_lhs_hint = false} : vector<1000x256xf32>, vector<256x128xf32>, vector<1000x128xf32> -> vector<1000x128xf32>
    %add3A_30 = arith.addf %add3A_22, %dot_general3A_29 : vector<1000x128xf32>
    %max3A_31 = arith.constant 0.000000e+00 : f32
    %max3A_32 = vector.broadcast %max3A_31 : f32 to vector<1000x128xf32>
    %max3A_33 = arith.maximumf %add3A_30, %max3A_32 : vector<1000x128xf32>
    %swap3A = arith.constant 0 : index
    %swap3A_34 = arith.constant 0 : index
    %swap3A_35 = vector.load %arg11[%swap3A, %swap3A_34] : memref<1000x128xf32, #tpu.memory_space<vmem>>, vector<1000x128xf32>
    tpu.vector_store %arg11[%swap3A, %swap3A_34], %max3A_33 {strides = array<i32>} : memref<1000x128xf32, #tpu.memory_space<vmem>>, vector<1000x128xf32>,
    %get3A_36 = arith.constant 0 : index
    %get3A_37 = arith.constant 0 : index
    %get3A_38 = vector.load %arg9[%get3A_36, %get3A_37] : memref<1x128xf32, #tpu.memory_space<vmem>>, vector<1x128xf32>
    %add3A_39 = vector.broadcast %get3A_38 : vector<1x128xf32> to vector<1000x128xf32>
    %add3A_40 = arith.addf %div3A_18, %add3A_39 : vector<1000x128xf32>
    %get3A_41 = arith.constant 0 : index
    %get3A_42 = arith.constant 0 : index
    %get3A_43 = vector.load %arg6[%get3A_41, %get3A_42] : memref<1000x256xf32, #tpu.memory_space<vmem>>, vector<1000x256xf32>
    %get3A_44 = arith.constant 0 : index
    %get3A_45 = arith.constant 0 : index
    %get3A_46 = vector.load %arg10[%get3A_44, %get3A_45] : memref<256x128xf32, #tpu.memory_space<vmem>>, vector<256x128xf32>
    %dot_general3A_47 = arith.constant dense<0.000000e+00> : vector<1000x128xf32>
    %dot_general3A_48 = tpu.matmul %get3A_43, %get3A_46, %dot_general3A_47 {dimension_numbers = #tpu.dot_dimension_numbers<[1], [0], [0], [1], [0, 0, 1, 1], [], []>, transpose_lhs_hint = false} : vector<1000x256xf32>, vector<256x128xf32>, vector<1000x128xf32> -> vector<1000x128xf32>
    %add3A_49 = arith.addf %add3A_40, %dot_general3A_48 : vector<1000x128xf32>
    %max3A_50 = arith.constant 0.000000e+00 : f32
    %max3A_51 = vector.broadcast %max3A_50 : f32 to vector<1000x128xf32>
    %max3A_52 = arith.maximumf %add3A_49, %max3A_51 : vector<1000x128xf32>
    %swap3A_53 = arith.constant 0 : index
    %swap3A_54 = arith.constant 0 : index
    %swap3A_55 = vector.load %arg12[%swap3A_53, %swap3A_54] : memref<1000x128xf32, #tpu.memory_space<vmem>>, vector<1000x128xf32>
    tpu.vector_store %arg12[%swap3A_53, %swap3A_54], %max3A_52 {strides = array<i32>} : memref<1000x128xf32, #tpu.memory_space<vmem>>, vector<1000x128xf32>,
    return
  }
  func.func @transform_0(%arg0: i32) -> (i32, i32) {
    %c0_i32 = arith.constant 0 : i32
    %c0_i32_0 = arith.constant 0 : i32
    return %arg0, %c0_i32 : i32, i32
  }
  func.func @transform_1(%arg0: i32) -> (i32, i32) {
    %c0_i32 = arith.constant 0 : i32
    %c0_i32_0 = arith.constant 0 : i32
    return %arg0, %c0_i32 : i32, i32
  }
  func.func @transform_2(%arg0: i32) -> (i32, i32) {
    %c0_i32 = arith.constant 0 : i32
    %c0_i32_0 = arith.constant 0 : i32
    return %arg0, %c0_i32 : i32, i32
  }
  func.func @transform_3(%arg0: i32) -> (i32, i32) {
    %c0_i32 = arith.constant 0 : i32
    %c0_i32_0 = arith.constant 0 : i32
    return %arg0, %c0_i32 : i32, i32
  }
  func.func @transform_4(%arg0: i32) -> (i32, i32) {
    %c0_i32 = arith.constant 0 : i32
    %c0_i32_0 = arith.constant 0 : i32
    return %arg0, %c0_i32 : i32, i32
  }
  func.func @transform_5(%arg0: i32) -> (i32, i32) {
    %c0_i32 = arith.constant 0 : i32
    %c0_i32_0 = arith.constant 0 : i32
    return %arg0, %c0_i32 : i32, i32
  }
  func.func @transform_6(%arg0: i32) -> (i32, i32) {
    %c0_i32 = arith.constant 0 : i32
    %c0_i32_0 = arith.constant 0 : i32
    %c0_i32_1 = arith.constant 0 : i32
    return %c0_i32, %c0_i32_0 : i32, i32
  }
  func.func @transform_7(%arg0: i32) -> (i32, i32) {
    %c0_i32 = arith.constant 0 : i32
    %c0_i32_0 = arith.constant 0 : i32
    %c0_i32_1 = arith.constant 0 : i32
    return %c0_i32, %c0_i32_0 : i32, i32
  }
  func.func @transform_8(%arg0: i32) -> (i32, i32) {
    %c0_i32 = arith.constant 0 : i32
    %c0_i32_0 = arith.constant 0 : i32
    %c0_i32_1 = arith.constant 0 : i32
    return %c0_i32, %c0_i32_0 : i32, i32
  }
  func.func @transform_9(%arg0: i32) -> (i32, i32) {
    %c0_i32 = arith.constant 0 : i32
    %c0_i32_0 = arith.constant 0 : i32
    %c0_i32_1 = arith.constant 0 : i32
    return %c0_i32, %c0_i32_0 : i32, i32
  }
  func.func @transform_10(%arg0: i32) -> (i32, i32) {
    %c0_i32 = arith.constant 0 : i32
    %c0_i32_0 = arith.constant 0 : i32
    return %arg0, %c0_i32 : i32, i32
  }
  func.func @transform_11(%arg0: i32) -> (i32, i32) {
    %c0_i32 = arith.constant 0 : i32
    %c0_i32_0 = arith.constant 0 : i32
    return %arg0, %c0_i32 : i32, i32
  }
}

module attributes {stable_mosaic.version = 14 : i64} {
  func.func @_decoder_body(%arg0: i32, %arg1: memref<2048x128xf32, #tpu.memory_space<vmem>>, %arg2: memref<2048x128xf32, #tpu.memory_space<vmem>>, %arg3: memref<128x256xf32, #tpu.memory_space<vmem>>, %arg4: memref<128x256xf32, #tpu.memory_space<vmem>>, %arg5: memref<1x256xf32, #tpu.memory_space<vmem>>, %arg6: memref<256x128xf32, #tpu.memory_space<vmem>>, %arg7: memref<1x128xf32, #tpu.memory_space<vmem>>, %arg8: memref<128x1xf32, #tpu.memory_space<vmem>>, %arg9: memref<1x1xf32, #tpu.memory_space<vmem>>, %arg10: memref<2048x1xf32, #tpu.memory_space<vmem>>) attributes {dimension_semantics = [#tpu.dimension_semantics<arbitrary>], iteration_bounds = array<i64: 8>, scalar_prefetch = 0 : i64, scratch_operands = 0 : i64, tpu.core_type = #tpu.core_type<tc>, window_params = [{transform_indices = @transform_0, window_bounds = array<i64: 2048, 128>}, {transform_indices = @transform_1, window_bounds = array<i64: 2048, 128>}, {pipeline_mode = #tpu.pipeline_mode<synchronous>, transform_indices = @transform_2, window_bounds = array<i64: 128, 256>}, {pipeline_mode = #tpu.pipeline_mode<synchronous>, transform_indices = @transform_3, window_bounds = array<i64: 128, 256>}, {pipeline_mode = #tpu.pipeline_mode<synchronous>, transform_indices = @transform_4, window_bounds = array<i64: 1, 256>}, {pipeline_mode = #tpu.pipeline_mode<synchronous>, transform_indices = @transform_5, window_bounds = array<i64: 256, 128>}, {pipeline_mode = #tpu.pipeline_mode<synchronous>, transform_indices = @transform_6, window_bounds = array<i64: 1, 128>}, {pipeline_mode = #tpu.pipeline_mode<synchronous>, transform_indices = @transform_7, window_bounds = array<i64: 128, 1>}, {pipeline_mode = #tpu.pipeline_mode<synchronous>, transform_indices = @transform_8, window_bounds = array<i64: 1, 1>}, {transform_indices = @transform_9, window_bounds = array<i64: 2048, 1>}]} {
    %get3A = arith.constant 0 : index
    %get3A_0 = arith.constant 0 : index
    %get3A_1 = vector.load %arg1[%get3A, %get3A_0] : memref<2048x128xf32, #tpu.memory_space<vmem>>, vector<2048x128xf32>
    %get3A_2 = arith.constant 0 : index
    %get3A_3 = arith.constant 0 : index
    %get3A_4 = vector.load %arg3[%get3A_2, %get3A_3] : memref<128x256xf32, #tpu.memory_space<vmem>>, vector<128x256xf32>
    %dot_general3A = arith.constant dense<0.000000e+00> : vector<2048x256xf32>
    %dot_general3A_5 = tpu.matmul %get3A_1, %get3A_4, %dot_general3A {dimension_numbers = #tpu.dot_dimension_numbers<[1], [0], [0], [1], [0, 0, 1, 1], [], []>, transpose_lhs_hint = false} : vector<2048x128xf32>, vector<128x256xf32>, vector<2048x256xf32> -> vector<2048x256xf32>
    %get3A_6 = arith.constant 0 : index
    %get3A_7 = arith.constant 0 : index
    %get3A_8 = vector.load %arg2[%get3A_6, %get3A_7] : memref<2048x128xf32, #tpu.memory_space<vmem>>, vector<2048x128xf32>
    %get3A_9 = arith.constant 0 : index
    %get3A_10 = arith.constant 0 : index
    %get3A_11 = vector.load %arg4[%get3A_9, %get3A_10] : memref<128x256xf32, #tpu.memory_space<vmem>>, vector<128x256xf32>
    %dot_general3A_12 = arith.constant dense<0.000000e+00> : vector<2048x256xf32>
    %dot_general3A_13 = tpu.matmul %get3A_8, %get3A_11, %dot_general3A_12 {dimension_numbers = #tpu.dot_dimension_numbers<[1], [0], [0], [1], [0, 0, 1, 1], [], []>, transpose_lhs_hint = false} : vector<2048x128xf32>, vector<128x256xf32>, vector<2048x256xf32> -> vector<2048x256xf32>
    %add3A = arith.addf %dot_general3A_5, %dot_general3A_13 : vector<2048x256xf32>
    %get3A_14 = arith.constant 0 : index
    %get3A_15 = arith.constant 0 : index
    %get3A_16 = vector.load %arg5[%get3A_14, %get3A_15] : memref<1x256xf32, #tpu.memory_space<vmem>>, vector<1x256xf32>
    %add3A_17 = vector.broadcast %get3A_16 : vector<1x256xf32> to vector<2048x256xf32>
    %add3A_18 = arith.addf %add3A, %add3A_17 : vector<2048x256xf32>
    %max3A = arith.constant 0.000000e+00 : f32
    %max3A_19 = vector.broadcast %max3A : f32 to vector<2048x256xf32>
    %max3A_20 = arith.maximumf %add3A_18, %max3A_19 : vector<2048x256xf32>
    %get3A_21 = arith.constant 0 : index
    %get3A_22 = arith.constant 0 : index
    %get3A_23 = vector.load %arg6[%get3A_21, %get3A_22] : memref<256x128xf32, #tpu.memory_space<vmem>>, vector<256x128xf32>
    %dot_general3A_24 = arith.constant dense<0.000000e+00> : vector<2048x128xf32>
    %dot_general3A_25 = tpu.matmul %max3A_20, %get3A_23, %dot_general3A_24 {dimension_numbers = #tpu.dot_dimension_numbers<[1], [0], [0], [1], [0, 0, 1, 1], [], []>, transpose_lhs_hint = false} : vector<2048x256xf32>, vector<256x128xf32>, vector<2048x128xf32> -> vector<2048x128xf32>
    %get3A_26 = arith.constant 0 : index
    %get3A_27 = arith.constant 0 : index
    %get3A_28 = vector.load %arg7[%get3A_26, %get3A_27] : memref<1x128xf32, #tpu.memory_space<vmem>>, vector<1x128xf32>
    %add3A_29 = vector.broadcast %get3A_28 : vector<1x128xf32> to vector<2048x128xf32>
    %add3A_30 = arith.addf %dot_general3A_25, %add3A_29 : vector<2048x128xf32>
    %max3A_31 = arith.constant 0.000000e+00 : f32
    %max3A_32 = vector.broadcast %max3A_31 : f32 to vector<2048x128xf32>
    %max3A_33 = arith.maximumf %add3A_30, %max3A_32 : vector<2048x128xf32>
    %get3A_34 = arith.constant 0 : index
    %get3A_35 = arith.constant 0 : index
    %get3A_36 = vector.load %arg8[%get3A_34, %get3A_35] : memref<128x1xf32, #tpu.memory_space<vmem>>, vector<128x1xf32>
    %dot_general3A_37 = arith.constant dense<0.000000e+00> : vector<2048x1xf32>
    %dot_general3A_38 = tpu.matmul %max3A_33, %get3A_36, %dot_general3A_37 {dimension_numbers = #tpu.dot_dimension_numbers<[1], [0], [0], [1], [0, 0, 1, 1], [], []>, transpose_lhs_hint = false} : vector<2048x128xf32>, vector<128x1xf32>, vector<2048x1xf32> -> vector<2048x1xf32>
    %get3A_39 = arith.constant 0 : index
    %get3A_40 = arith.constant 0 : index
    %get3A_41 = vector.load %arg9[%get3A_39, %get3A_40] : memref<1x1xf32, #tpu.memory_space<vmem>>, vector<1x1xf32>
    %add3A_42 = vector.broadcast %get3A_41 : vector<1x1xf32> to vector<2048x1xf32>
    %add3A_43 = arith.addf %dot_general3A_38, %add3A_42 : vector<2048x1xf32>
    %logistic3A = arith.negf %add3A_43 : vector<2048x1xf32>
    %logistic3A_44 = math.exp %logistic3A : vector<2048x1xf32>
    %logistic3A_45 = arith.constant 1.000000e+00 : f32
    %logistic3A_46 = vector.broadcast %logistic3A_45 : f32 to vector<2048x1xf32>
    %logistic3A_47 = arith.addf %logistic3A_46, %logistic3A_44 : vector<2048x1xf32>
    %logistic3A_48 = arith.divf %logistic3A_46, %logistic3A_47 : vector<2048x1xf32>
    %swap3A = arith.constant 0 : index
    %swap3A_49 = arith.constant 0 : index
    %swap3A_50 = vector.load %arg10[%swap3A, %swap3A_49] : memref<2048x1xf32, #tpu.memory_space<vmem>>, vector<2048x1xf32>
    tpu.vector_store %arg10[%swap3A, %swap3A_49], %logistic3A_48 {strides = array<i32>} : memref<2048x1xf32, #tpu.memory_space<vmem>>, vector<2048x1xf32>,
    return
  }
  func.func @transform_0(%arg0: i32) -> (i32, i32) {
    %c0_i32 = arith.constant 0 : i32
    %c0_i32_0 = arith.constant 0 : i32
    return %arg0, %c0_i32 : i32, i32
  }
  func.func @transform_1(%arg0: i32) -> (i32, i32) {
    %c0_i32 = arith.constant 0 : i32
    %c0_i32_0 = arith.constant 0 : i32
    return %arg0, %c0_i32 : i32, i32
  }
  func.func @transform_2(%arg0: i32) -> (i32, i32) {
    %c0_i32 = arith.constant 0 : i32
    %c0_i32_0 = arith.constant 0 : i32
    %c0_i32_1 = arith.constant 0 : i32
    return %c0_i32, %c0_i32_0 : i32, i32
  }
  func.func @transform_3(%arg0: i32) -> (i32, i32) {
    %c0_i32 = arith.constant 0 : i32
    %c0_i32_0 = arith.constant 0 : i32
    %c0_i32_1 = arith.constant 0 : i32
    return %c0_i32, %c0_i32_0 : i32, i32
  }
  func.func @transform_4(%arg0: i32) -> (i32, i32) {
    %c0_i32 = arith.constant 0 : i32
    %c0_i32_0 = arith.constant 0 : i32
    %c0_i32_1 = arith.constant 0 : i32
    return %c0_i32, %c0_i32_0 : i32, i32
  }
  func.func @transform_5(%arg0: i32) -> (i32, i32) {
    %c0_i32 = arith.constant 0 : i32
    %c0_i32_0 = arith.constant 0 : i32
    %c0_i32_1 = arith.constant 0 : i32
    return %c0_i32, %c0_i32_0 : i32, i32
  }
  func.func @transform_6(%arg0: i32) -> (i32, i32) {
    %c0_i32 = arith.constant 0 : i32
    %c0_i32_0 = arith.constant 0 : i32
    %c0_i32_1 = arith.constant 0 : i32
    return %c0_i32, %c0_i32_0 : i32, i32
  }
  func.func @transform_7(%arg0: i32) -> (i32, i32) {
    %c0_i32 = arith.constant 0 : i32
    %c0_i32_0 = arith.constant 0 : i32
    %c0_i32_1 = arith.constant 0 : i32
    return %c0_i32, %c0_i32_0 : i32, i32
  }
  func.func @transform_8(%arg0: i32) -> (i32, i32) {
    %c0_i32 = arith.constant 0 : i32
    %c0_i32_0 = arith.constant 0 : i32
    %c0_i32_1 = arith.constant 0 : i32
    return %c0_i32, %c0_i32_0 : i32, i32
  }
  func.func @transform_9(%arg0: i32) -> (i32, i32) {
    %c0_i32 = arith.constant 0 : i32
    %c0_i32_0 = arith.constant 0 : i32
    return %arg0, %c0_i32 : i32, i32
  }
}

</mosaic_0001>

<sc_bundles>
// kernel: sc_counts.3.cloned.1.call-start
scs
__scs_entry_jumppad:
0x0: {  	(pc) =	sbr.rel $0x88, $3  }
0x1: {  	(tag) =	ssettag $0x0;
	lr =	simm.s32 $0x1  }
0x2: {  	[smem:$0x3F87] =	sst lr;
	_ =	strace $0xD0000000  }
0x3: {  	_ = 	snop  }
0x4: {  	_ = 	snop  }
0x5: {  	_ = 	snop  }
0x6: {  	_ = 	snop  }
0x7: {  	_ = 	snop  }
__scs_overlays_trampoline_lowered:
0x8: {  	[smem:$0x3F96] =	sst s0  }
0x9: {  	[smem:$0x3F97] =	sst s1  }
0xa: {  	[smem:$0x3F98] =	sst s2  }
0xb: {  	[smem:$0x3F99] =	sst s3  }
0xc: {  	[smem:$0x3F9A] =	sst s4  }
0xd: {  	[smem:$0x3F9B] =	sst s5  }
0xe: {  	[smem:$0x3F9C] =	sst s6  }
0xf: {  	[smem:$0x3F9D] =	sst s7  }
0x10: {  	[smem:$0x3F9E] =	sst s8  }
0x11: {  	[smem:$0x3F9F] =	sst s9;
	s0 =	simm.s32 @!p0 $0x0  }
0x12: {  	s1 =	sld [smem:$0x3F85];
	s0 =	simm.s32 @p0 $0x1  }
0x13: {  	[smem:$0x3FA0] =	sst s0;
	s0 =	simm.s32 @!p1 $0x0  }
0x14: {  	s2 =	sld [smem:$0x3F84];
	s0 =	simm.s32 @p1 $0x1  }
0x15: {  	[smem:$0x3FA1] =	sst s0;
	s0 =	simm.s32 @!p2 $0x0  }
0x16: {  	s3 =	sld [smem:$0x3FDB];
	s0 =	simm.s32 @p2 $0x1  }
0x17: {  	s4 =	simm.s32 $0x1BF5;
	[smem:$0x3FA3] =	sst s0  }
0x18: {  	s0 =	sld [smem:$0x3F86];
	_ =	swait.ge [sflag:s4], $0x0  }
0x19: {  	s7 =	sld [smem:$0x3F87]  }
0x1a: {  	s8 =	sadd.s32 $0xFFFFE003, lr  }
0x1b: {  	s9 =	sadd.s32 $0xFFFFFEF7, lr;
	s5 =	simm.s32 $0xFFFFFFFF;
	p2 =	slt.u32 s8, $0xFFFFF086  }
0x1c: {  	p1 =	slt.u32 s9, $0xF7A;
	s5 =	simm.s32 @!p2 $0x0  }
0x1d: {  	s5 =	simm.s32 @p1 $0x1;
	p0 =	seq.s32 s7, s2  }
0x1e: {  	s7 =	smul.u32 @!p0 $0xF7A, s2;
	p2 =	seq.s32 @!p0 s5, $0x0  }
0x1f: {  	s9 =	smul.u32 $0xF7A, s1;
	s8 =	simm.s32 @!p0 $0x1BF5;
	p2 =	por !p2, p0  }
0x20: {  	[sflag:s8] =	ssyncset.s32 @!p0 $0xFFFFF086;
	s6 =	sadd.s32 @!p0 s3, s7;
	s7 =	simm.s32 @!p0 $0x108  }
0x21: {  	s3 =	sadd.s32 s3, s9;
	s6 =	sadd.s32 @!p0 $0x88, s6;
	s7 =	simm.s32 @p2 $0x1082  }
0x22: {  	[simem:s7], [sflag:s8] =	dma.local @!p0 [hbm:s6], $0xF7A  }
0x23: {  	s9 =	sor.u32 $0xD0000000, s2;
	s6 =	simm.s32 $0x108;
	_ =	swait.ge @!p0 [sflag:s8], $0x0  }
0x24: {  	s3 =	sadd.s32 $0x88, s3;
	s6 =	simm.s32 @!p1 $0x1082;
	[sflag:s4] =	ssyncset.s32 $0xFFFFF086  }
0x25: {  	[simem:s6], [sflag:s4] =	dma.local [hbm:s3], $0xF7A  }
0x26: {  	[smem:$0x3F87] =	sst s1;
	(tag) =	ssettag s2;
	_ =	strace s9  }
0x27: {  	s1 =	sld [smem:$0x3F97]  }
0x28: {  	s2 =	sld [smem:$0x3F98]  }
0x29: {  	s4 =	sld [smem:$0x3F9A]  }
0x2a: {  	p0 =	seq.s32 s5, $0x0;
	s5 =	sld [smem:$0x3F9B]  }
0x2b: {  	s6 =	sld [smem:$0x3F9C]  }
0x2c: {  	s7 =	sld [smem:$0x3F9D]  }
0x2d: {  	s3 =	simm.s32 $0x108;
	s8 =	sld [smem:$0x3F9E]  }
0x2e: {  	s3 =	simm.s32 @!p0 $0x1082;
	s9 =	sld [smem:$0x3F9F]  }
0x2f: {  	lr =	sadd.s32 s0, s3;
	s0 =	sld [smem:$0x3F96]  }
0x30: {  	s3 =	sld [smem:$0x3F99]  }
0x31: {  	[smem:$0x3FA2] =	sst s10  }
0x32: {  	s10 =	sld [smem:$0x3FA0];
	_ =	sdelay $0x3  }
0x33: {  	p0 =	seq.s32 s10, $0x1;
	s10 =	sld [smem:$0x3FA2];
	_ =	sdelay $0x3  }
0x34: {  	[smem:$0x3FA2] =	sst s10  }
0x35: {  	s10 =	sld [smem:$0x3FA1];
	_ =	sdelay $0x3  }
0x36: {  	p1 =	seq.s32 s10, $0x1;
	s10 =	sld [smem:$0x3FA2];
	_ =	sdelay $0x3  }
0x37: {  	[smem:$0x3FA2] =	sst s10  }
0x38: {  	s10 =	sld [smem:$0x3FA3]  }
0x39: {  	_ = 	snop;
	(pc) =	sbr.ind lr, $3  }
0x3a: {  	_ = 	snop  }
0x3b: {  	_ = 	snop  }
0x3c: {  	p2 =	seq.s32 s10, $0x1;
	s10 =	sld [smem:$0x3FA2]  }
0x3d: {  	_ =	shalt  }
0x3e: {  	_ =	shalt  }
0x3f: {  	_ =	shalt  }
0x40: {  	_ =	shalt  }
0x41: {  	_ =	shalt  }
0x42: {  	_ =	shalt  }
0x43: {  	_ =	shalt  }
0x44: {  	_ =	shalt  }
0x45: {  	_ =	shalt  }
0x46: {  	_ =	shalt  }
0x47: {  	_ =	shalt  }
0x48: {  	_ =	shalt  }
0x49: {  	_ =	shalt  }
0x4a: {  	_ =	shalt  }
0x4b: {  	_ =	shalt  }
0x4c: {  	_ =	shalt  }
0x4d: {  	_ =	shalt  }
0x4e: {  	_ =	shalt  }
0x4f: {  	_ =	shalt  }
0x50: {  	_ =	shalt  }
0x51: {  	_ =	shalt  }
0x52: {  	_ =	shalt  }
0x53: {  	_ =	shalt  }
0x54: {  	_ =	shalt  }
0x55: {  	_ =	shalt  }
0x56: {  	_ =	shalt  }
0x57: {  	_ =	shalt  }
0x58: {  	_ =	shalt  }
0x59: {  	_ =	shalt  }
0x5a: {  	_ =	shalt  }
0x5b: {  	_ =	shalt  }
0x5c: {  	_ =	shalt  }
0x5d: {  	_ =	shalt  }
0x5e: {  	_ =	shalt  }
0x5f: {  	_ =	shalt  }
0x60: {  	_ =	shalt  }
0x61: {  	_ =	shalt  }
0x62: {  	_ =	shalt  }
0x63: {  	_ =	shalt  }
0x64: {  	_ =	shalt  }
0x65: {  	_ =	shalt  }
0x66: {  	_ =	shalt  }
0x67: {  	_ =	shalt  }
0x68: {  	_ =	shalt  }
0x69: {  	_ =	shalt  }
0x6a: {  	_ =	shalt  }
0x6b: {  	_ =	shalt  }
0x6c: {  	_ =	shalt  }
0x6d: {  	_ =	shalt  }
0x6e: {  	_ =	shalt  }
0x6f: {  	_ =	shalt  }
0x70: {  	_ =	shalt  }
0x71: {  	_ =	shalt  }
0x72: {  	_ =	shalt  }
0x73: {  	_ =	shalt  }
0x74: {  	_ =	shalt  }
0x75: {  	_ =	shalt  }
0x76: {  	_ =	shalt  }
0x77: {  	_ =	shalt  }
0x78: {  	_ =	shalt  }
0x79: {  	_ =	shalt  }
0x7a: {  	_ =	shalt  }
0x7b: {  	_ =	shalt  }
0x7c: {  	_ =	shalt  }
0x7d: {  	_ =	shalt  }
0x7e: {  	_ =	shalt  }
0x7f: {  	_ =	shalt  }
0x80: {  	_ =	shalt  }
0x81: {  	_ =	shalt  }
0x82: {  	_ =	shalt  }
0x83: {  	_ =	shalt  }
0x84: {  	_ =	shalt  }
0x85: {  	_ =	shalt  }
0x86: {  	_ =	shalt  }
0x87: {  	_ =	shalt  }
.Lfunc_end0:
.L_simem_size_0:
called_computation_lowered:
.L_overlay_start_0:
0x88: {  	s2 =	sld [smem:$0x3FD9]  }
0x89: {  	s3 =	sld [smem:$0x3FFE];
	_ =	sdelay $0x1  }
0x8a: {  	s1 =	srdreg.scid  }
0x8b: {  	s0 =	sand.u32 $0x1, s1  }
0x8c: {  	s17 =	sshll.u32 s0, $0xA;
	s2 =	sadd.s32 s3, s2  }
0x8d: {  	s2 =	sadd.s32 s2, s17  }
0x8e: {  	[smem:$0x3FAE] =	sst s2  }
0x8f: {  	_ = 	snop  }
0x90: {  	s2 =	sld [smem:$0x3FD0];
	(tm) =	ssettm $0x1  }
0x91: {  	s18 =	sld [smem:$0x3FFB];
	_ =	sdelay $0x3  }
0x92: {  	_ =	strace s18  }
0x93: {  	s3 =	sld [smem:$0x3FFC];
	_ =	sdelay $0x3  }
0x94: {  	_ =	strace s3  }
0x95: {  	s3 =	sld [smem:$0x3FFD];
	_ =	sdelay $0x3  }
0x96: {  	_ =	strace s3  }
0x97: {  	_ =	strace $0x8FFFFFFF  }
0x98: {  	s19 =	sld [smem:$0x3FDB];
	_ =	sdelay $0x1  }
0x99: {  	s4 =	simm.s32 $_scs_section_size  }
0x9a: {  	s5 =	simm.s32 $_size__tile_overlayer_lowered;
	s6 =	simm.s32 $_tile_overlayer_lowered  }
0x9b: {  	s22 =	simm.s32 $0x1BFF;
	s21 =	sshll.u32 s6, $0x1;
	s3 =	sadd.s32 s4, s19  }
0x9c: {  	s7 =	simm.s32 $0x0;
	s20 =	sshll.u32 s5, $0x1;
	s5 =	sadd.s32 s21, s3  }
0x9d: {  	[timem:s7], [sflag:s22] =	dma.local [hbm:s5], s20  }
0x9e: {  	_ =	swait.ge [sflag:s22], s20  }
0x9f: {  	s4 =	ssub.s32 $0x0, s20;
	[sflag:s22] =	ssyncset.done $0x0  }
0xa0: {  	[sflag:s22] =	ssyncadd.s32 s4;
	_ =	sdelay $0x1  }
0xa1: {  	s23 =	simm.s32 $0x1B8B  }
0xa2: {  	_ =	swait.ge [sflag:s23], $0x1  }
0xa3: {  	[sflag:s23] =	ssyncset.done $0x0  }
0xa4: {  	s25 =	simm.s32 $0x1B8E;
	s24 =	sld [smem:$0x3FFE];
	[sflag:s23] =	ssyncadd.s32 $0xFFFFFFFF  }
0xa5: {  	s26 =	simm.s32 $execute0_lowered;
	[smem:$0x3FD2] =	sst s25  }
0xa6: {  	s5 =	sshll.u32 s26, $0x1;
	_ =	strace $0x80000046;
	[dreg:$0x1] =	wrdreg $0xFFFFFFFF  }
0xa7: {  	s28 =	simm.s32 $_size_execute0_lowered;
	s3 =	sadd.s32 s3, s5;
	[dreg:$0x0] =	wrdreg $0x0  }
0xa8: {  	s5 =	sshll.u32 s28, $0x1;
	[dreg:$0x2] =	wrdreg s3  }
0xa9: {  	[dreg:$0x3] =	wrdreg s5  }
0xaa: {  	[dreg:$0x4] =	wrdreg $0xC0  }
0xab: {  	_ =	task [dreg:s7], $0x5FFFF  }
0xac: {  	[dreg:$0x1] =	wrdreg $0xFFFFFFFF  }
0xad: {  	[dreg:$0x0] =	wrdreg $0x60  }
0xae: {  	[dreg:$0x2] =	wrdreg s24  }
0xaf: {  	[dreg:$0x3] =	wrdreg s2  }
0xb0: {  	[dreg:$0x4] =	wrdreg $0x0  }
0xb1: {  	[dreg:$0x5] =	wrdreg $0x9  }
0xb2: {  	_ =	task.clear_ibuf [dreg:s7], $0x6FFFF;
	_ =	strace $0x90000046  }
0xb3: {  	s29 =	simm.s32 $0x9;
	_ =	strace $0x80000048  }
0xb4: {  	_ =	swait.ge [sflag:s29], $0x1  }
0xb5: {  	[sflag:s29] =	ssyncadd.s32 $0xFFFFFFFF  }
0xb6: {  	_ =	strace $0x90000048  }
0xb7: {  	_ =	sfence  }
0xb8: {  	s30 =	sld [smem:$0x0];
	_ =	sdelay $0x2  }
0xb9: {  	s31 =	sshll.u32 s1, $0xD;
	s1 =	sshrl.u32 s1, $0x2  }
0xba: {  	s3 =	sand.u32 $0x4000, s31;
	s1 =	sadd.s32 s1, s30  }
0xbb: {  	s0 =	sor.u32 s3, s0;
	s1 =	sshll.u32 s1, $0x11  }
0xbc: {  	s0 =	sor.u32 s1, s0  }
0xbd: {  	s0 =	sadd.s32 $0x8F2B, s0  }
0xbe: {  	[sflag:s0] =	ssyncadd.remote.s32 $0x1  }
0xbf: {  	_ =	sfence.sel $0xFFFF  }
0xc0: {  	[dreg:$0x0] =	wrdreg $0xFFFFFFFF;
	(pc) =	sbr.abs _section_cstart, $3  }
0xc1: {  	[dreg:$0x1] =	wrdreg $0xFFFFFFFF  }
0xc2: {  	_ =	task.clear_ibuf [dreg:s7], $0x2FFFF;
	_ =	strace $0x9FFFFFFF  }
0xc3: {  	(tm) =	ssettm $0x7FFFFFFF  }
tec
execute0_lowered:
.L_overlay_start_1:
0x0: {  	(tag) =	ssettag $0x1  }
0x1: {  	s7 =	rddreg [dreg:$0x0]  }
0x2: {  	s2 =	rddreg [dreg:$0x1]  }
0x3: {  	s3 =	rddreg [dreg:$0x2]  }
0x4: {  	s0 =	rddreg [dreg:$0x3];
	s4 =	simm.s32 $0x0  }
0x5: {  	s1 =	stileid.u32;
	s6 =	srdreg.scid;
	s15 =	simm.s32 $0x16800  }
0x6: {  	s16 =	simm.s32 $0x14000;
	s17 =	simm.s32 $0x80;
	s18 =	simm.s32 $0x0  }
0x7: {  	[smem:$0x7FF] =	sst s4;
	s5 =	smul.u32 $0x500, s1;
	s13 =	sand.u32 $0x1, s6  }
0x8: {  	s8 =	smul.u32 $0x50000, s1;
	s6 =	sadd.s32 $0x13A00, s7;
	s31 =	sshll.u32 s1, $0x6  }
0x9: {  	_ =	strace $0x80000047;
	s9 =	ssub.s32 $0x2, s13;
	p0 =	sne.s32 s13, $0x0  }
.Ltmp0:
0xa: {  	s11 =	sadd.s32 s5, s7;
	s5 =	sadd.s32 $0x11200, s7;
	(pc) =	sbr.rel .LBB2_1-.Ltmp0, $4  }
0xb: {  	s7 =	sadd.s32 $0x3BA00, s7;
	s10 =	sshrl.u32 s9, $0x1;
	s8 =	sshrl.u32 s8, $0x2  }
0xc: {  	s12 =	ssub.s32 s9, s10;
	s14 =	sadd.s32 s8, s3;
	s8 =	sor.u32 $0x1C01, s31  }
0xd: {  	s9 =	sadd.s32 $0x7200, s11;
	s10 =	smul.u32 $0x2800, s1;
	s11 =	sadd.s32 $0xC200, s11  }
0xe: {  	s12 =	smax.u32 s12, $0x1;
	s13 =	sshrl.u32 s14, $0x3;
	s14 =	simm.s32 $0x1  }
.LBB2_7:
0xf: {  	[sflag:s14] =	ssyncset.done $0x0  }
0x10: {  	s19 =	smov.u32 s7;
	[sflag:s14] =	ssyncadd.s32 $0xFFFFC000  }
.LBB2_8:
0x11: {  	s18 =	sadd.s32 $0x1, s18  }
0x12: {  	p1 =	sne.s32 s18, s12  }
.Ltmp1:
0x13: {  	s19 =	sadd.s32 s19, s10;
	[bflag:$0x0] =	sbarrier.arrive $0xFFFF;
	(pc) =	sbr.rel @!p1 .LBB2_9-.Ltmp1, $4  }
0x14: {  	[hbm:s19], [sflag:s8] =	dma.local [spmem:s13], $0x2800  }
0x15: {  	_ =	swait.ge [sflag:s14], $0x2800  }
0x16: {  	[sflag:s14] =	ssyncset.done $0x0  }
0x17: {  	[sflag:s14] =	ssyncadd.s32 $0xFFFFD800  }
.LBB2_1:
0x18: {  	[spmem:s13], [sflag:s8] =	dma.local [hbm:s5], $0x2800  }
0x19: {  	_ =	swait.ge [sflag:s14], $0x2800  }
0x1a: {  	[sflag:s14] =	ssyncset.done $0x0  }
0x1b: {  	[sflag:s14] =	ssyncadd.s32 $0xFFFFD800  }
0x1c: {  	[tilespmem:s15], [sflag:$0x1] =	stream.linear.gather [hbm4b:s2+s4], $0x4000, $0x38;
	[tilespmem:$0x1A800] =	vst v63  }
.Ltmp2:
0x1d: {  	_ =	swait.ge [sflag:s14], $0x4000;
	(pc) =	sbr.rel @p0 .LBB2_5-.Ltmp2, $4  }
0x1e: {  	[sflag:s14] =	ssyncset.done $0x0  }
0x1f: {  	[sflag:s14] =	ssyncadd.s32 $0xFFFFC000  }
0x20: {  	[bflag:$0x0] =	sbarrier.arrive $0xFFFF  }
0x21: {  	s19 =	simm.s32 $0x0  }
0x22: {  	[tilespmem:s16], [sflag:$0x1] =	stream.linear.gather [hbm4b:s11+s19], $0x2800, $0x38;
	[tilespmem:$0x1A800] =	vst v63  }
0x23: {  	_ =	swait.ge [sflag:s14], $0x2800  }
0x24: {  	[sflag:s14] =	ssyncset.done $0x0  }
0x25: {  	s31 =	simm.s32 $0x14000;
	[sflag:s14] =	ssyncadd.s32 $0xFFFFD800  }
0x26: {  	[spmem:s3] =	stream.indirect.scatter.add.f32 [tilespmem:s15], [sflag:$0x1], $0x80, s31, s17, $0xb8;
	[tilespmem:$0x1A800] =	vst v63  }
0x27: {  	s19 =	simm.s32 $0x200;
	_ =	swait.ge [sflag:s14], $0x4000  }
.LBB2_3:
0x28: {  	s20 =	sshra.s32 s19, $0x2;
	[sflag:s14] =	ssyncset.done $0x0;
	p1 =	seq.s32 s19, $0x9E00  }
.Ltmp3:
0x29: {  	s20 =	sadd.s32 $0x14000, s20;
	[sflag:s14] =	ssyncadd.s32 $0xFFFFC000;
	(pc) =	sbr.rel @!p1 .LBB2_3-.Ltmp3, $3  }
0x2a: {  	[spmem:s3] =	stream.indirect.scatter.add.f32 [tilespmem:s15], [sflag:$0x1], $0x80, s20, s17, $0xb8;
	[tilespmem:$0x1A800] =	vst v63  }
0x2b: {  	s19 =	sadd.s32 $0x200, s19;
	_ =	sdelay $0x1  }
0x2c: {  	_ =	swait.ge [sflag:s14], $0x4000  }
.Ltmp4:
0x2d: {  	(pc) =	sbr.rel .LBB2_8-.Ltmp4, $3  }
0x2e: {  	_ =	sdelay $0x1  }
0x2f: {  	[sflag:s14] =	ssyncset.done $0x0  }
0x30: {  	s19 =	smov.u32 s6;
	[sflag:s14] =	ssyncadd.s32 $0xFFFFC000  }
.LBB2_5:
0x31: {  	[tilespmem:s16], [sflag:$0x1] =	stream.linear.gather [hbm4b:s9+s19], $0x2800, $0x38;
	[tilespmem:$0x1A800] =	vst v63  }
0x32: {  	_ =	swait.ge [sflag:s14], $0x2800  }
0x33: {  	[sflag:s14] =	ssyncset.done $0x0  }
0x34: {  	s31 =	simm.s32 $0x14000;
	[sflag:s14] =	ssyncadd.s32 $0xFFFFD800  }
0x35: {  	[spmem:s3] =	stream.indirect.scatter.add.f32 [tilespmem:s15], [sflag:$0x1], $0x80, s31, s17, $0xb8;
	[tilespmem:$0x1A800] =	vst v63  }
0x36: {  	s19 =	simm.s32 $0x200;
	_ =	swait.ge [sflag:s14], $0x4000  }
.LBB2_6:
0x37: {  	s20 =	sshra.s32 s19, $0x2;
	[sflag:s14] =	ssyncset.done $0x0;
	p1 =	sne.s32 s19, $0x9E00  }
.Ltmp5:
0x38: {  	s20 =	sadd.s32 $0x14000, s20;
	[sflag:s14] =	ssyncadd.s32 $0xFFFFC000;
	(pc) =	sbr.rel @p1 .LBB2_6-.Ltmp5, $3  }
0x39: {  	[spmem:s3] =	stream.indirect.scatter.add.f32 [tilespmem:s15], [sflag:$0x1], $0x80, s20, s17, $0xb8;
	[tilespmem:$0x1A800] =	vst v63  }
0x3a: {  	s19 =	sadd.s32 $0x200, s19;
	_ =	sdelay $0x1  }
0x3b: {  	_ =	swait.ge [sflag:s14], $0x4000  }
.Ltmp6:
0x3c: {  	_ = 	snop;
	(pc) =	sbr.rel .LBB2_7-.Ltmp6, $1  }
0x3d: {  	_ =	sdelay $0x3  }
.LBB2_9:
0x3e: {  	_ =	sfence.sel $0x180000  }
0x3f: {  	[bflag:$0x0] =	sbarrier.arrive $0xFFFF  }
0x40: {  	p0 =	sne.s32 s1, $0x0;
	_ =	strace $0x90000047  }
0x41: {  	s0 =	sadd.s32 @!p0 $0x100000, s0;
	[bflag:$0x2] =	sbarrier.arrive $0xFFFF  }
0x42: {  	[sflag:s0] =	ssyncadd.tile.s32 @!p0 $0x1;
	_ =	shalt  }
.Lfunc_end2:
_tile_overlayer_lowered:
.L_overlay_start_2:
0x43: {  	(tag) =	ssettag $0x2  }
0x44: {  	s0 =	rddreg [dreg:$0x0];
	s2 =	stileid.u32  }
0x45: {  	s1 =	rddreg [dreg:$0x1];
	p0 =	sne.s32 s2, $0x0  }
0x46: {  	s3 =	rddreg [dreg:$0x2];
	[bflag:$0x3] =	sbarrier.arrive $0xFFFF;
	s2 =	simm.s32 @!p0 $0x1C01  }
0x47: {  	[timem:s3], [sflag:s2] =	dma.local @!p0 [hbm:s0], s1  }
0x48: {  	s0 =	simm.s32 @!p0 $0x1  }
0x49: {  	_ =	swait.ge @!p0 [sflag:s0], s1  }
0x4a: {  	s1 =	ssub.s32 @!p0 $0x0, s1;
	[sflag:s0] =	ssyncset.done @!p0 $0x0  }
0x4b: {  	[sflag:s0] =	ssyncadd.s32 @!p0 s1  }
0x4c: {  	[bflag:$0x3] =	sbarrier.arrive $0xFFFF  }
0x4d: {  	_ =	shalt  }

// kernel: sc_decoder_gather.3.cloned.1.call-start
scs
__scs_entry_jumppad:
0x0: {  	(pc) =	sbr.rel $0x88, $3  }
0x1: {  	(tag) =	ssettag $0x0;
	lr =	simm.s32 $0x1  }
0x2: {  	[smem:$0x3F87] =	sst lr;
	_ =	strace $0xD0000000  }
0x3: {  	_ = 	snop  }
0x4: {  	_ = 	snop  }
0x5: {  	_ = 	snop  }
0x6: {  	_ = 	snop  }
0x7: {  	_ = 	snop  }
__scs_overlays_trampoline_lowered:
0x8: {  	[smem:$0x3F96] =	sst s0  }
0x9: {  	[smem:$0x3F97] =	sst s1  }
0xa: {  	[smem:$0x3F98] =	sst s2  }
0xb: {  	[smem:$0x3F99] =	sst s3  }
0xc: {  	[smem:$0x3F9A] =	sst s4  }
0xd: {  	[smem:$0x3F9B] =	sst s5  }
0xe: {  	[smem:$0x3F9C] =	sst s6  }
0xf: {  	[smem:$0x3F9D] =	sst s7  }
0x10: {  	[smem:$0x3F9E] =	sst s8  }
0x11: {  	[smem:$0x3F9F] =	sst s9;
	s0 =	simm.s32 @!p0 $0x0  }
0x12: {  	s1 =	sld [smem:$0x3F85];
	s0 =	simm.s32 @p0 $0x1  }
0x13: {  	[smem:$0x3FA0] =	sst s0;
	s0 =	simm.s32 @!p1 $0x0  }
0x14: {  	s2 =	sld [smem:$0x3F84];
	s0 =	simm.s32 @p1 $0x1  }
0x15: {  	[smem:$0x3FA1] =	sst s0;
	s0 =	simm.s32 @!p2 $0x0  }
0x16: {  	s3 =	sld [smem:$0x3FDB];
	s0 =	simm.s32 @p2 $0x1  }
0x17: {  	s4 =	simm.s32 $0x1BF5;
	[smem:$0x3FA3] =	sst s0  }
0x18: {  	s0 =	sld [smem:$0x3F86];
	_ =	swait.ge [sflag:s4], $0x0  }
0x19: {  	s7 =	sld [smem:$0x3F87]  }
0x1a: {  	s8 =	sadd.s32 $0xFFFFE003, lr  }
0x1b: {  	s9 =	sadd.s32 $0xFFFFFEF7, lr;
	s5 =	simm.s32 $0xFFFFFFFF;
	p2 =	slt.u32 s8, $0xFFFFF086  }
0x1c: {  	p1 =	slt.u32 s9, $0xF7A;
	s5 =	simm.s32 @!p2 $0x0  }
0x1d: {  	s5 =	simm.s32 @p1 $0x1;
	p0 =	seq.s32 s7, s2  }
0x1e: {  	s7 =	smul.u32 @!p0 $0xF7A, s2;
	p2 =	seq.s32 @!p0 s5, $0x0  }
0x1f: {  	s9 =	smul.u32 $0xF7A, s1;
	s8 =	simm.s32 @!p0 $0x1BF5;
	p2 =	por !p2, p0  }
0x20: {  	[sflag:s8] =	ssyncset.s32 @!p0 $0xFFFFF086;
	s6 =	sadd.s32 @!p0 s3, s7;
	s7 =	simm.s32 @!p0 $0x108  }
0x21: {  	s3 =	sadd.s32 s3, s9;
	s6 =	sadd.s32 @!p0 $0x88, s6;
	s7 =	simm.s32 @p2 $0x1082  }
0x22: {  	[simem:s7], [sflag:s8] =	dma.local @!p0 [hbm:s6], $0xF7A  }
0x23: {  	s9 =	sor.u32 $0xD0000000, s2;
	s6 =	simm.s32 $0x108;
	_ =	swait.ge @!p0 [sflag:s8], $0x0  }
0x24: {  	s3 =	sadd.s32 $0x88, s3;
	s6 =	simm.s32 @!p1 $0x1082;
	[sflag:s4] =	ssyncset.s32 $0xFFFFF086  }
0x25: {  	[simem:s6], [sflag:s4] =	dma.local [hbm:s3], $0xF7A  }
0x26: {  	[smem:$0x3F87] =	sst s1;
	(tag) =	ssettag s2;
	_ =	strace s9  }
0x27: {  	s1 =	sld [smem:$0x3F97]  }
0x28: {  	s2 =	sld [smem:$0x3F98]  }
0x29: {  	s4 =	sld [smem:$0x3F9A]  }
0x2a: {  	p0 =	seq.s32 s5, $0x0;
	s5 =	sld [smem:$0x3F9B]  }
0x2b: {  	s6 =	sld [smem:$0x3F9C]  }
0x2c: {  	s7 =	sld [smem:$0x3F9D]  }
0x2d: {  	s3 =	simm.s32 $0x108;
	s8 =	sld [smem:$0x3F9E]  }
0x2e: {  	s3 =	simm.s32 @!p0 $0x1082;
	s9 =	sld [smem:$0x3F9F]  }
0x2f: {  	lr =	sadd.s32 s0, s3;
	s0 =	sld [smem:$0x3F96]  }
0x30: {  	s3 =	sld [smem:$0x3F99]  }
0x31: {  	[smem:$0x3FA2] =	sst s10  }
0x32: {  	s10 =	sld [smem:$0x3FA0];
	_ =	sdelay $0x3  }
0x33: {  	p0 =	seq.s32 s10, $0x1;
	s10 =	sld [smem:$0x3FA2];
	_ =	sdelay $0x3  }
0x34: {  	[smem:$0x3FA2] =	sst s10  }
0x35: {  	s10 =	sld [smem:$0x3FA1];
	_ =	sdelay $0x3  }
0x36: {  	p1 =	seq.s32 s10, $0x1;
	s10 =	sld [smem:$0x3FA2];
	_ =	sdelay $0x3  }
0x37: {  	[smem:$0x3FA2] =	sst s10  }
0x38: {  	s10 =	sld [smem:$0x3FA3]  }
0x39: {  	_ = 	snop;
	(pc) =	sbr.ind lr, $3  }
0x3a: {  	_ = 	snop  }
0x3b: {  	_ = 	snop  }
0x3c: {  	p2 =	seq.s32 s10, $0x1;
	s10 =	sld [smem:$0x3FA2]  }
0x3d: {  	_ =	shalt  }
0x3e: {  	_ =	shalt  }
0x3f: {  	_ =	shalt  }
0x40: {  	_ =	shalt  }
0x41: {  	_ =	shalt  }
0x42: {  	_ =	shalt  }
0x43: {  	_ =	shalt  }
0x44: {  	_ =	shalt  }
0x45: {  	_ =	shalt  }
0x46: {  	_ =	shalt  }
0x47: {  	_ =	shalt  }
0x48: {  	_ =	shalt  }
0x49: {  	_ =	shalt  }
0x4a: {  	_ =	shalt  }
0x4b: {  	_ =	shalt  }
0x4c: {  	_ =	shalt  }
0x4d: {  	_ =	shalt  }
0x4e: {  	_ =	shalt  }
0x4f: {  	_ =	shalt  }
0x50: {  	_ =	shalt  }
0x51: {  	_ =	shalt  }
0x52: {  	_ =	shalt  }
0x53: {  	_ =	shalt  }
0x54: {  	_ =	shalt  }
0x55: {  	_ =	shalt  }
0x56: {  	_ =	shalt  }
0x57: {  	_ =	shalt  }
0x58: {  	_ =	shalt  }
0x59: {  	_ =	shalt  }
0x5a: {  	_ =	shalt  }
0x5b: {  	_ =	shalt  }
0x5c: {  	_ =	shalt  }
0x5d: {  	_ =	shalt  }
0x5e: {  	_ =	shalt  }
0x5f: {  	_ =	shalt  }
0x60: {  	_ =	shalt  }
0x61: {  	_ =	shalt  }
0x62: {  	_ =	shalt  }
0x63: {  	_ =	shalt  }
0x64: {  	_ =	shalt  }
0x65: {  	_ =	shalt  }
0x66: {  	_ =	shalt  }
0x67: {  	_ =	shalt  }
0x68: {  	_ =	shalt  }
0x69: {  	_ =	shalt  }
0x6a: {  	_ =	shalt  }
0x6b: {  	_ =	shalt  }
0x6c: {  	_ =	shalt  }
0x6d: {  	_ =	shalt  }
0x6e: {  	_ =	shalt  }
0x6f: {  	_ =	shalt  }
0x70: {  	_ =	shalt  }
0x71: {  	_ =	shalt  }
0x72: {  	_ =	shalt  }
0x73: {  	_ =	shalt  }
0x74: {  	_ =	shalt  }
0x75: {  	_ =	shalt  }
0x76: {  	_ =	shalt  }
0x77: {  	_ =	shalt  }
0x78: {  	_ =	shalt  }
0x79: {  	_ =	shalt  }
0x7a: {  	_ =	shalt  }
0x7b: {  	_ =	shalt  }
0x7c: {  	_ =	shalt  }
0x7d: {  	_ =	shalt  }
0x7e: {  	_ =	shalt  }
0x7f: {  	_ =	shalt  }
0x80: {  	_ =	shalt  }
0x81: {  	_ =	shalt  }
0x82: {  	_ =	shalt  }
0x83: {  	_ =	shalt  }
0x84: {  	_ =	shalt  }
0x85: {  	_ =	shalt  }
0x86: {  	_ =	shalt  }
0x87: {  	_ =	shalt  }
.Lfunc_end0:
.L_simem_size_0:
called_computation.3_lowered:
.L_overlay_start_0:
0x88: {  	s2 =	sld [smem:$0x3FD9]  }
0x89: {  	s3 =	sld [smem:$0x3FFE];
	_ =	sdelay $0x1  }
0x8a: {  	s1 =	srdreg.scid  }
0x8b: {  	s0 =	sand.u32 $0x1, s1  }
0x8c: {  	s17 =	sshll.u32 s0, $0xA;
	s2 =	sadd.s32 s3, s2  }
0x8d: {  	s2 =	sadd.s32 s2, s17  }
0x8e: {  	[smem:$0x3FAE] =	sst s2  }
0x8f: {  	_ = 	snop  }
0x90: {  	s2 =	sld [smem:$0x3FD0];
	(tm) =	ssettm $0x1  }
0x91: {  	s18 =	sld [smem:$0x3FFB];
	_ =	sdelay $0x3  }
0x92: {  	_ =	strace s18  }
0x93: {  	s3 =	sld [smem:$0x3FFC];
	_ =	sdelay $0x3  }
0x94: {  	_ =	strace s3  }
0x95: {  	s3 =	sld [smem:$0x3FFD];
	_ =	sdelay $0x3  }
0x96: {  	_ =	strace s3  }
0x97: {  	_ =	strace $0x8FFFFFFF  }
0x98: {  	s19 =	sld [smem:$0x3FDB];
	_ =	sdelay $0x1  }
0x99: {  	s4 =	simm.s32 $_scs_section_size  }
0x9a: {  	s5 =	simm.s32 $_size__tile_overlayer_lowered;
	s6 =	simm.s32 $_tile_overlayer_lowered  }
0x9b: {  	s22 =	simm.s32 $0x1BFF;
	s21 =	sshll.u32 s6, $0x1;
	s3 =	sadd.s32 s4, s19  }
0x9c: {  	s7 =	simm.s32 $0x0;
	s20 =	sshll.u32 s5, $0x1;
	s5 =	sadd.s32 s21, s3  }
0x9d: {  	[timem:s7], [sflag:s22] =	dma.local [hbm:s5], s20  }
0x9e: {  	_ =	swait.ge [sflag:s22], s20  }
0x9f: {  	s4 =	ssub.s32 $0x0, s20;
	[sflag:s22] =	ssyncset.done $0x0  }
0xa0: {  	[sflag:s22] =	ssyncadd.s32 s4;
	_ =	sdelay $0x1  }
0xa1: {  	s23 =	simm.s32 $0x1B8B  }
0xa2: {  	_ =	swait.ge [sflag:s23], $0x1  }
0xa3: {  	[sflag:s23] =	ssyncset.done $0x0  }
0xa4: {  	s25 =	simm.s32 $0x1B8E;
	s24 =	sld [smem:$0x3FFE];
	[sflag:s23] =	ssyncadd.s32 $0xFFFFFFFF  }
0xa5: {  	s26 =	simm.s32 $execute0_lowered;
	[smem:$0x3FD2] =	sst s25  }
0xa6: {  	s5 =	sshll.u32 s26, $0x1;
	_ =	strace $0x8000004F;
	[dreg:$0x1] =	wrdreg $0xFFFFFFFF  }
0xa7: {  	s28 =	simm.s32 $_size_execute0_lowered;
	s3 =	sadd.s32 s3, s5;
	[dreg:$0x0] =	wrdreg $0x0  }
0xa8: {  	s5 =	sshll.u32 s28, $0x1;
	[dreg:$0x2] =	wrdreg s3  }
0xa9: {  	[dreg:$0x3] =	wrdreg s5  }
0xaa: {  	[dreg:$0x4] =	wrdreg $0xC0  }
0xab: {  	_ =	task [dreg:s7], $0x5FFFF  }
0xac: {  	[dreg:$0x1] =	wrdreg $0xFFFFFFFF  }
0xad: {  	[dreg:$0x0] =	wrdreg $0x60  }
0xae: {  	[dreg:$0x2] =	wrdreg s24  }
0xaf: {  	[dreg:$0x3] =	wrdreg s2  }
0xb0: {  	[dreg:$0x4] =	wrdreg $0x9  }
0xb1: {  	_ =	task.clear_ibuf [dreg:s7], $0x5FFFF;
	_ =	strace $0x9000004F  }
0xb2: {  	s29 =	simm.s32 $0x9;
	_ =	strace $0x80000051  }
0xb3: {  	_ =	swait.ge [sflag:s29], $0x1  }
0xb4: {  	[sflag:s29] =	ssyncadd.s32 $0xFFFFFFFF  }
0xb5: {  	_ =	strace $0x90000051  }
0xb6: {  	_ =	sfence  }
0xb7: {  	s30 =	sld [smem:$0x0];
	_ =	sdelay $0x2  }
0xb8: {  	s31 =	sshll.u32 s1, $0xD;
	s1 =	sshrl.u32 s1, $0x2  }
0xb9: {  	s3 =	sand.u32 $0x4000, s31;
	s1 =	sadd.s32 s1, s30  }
0xba: {  	s0 =	sor.u32 s3, s0;
	s1 =	sshll.u32 s1, $0x11  }
0xbb: {  	s0 =	sor.u32 s1, s0  }
0xbc: {  	s0 =	sadd.s32 $0x8F2B, s0  }
0xbd: {  	[sflag:s0] =	ssyncadd.remote.s32 $0x1  }
0xbe: {  	_ =	sfence.sel $0xFFFF  }
0xbf: {  	[dreg:$0x0] =	wrdreg $0xFFFFFFFF;
	(pc) =	sbr.abs _section_cstart, $3  }
0xc0: {  	[dreg:$0x1] =	wrdreg $0xFFFFFFFF  }
0xc1: {  	_ =	task.clear_ibuf [dreg:s7], $0x2FFFF;
	_ =	strace $0x9FFFFFFF  }
0xc2: {  	(tm) =	ssettm $0x7FFFFFFF  }
0xc3: {  	_ =	shalt  }
tec
execute0_lowered:
.L_overlay_start_1:
0x0: {  	(tag) =	ssettag $0x1  }
0x1: {  	s5 =	rddreg [dreg:$0x0]  }
0x2: {  	s9 =	rddreg [dreg:$0x1]  }
0x3: {  	s0 =	rddreg [dreg:$0x2];
	s1 =	simm.s32 $0x0;
	s4 =	srdreg.scid  }
0x4: {  	s2 =	stileid.u32;
	s13 =	simm.s32 $0x0;
	[smem:$0x7FF] =	sst s1  }
0x5: {  	s3 =	sadd.s32 $0x7200, s5;
	s6 =	sand.u32 $0x1, s4;
	s4 =	sadd.s32 $0x2E400, s5  }
0x6: {  	s10 =	sshll.u32 s2, $0x7;
	s11 =	sshll.u32 s2, $0xE;
	_ =	strace $0x80000050  }
.Ltmp0:
0x7: {  	s7 =	ssub.s32 $0x2, s6;
	s8 =	sadd.s32 s10, s5;
	(pc) =	sbr.rel .LBB2_1-.Ltmp0, $4  }
0x8: {  	s11 =	sadd.s32 s11, s5;
	p0 =	seq.s32 s6, $0x1;
	s9 =	sadd.s32 s10, s9  }
0x9: {  	s10 =	simm.s32 $0x2;
	s12 =	sshrl.u32 s7, $0x1;
	s6 =	sadd.s32 $0x55600, s11  }
0xa: {  	s31 =	ssub.s32 s7, s12;
	s7 =	sadd.s32 $0xBCE00, s8;
	s8 =	sadd.s32 $0xBD600, s11  }
0xb: {  	s11 =	simm.s32 $0x80;
	s12 =	simm.s32 $0x1;
	s5 =	smax.u32 s31, $0x1  }
.LBB2_7:
0xc: {  	s15 =	sadd.s32 s15, s9;
	[sflag:s10] =	ssyncadd.s32 $0xFFFFC000  }
0xd: {  	[tilespmem:s1], [sflag:$0x2] =	stream.linear.gather [hbm4b:s15+s1], $0x80, $0x38;
	[tilespmem:$0x4080] =	vst v63  }
0xe: {  	_ =	swait.ge [sflag:s10], $0x80  }
0xf: {  	[sflag:s10] =	ssyncset.done $0x0  }
0x10: {  	[sflag:s10] =	ssyncadd.s32 $0xFFFFFF80  }
0x11: {  	[tilespmem:s11], [sflag:$0x1] =	stream.indirect.gather [hbm4b:s4+s11], $0x80, s1, s11, $0xb8;
	[tilespmem:$0x4080] =	vst v63  }
0x12: {  	_ =	swait.ge [sflag:s12], $0x4000  }
0x13: {  	[sflag:s12] =	ssyncset.done $0x0  }
0x14: {  	[sflag:s12] =	ssyncadd.s32 $0xFFFFC000  }
0x15: {  	[hbm4b:s14+s1] =	stream.linear.scatter [tilespmem:s11], [sflag:$0x2], $0x4000, $0x38;
	[tilespmem:$0x4080] =	vst v63  }
0x16: {  	_ =	swait.ge [sflag:s10], $0x4000  }
0x17: {  	[sflag:s10] =	ssyncset.done $0x0  }
0x18: {  	[sflag:s10] =	ssyncadd.s32 $0xFFFFC000  }
.LBB2_8:
0x19: {  	s13 =	sadd.s32 $0x1, s13  }
0x1a: {  	p1 =	sne.s32 s13, s5  }
.Ltmp1:
0x1b: {  	_ = 	snop;
	(pc) =	sbr.rel @!p1 .LBB2_9-.Ltmp1, $1  }
0x1c: {  	_ =	sdelay $0x3  }
.LBB2_1:
.Ltmp2:
0x1d: {  	(pc) =	sbr.rel @!p0 .LBB2_2-.Ltmp2, $1  }
0x1e: {  	_ =	sdelay $0x3  }
0x1f: {  	s14 =	sadd.s32 $0x0, s9  }
0x20: {  	[tilespmem:s1], [sflag:$0x2] =	stream.linear.gather [hbm4b:s14+s1], $0x80, $0x38;
	[tilespmem:$0x4080] =	vst v63  }
0x21: {  	_ =	swait.ge [sflag:s10], $0x80  }
0x22: {  	[sflag:s10] =	ssyncset.done $0x0  }
0x23: {  	[sflag:s10] =	ssyncadd.s32 $0xFFFFFF80  }
0x24: {  	[tilespmem:s11], [sflag:$0x1] =	stream.indirect.gather [hbm4b:s4+s11], $0x80, s1, s11, $0xb8;
	[tilespmem:$0x4080] =	vst v63  }
0x25: {  	_ =	swait.ge [sflag:s12], $0x4000  }
0x26: {  	[sflag:s12] =	ssyncset.done $0x0  }
0x27: {  	[sflag:s12] =	ssyncadd.s32 $0xFFFFC000  }
0x28: {  	[hbm4b:s8+s1] =	stream.linear.scatter [tilespmem:s11], [sflag:$0x2], $0x4000, $0x38;
	[tilespmem:$0x4080] =	vst v63  }
0x29: {  	s15 =	simm.s32 $0x10;
	_ =	swait.ge [sflag:s10], $0x4000  }
0x2a: {  	s16 =	simm.s32 $0x20;
	s14 =	sadd.s32 $0x800, s8;
	[sflag:s10] =	ssyncset.done $0x0  }
.LBB2_6:
0x2b: {  	s17 =	sadd.s32 s15, s9  }
0x2c: {  	[sflag:s10] =	ssyncadd.s32 $0xFFFFC000;
	s15 =	smov.u32 s16;
	s18 =	sadd.s32 $0x10, s16  }
0x2d: {  	[tilespmem:s1], [sflag:$0x2] =	stream.linear.gather [hbm4b:s17+s1], $0x80, $0x38;
	[tilespmem:$0x4080] =	vst v63  }
0x2e: {  	p1 =	sne.s32 s16, $0x70;
	_ =	swait.ge [sflag:s10], $0x80  }
0x2f: {  	[sflag:s10] =	ssyncset.done $0x0  }
0x30: {  	[sflag:s10] =	ssyncadd.s32 $0xFFFFFF80  }
0x31: {  	[tilespmem:s11], [sflag:$0x1] =	stream.indirect.gather [hbm4b:s4+s11], $0x80, s1, s11, $0xb8;
	[tilespmem:$0x4080] =	vst v63  }
0x32: {  	_ =	swait.ge [sflag:s12], $0x4000  }
.Ltmp3:
0x33: {  	[sflag:s12] =	ssyncset.done $0x0;
	(pc) =	sbr.rel @p1 .LBB2_6-.Ltmp3, $4  }
0x34: {  	[sflag:s12] =	ssyncadd.s32 $0xFFFFC000  }
0x35: {  	[hbm4b:s14+s1] =	stream.linear.scatter [tilespmem:s11], [sflag:$0x2], $0x4000, $0x38;
	[tilespmem:$0x4080] =	vst v63  }
0x36: {  	_ =	swait.ge [sflag:s10], $0x4000  }
0x37: {  	s16 =	smov.u32 s18;
	s14 =	sadd.s32 $0x800, s14;
	[sflag:s10] =	ssyncset.done $0x0  }
.Ltmp4:
0x38: {  	_ = 	snop;
	(pc) =	sbr.rel .LBB2_7-.Ltmp4, $1  }
0x39: {  	_ =	sdelay $0x3  }
.LBB2_2:
0x3a: {  	s14 =	sadd.s32 $0x0, s7  }
0x3b: {  	[tilespmem:s1], [sflag:$0x2] =	stream.linear.gather [hbm4b:s14+s1], $0x80, $0x38;
	[tilespmem:$0x4080] =	vst v63  }
0x3c: {  	_ =	swait.ge [sflag:s10], $0x80  }
0x3d: {  	[sflag:s10] =	ssyncset.done $0x0  }
0x3e: {  	[sflag:s10] =	ssyncadd.s32 $0xFFFFFF80  }
0x3f: {  	[tilespmem:s11], [sflag:$0x1] =	stream.indirect.gather [hbm4b:s3+s11], $0x80, s1, s11, $0xb8;
	[tilespmem:$0x4080] =	vst v63  }
0x40: {  	_ =	swait.ge [sflag:s12], $0x4000  }
0x41: {  	[sflag:s12] =	ssyncset.done $0x0  }
0x42: {  	[sflag:s12] =	ssyncadd.s32 $0xFFFFC000  }
0x43: {  	[hbm4b:s6+s1] =	stream.linear.scatter [tilespmem:s11], [sflag:$0x2], $0x4000, $0x38;
	[tilespmem:$0x4080] =	vst v63  }
0x44: {  	s15 =	simm.s32 $0x10;
	_ =	swait.ge [sflag:s10], $0x4000  }
0x45: {  	s16 =	simm.s32 $0x20;
	s14 =	sadd.s32 $0x800, s6;
	[sflag:s10] =	ssyncset.done $0x0  }
.LBB2_3:
0x46: {  	s17 =	sadd.s32 s15, s7  }
0x47: {  	[sflag:s10] =	ssyncadd.s32 $0xFFFFC000;
	s15 =	smov.u32 s16;
	s18 =	sadd.s32 $0x10, s16  }
0x48: {  	[tilespmem:s1], [sflag:$0x2] =	stream.linear.gather [hbm4b:s17+s1], $0x80, $0x38;
	[tilespmem:$0x4080] =	vst v63  }
0x49: {  	p1 =	seq.s32 s16, $0x70;
	_ =	swait.ge [sflag:s10], $0x80  }
0x4a: {  	[sflag:s10] =	ssyncset.done $0x0  }
0x4b: {  	[sflag:s10] =	ssyncadd.s32 $0xFFFFFF80  }
0x4c: {  	[tilespmem:s11], [sflag:$0x1] =	stream.indirect.gather [hbm4b:s3+s11], $0x80, s1, s11, $0xb8;
	[tilespmem:$0x4080] =	vst v63  }
0x4d: {  	_ =	swait.ge [sflag:s12], $0x4000  }
.Ltmp5:
0x4e: {  	[sflag:s12] =	ssyncset.done $0x0;
	(pc) =	sbr.rel @!p1 .LBB2_3-.Ltmp5, $4  }
0x4f: {  	[sflag:s12] =	ssyncadd.s32 $0xFFFFC000  }
0x50: {  	[hbm4b:s14+s1] =	stream.linear.scatter [tilespmem:s11], [sflag:$0x2], $0x4000, $0x38;
	[tilespmem:$0x4080] =	vst v63  }
0x51: {  	_ =	swait.ge [sflag:s10], $0x4000  }
0x52: {  	s16 =	smov.u32 s18;
	s14 =	sadd.s32 $0x800, s14;
	[sflag:s10] =	ssyncset.done $0x0  }
0x53: {  	s15 =	sadd.s32 s15, s7;
	[sflag:s10] =	ssyncadd.s32 $0xFFFFC000  }
0x54: {  	[tilespmem:s1], [sflag:$0x2] =	stream.linear.gather [hbm4b:s15+s1], $0x80, $0x38;
	[tilespmem:$0x4080] =	vst v63  }
0x55: {  	_ =	swait.ge [sflag:s10], $0x80  }
0x56: {  	[sflag:s10] =	ssyncset.done $0x0  }
0x57: {  	[sflag:s10] =	ssyncadd.s32 $0xFFFFFF80  }
0x58: {  	[tilespmem:s11], [sflag:$0x1] =	stream.indirect.gather [hbm4b:s3+s11], $0x80, s1, s11, $0xb8;
	[tilespmem:$0x4080] =	vst v63  }
0x59: {  	_ =	swait.ge [sflag:s12], $0x4000  }
0x5a: {  	[sflag:s12] =	ssyncset.done $0x0  }
.Ltmp6:
0x5b: {  	[sflag:s12] =	ssyncadd.s32 $0xFFFFC000;
	(pc) =	sbr.rel .LBB2_8-.Ltmp6, $4  }
0x5c: {  	[hbm4b:s14+s1] =	stream.linear.scatter [tilespmem:s11], [sflag:$0x2], $0x4000, $0x38;
	[tilespmem:$0x4080] =	vst v63  }
0x5d: {  	_ =	swait.ge [sflag:s10], $0x4000  }
0x5e: {  	[sflag:s10] =	ssyncset.done $0x0  }
0x5f: {  	[sflag:s10] =	ssyncadd.s32 $0xFFFFC000  }
.LBB2_9:
0x60: {  	_ =	sfence.sel $0x180000  }
0x61: {  	[bflag:$0x0] =	sbarrier.arrive $0xFFFF  }
0x62: {  	p0 =	sne.s32 s2, $0x0;
	_ =	strace $0x90000050  }
0x63: {  	s0 =	sadd.s32 @!p0 $0x100000, s0;
	[bflag:$0x2] =	sbarrier.arrive $0xFFFF  }
0x64: {  	[sflag:s0] =	ssyncadd.tile.s32 @!p0 $0x1;
	_ =	shalt  }
.Lfunc_end2:
_tile_overlayer_lowered:
.L_overlay_start_2:
0x65: {  	(tag) =	ssettag $0x2  }
0x66: {  	s0 =	rddreg [dreg:$0x0];
	s2 =	stileid.u32  }
0x67: {  	s1 =	rddreg [dreg:$0x1];
	p0 =	sne.s32 s2, $0x0  }
0x68: {  	s3 =	rddreg [dreg:$0x2];
	[bflag:$0x3] =	sbarrier.arrive $0xFFFF;
	s2 =	simm.s32 @!p0 $0x1C02  }
0x69: {  	[timem:s3], [sflag:s2] =	dma.local @!p0 [hbm:s0], s1  }
0x6a: {  	s0 =	simm.s32 @!p0 $0x2  }
0x6b: {  	_ =	swait.ge @!p0 [sflag:s0], s1  }
0x6c: {  	s1 =	ssub.s32 @!p0 $0x0, s1;
	[sflag:s0] =	ssyncset.done @!p0 $0x0  }
0x6d: {  	[sflag:s0] =	ssyncadd.s32 @!p0 s1  }
0x6e: {  	[bflag:$0x3] =	sbarrier.arrive $0xFFFF  }
0x6f: {  	_ =	shalt  }

// kernel: sc_segsum.4.cloned.1.call-start
scs
__scs_entry_jumppad:
0x0: {  	(pc) =	sbr.rel $0x88, $3  }
0x1: {  	(tag) =	ssettag $0x0;
	lr =	simm.s32 $0x1  }
0x2: {  	[smem:$0x3F87] =	sst lr;
	_ =	strace $0xD0000000  }
0x3: {  	_ = 	snop  }
0x4: {  	_ = 	snop  }
0x5: {  	_ = 	snop  }
0x6: {  	_ = 	snop  }
0x7: {  	_ = 	snop  }
__scs_overlays_trampoline_lowered:
0x8: {  	[smem:$0x3F96] =	sst s0  }
0x9: {  	[smem:$0x3F97] =	sst s1  }
0xa: {  	[smem:$0x3F98] =	sst s2  }
0xb: {  	[smem:$0x3F99] =	sst s3  }
0xc: {  	[smem:$0x3F9A] =	sst s4  }
0xd: {  	[smem:$0x3F9B] =	sst s5  }
0xe: {  	[smem:$0x3F9C] =	sst s6  }
0xf: {  	[smem:$0x3F9D] =	sst s7  }
0x10: {  	[smem:$0x3F9E] =	sst s8  }
0x11: {  	[smem:$0x3F9F] =	sst s9;
	s0 =	simm.s32 @!p0 $0x0  }
0x12: {  	s1 =	sld [smem:$0x3F85];
	s0 =	simm.s32 @p0 $0x1  }
0x13: {  	[smem:$0x3FA0] =	sst s0;
	s0 =	simm.s32 @!p1 $0x0  }
0x14: {  	s2 =	sld [smem:$0x3F84];
	s0 =	simm.s32 @p1 $0x1  }
0x15: {  	[smem:$0x3FA1] =	sst s0;
	s0 =	simm.s32 @!p2 $0x0  }
0x16: {  	s3 =	sld [smem:$0x3FDB];
	s0 =	simm.s32 @p2 $0x1  }
0x17: {  	s4 =	simm.s32 $0x1BF5;
	[smem:$0x3FA3] =	sst s0  }
0x18: {  	s0 =	sld [smem:$0x3F86];
	_ =	swait.ge [sflag:s4], $0x0  }
0x19: {  	s7 =	sld [smem:$0x3F87]  }
0x1a: {  	s8 =	sadd.s32 $0xFFFFE003, lr  }
0x1b: {  	s9 =	sadd.s32 $0xFFFFFEF7, lr;
	s5 =	simm.s32 $0xFFFFFFFF;
	p2 =	slt.u32 s8, $0xFFFFF086  }
0x1c: {  	p1 =	slt.u32 s9, $0xF7A;
	s5 =	simm.s32 @!p2 $0x0  }
0x1d: {  	s5 =	simm.s32 @p1 $0x1;
	p0 =	seq.s32 s7, s2  }
0x1e: {  	s7 =	smul.u32 @!p0 $0xF7A, s2;
	p2 =	seq.s32 @!p0 s5, $0x0  }
0x1f: {  	s9 =	smul.u32 $0xF7A, s1;
	s8 =	simm.s32 @!p0 $0x1BF5;
	p2 =	por !p2, p0  }
0x20: {  	[sflag:s8] =	ssyncset.s32 @!p0 $0xFFFFF086;
	s6 =	sadd.s32 @!p0 s3, s7;
	s7 =	simm.s32 @!p0 $0x108  }
0x21: {  	s3 =	sadd.s32 s3, s9;
	s6 =	sadd.s32 @!p0 $0x88, s6;
	s7 =	simm.s32 @p2 $0x1082  }
0x22: {  	[simem:s7], [sflag:s8] =	dma.local @!p0 [hbm:s6], $0xF7A  }
0x23: {  	s9 =	sor.u32 $0xD0000000, s2;
	s6 =	simm.s32 $0x108;
	_ =	swait.ge @!p0 [sflag:s8], $0x0  }
0x24: {  	s3 =	sadd.s32 $0x88, s3;
	s6 =	simm.s32 @!p1 $0x1082;
	[sflag:s4] =	ssyncset.s32 $0xFFFFF086  }
0x25: {  	[simem:s6], [sflag:s4] =	dma.local [hbm:s3], $0xF7A  }
0x26: {  	[smem:$0x3F87] =	sst s1;
	(tag) =	ssettag s2;
	_ =	strace s9  }
0x27: {  	s1 =	sld [smem:$0x3F97]  }
0x28: {  	s2 =	sld [smem:$0x3F98]  }
0x29: {  	s4 =	sld [smem:$0x3F9A]  }
0x2a: {  	p0 =	seq.s32 s5, $0x0;
	s5 =	sld [smem:$0x3F9B]  }
0x2b: {  	s6 =	sld [smem:$0x3F9C]  }
0x2c: {  	s7 =	sld [smem:$0x3F9D]  }
0x2d: {  	s3 =	simm.s32 $0x108;
	s8 =	sld [smem:$0x3F9E]  }
0x2e: {  	s3 =	simm.s32 @!p0 $0x1082;
	s9 =	sld [smem:$0x3F9F]  }
0x2f: {  	lr =	sadd.s32 s0, s3;
	s0 =	sld [smem:$0x3F96]  }
0x30: {  	s3 =	sld [smem:$0x3F99]  }
0x31: {  	[smem:$0x3FA2] =	sst s10  }
0x32: {  	s10 =	sld [smem:$0x3FA0];
	_ =	sdelay $0x3  }
0x33: {  	p0 =	seq.s32 s10, $0x1;
	s10 =	sld [smem:$0x3FA2];
	_ =	sdelay $0x3  }
0x34: {  	[smem:$0x3FA2] =	sst s10  }
0x35: {  	s10 =	sld [smem:$0x3FA1];
	_ =	sdelay $0x3  }
0x36: {  	p1 =	seq.s32 s10, $0x1;
	s10 =	sld [smem:$0x3FA2];
	_ =	sdelay $0x3  }
0x37: {  	[smem:$0x3FA2] =	sst s10  }
0x38: {  	s10 =	sld [smem:$0x3FA3]  }
0x39: {  	_ = 	snop;
	(pc) =	sbr.ind lr, $3  }
0x3a: {  	_ = 	snop  }
0x3b: {  	_ = 	snop  }
0x3c: {  	p2 =	seq.s32 s10, $0x1;
	s10 =	sld [smem:$0x3FA2]  }
0x3d: {  	_ =	shalt  }
0x3e: {  	_ =	shalt  }
0x3f: {  	_ =	shalt  }
0x40: {  	_ =	shalt  }
0x41: {  	_ =	shalt  }
0x42: {  	_ =	shalt  }
0x43: {  	_ =	shalt  }
0x44: {  	_ =	shalt  }
0x45: {  	_ =	shalt  }
0x46: {  	_ =	shalt  }
0x47: {  	_ =	shalt  }
0x48: {  	_ =	shalt  }
0x49: {  	_ =	shalt  }
0x4a: {  	_ =	shalt  }
0x4b: {  	_ =	shalt  }
0x4c: {  	_ =	shalt  }
0x4d: {  	_ =	shalt  }
0x4e: {  	_ =	shalt  }
0x4f: {  	_ =	shalt  }
0x50: {  	_ =	shalt  }
0x51: {  	_ =	shalt  }
0x52: {  	_ =	shalt  }
0x53: {  	_ =	shalt  }
0x54: {  	_ =	shalt  }
0x55: {  	_ =	shalt  }
0x56: {  	_ =	shalt  }
0x57: {  	_ =	shalt  }
0x58: {  	_ =	shalt  }
0x59: {  	_ =	shalt  }
0x5a: {  	_ =	shalt  }
0x5b: {  	_ =	shalt  }
0x5c: {  	_ =	shalt  }
0x5d: {  	_ =	shalt  }
0x5e: {  	_ =	shalt  }
0x5f: {  	_ =	shalt  }
0x60: {  	_ =	shalt  }
0x61: {  	_ =	shalt  }
0x62: {  	_ =	shalt  }
0x63: {  	_ =	shalt  }
0x64: {  	_ =	shalt  }
0x65: {  	_ =	shalt  }
0x66: {  	_ =	shalt  }
0x67: {  	_ =	shalt  }
0x68: {  	_ =	shalt  }
0x69: {  	_ =	shalt  }
0x6a: {  	_ =	shalt  }
0x6b: {  	_ =	shalt  }
0x6c: {  	_ =	shalt  }
0x6d: {  	_ =	shalt  }
0x6e: {  	_ =	shalt  }
0x6f: {  	_ =	shalt  }
0x70: {  	_ =	shalt  }
0x71: {  	_ =	shalt  }
0x72: {  	_ =	shalt  }
0x73: {  	_ =	shalt  }
0x74: {  	_ =	shalt  }
0x75: {  	_ =	shalt  }
0x76: {  	_ =	shalt  }
0x77: {  	_ =	shalt  }
0x78: {  	_ =	shalt  }
0x79: {  	_ =	shalt  }
0x7a: {  	_ =	shalt  }
0x7b: {  	_ =	shalt  }
0x7c: {  	_ =	shalt  }
0x7d: {  	_ =	shalt  }
0x7e: {  	_ =	shalt  }
0x7f: {  	_ =	shalt  }
0x80: {  	_ =	shalt  }
0x81: {  	_ =	shalt  }
0x82: {  	_ =	shalt  }
0x83: {  	_ =	shalt  }
0x84: {  	_ =	shalt  }
0x85: {  	_ =	shalt  }
0x86: {  	_ =	shalt  }
0x87: {  	_ =	shalt  }
.Lfunc_end0:
.L_simem_size_0:
called_computation.1_lowered:
.L_overlay_start_0:
0x88: {  	s2 =	sld [smem:$0x3FD9]  }
0x89: {  	s3 =	sld [smem:$0x3FFE];
	_ =	sdelay $0x1  }
0x8a: {  	s1 =	srdreg.scid  }
0x8b: {  	s0 =	sand.u32 $0x1, s1  }
0x8c: {  	s17 =	sshll.u32 s0, $0xA;
	s2 =	sadd.s32 s3, s2  }
0x8d: {  	s2 =	sadd.s32 s2, s17  }
0x8e: {  	[smem:$0x3FAE] =	sst s2  }
0x8f: {  	_ = 	snop  }
0x90: {  	s2 =	sld [smem:$0x3FC9]  }
0x91: {  	s18 =	sld [smem:$0x3FC8];
	(tm) =	ssettm $0x1  }
0x92: {  	s4 =	sld [smem:$0x3FFB];
	_ =	sdelay $0x3  }
0x93: {  	_ =	strace s4  }
0x94: {  	s4 =	sld [smem:$0x3FFC];
	_ =	sdelay $0x3  }
0x95: {  	_ =	strace s4  }
0x96: {  	s4 =	sld [smem:$0x3FFD];
	_ =	sdelay $0x3  }
0x97: {  	_ =	strace s4  }
0x98: {  	_ =	strace $0x8FFFFFFF  }
0x99: {  	s19 =	sld [smem:$0x3FDB];
	_ =	sdelay $0x1  }
0x9a: {  	s5 =	simm.s32 $_scs_section_size  }
0x9b: {  	s6 =	simm.s32 $_size__tile_overlayer_lowered;
	s7 =	simm.s32 $_tile_overlayer_lowered  }
0x9c: {  	s22 =	simm.s32 $0x1BFF;
	s21 =	sshll.u32 s7, $0x1;
	s4 =	sadd.s32 s5, s19  }
0x9d: {  	s8 =	simm.s32 $0x0;
	s20 =	sshll.u32 s6, $0x1;
	s6 =	sadd.s32 s21, s4  }
0x9e: {  	[timem:s8], [sflag:s22] =	dma.local [hbm:s6], s20  }
0x9f: {  	_ =	swait.ge [sflag:s22], s20  }
0xa0: {  	s5 =	ssub.s32 $0x0, s20;
	[sflag:s22] =	ssyncset.done $0x0  }
0xa1: {  	[sflag:s22] =	ssyncadd.s32 s5;
	_ =	sdelay $0x1  }
0xa2: {  	s23 =	simm.s32 $0x1B8B  }
0xa3: {  	_ =	swait.ge [sflag:s23], $0x1  }
0xa4: {  	[sflag:s23] =	ssyncset.done $0x0  }
0xa5: {  	s25 =	simm.s32 $0x1B8E;
	s24 =	sld [smem:$0x3FFE];
	[sflag:s23] =	ssyncadd.s32 $0xFFFFFFFF  }
0xa6: {  	s26 =	simm.s32 $execute0_lowered;
	[smem:$0x3FD2] =	sst s25  }
0xa7: {  	s6 =	sshll.u32 s26, $0x1;
	_ =	strace $0x80000049;
	[dreg:$0x1] =	wrdreg $0xFFFFFFFF  }
0xa8: {  	s28 =	simm.s32 $_size_execute0_lowered;
	s4 =	sadd.s32 s4, s6;
	[dreg:$0x0] =	wrdreg $0x0  }
0xa9: {  	s6 =	sshll.u32 s28, $0x1;
	[dreg:$0x2] =	wrdreg s4  }
0xaa: {  	[dreg:$0x3] =	wrdreg s6  }
0xab: {  	[dreg:$0x4] =	wrdreg $0xC0  }
0xac: {  	_ =	task [dreg:s8], $0x5FFFF  }
0xad: {  	[dreg:$0x1] =	wrdreg $0xFFFFFFFF  }
0xae: {  	[dreg:$0x0] =	wrdreg $0x60  }
0xaf: {  	[dreg:$0x2] =	wrdreg s2  }
0xb0: {  	[dreg:$0x3] =	wrdreg s18  }
0xb1: {  	[dreg:$0x4] =	wrdreg s24  }
0xb2: {  	[dreg:$0x5] =	wrdreg $0x0  }
0xb3: {  	[dreg:$0x6] =	wrdreg $0x9  }
0xb4: {  	_ =	task.clear_ibuf [dreg:s8], $0x7FFFF;
	_ =	strace $0x90000049  }
0xb5: {  	s29 =	simm.s32 $0x9;
	_ =	strace $0x8000004B  }
0xb6: {  	_ =	swait.ge [sflag:s29], $0x1  }
0xb7: {  	[sflag:s29] =	ssyncadd.s32 $0xFFFFFFFF  }
0xb8: {  	_ =	strace $0x9000004B  }
0xb9: {  	_ =	sfence  }
0xba: {  	s30 =	sld [smem:$0x0];
	_ =	sdelay $0x2  }
0xbb: {  	s31 =	sshll.u32 s1, $0xD;
	s1 =	sshrl.u32 s1, $0x2  }
0xbc: {  	s3 =	sand.u32 $0x4000, s31;
	s1 =	sadd.s32 s1, s30  }
0xbd: {  	s0 =	sor.u32 s3, s0;
	s1 =	sshll.u32 s1, $0x11  }
0xbe: {  	s0 =	sor.u32 s1, s0  }
0xbf: {  	s0 =	sadd.s32 $0x8F2B, s0  }
0xc0: {  	[sflag:s0] =	ssyncadd.remote.s32 $0x1  }
0xc1: {  	_ =	sfence.sel $0xFFFF  }
0xc2: {  	[dreg:$0x0] =	wrdreg $0xFFFFFFFF;
	(pc) =	sbr.abs _section_cstart, $3  }
0xc3: {  	[dreg:$0x1] =	wrdreg $0xFFFFFFFF  }
0xc4: {  	_ =	task.clear_ibuf [dreg:s8], $0x2FFFF;
	_ =	strace $0x9FFFFFFF  }
0xc5: {  	(tm) =	ssettm $0x7FFFFFFF  }
tec
execute0_lowered:
.L_overlay_start_1:
0x0: {  	(tag) =	ssettag $0x1  }
0x1: {  	s1 =	rddreg [dreg:$0x0]  }
0x2: {  	s2 =	rddreg [dreg:$0x1]  }
0x3: {  	s12 =	rddreg [dreg:$0x2]  }
0x4: {  	s3 =	rddreg [dreg:$0x3]  }
0x5: {  	s0 =	rddreg [dreg:$0x4]  }
0x6: {  	s4 =	simm.s32 $0x0;
	s6 =	srdreg.scid;
	s19 =	simm.s32 $0x14000  }
0x7: {  	s20 =	simm.s32 $0x80;
	s21 =	simm.s32 $0x14100;
	s22 =	simm.s32 $0x14080  }
0x8: {  	s23 =	simm.s32 $0x0;
	[smem:$0x7FF] =	sst s4;
	s5 =	sadd.s32 $0x63A00, s12  }
0x9: {  	s7 =	sadd.s32 $0xC200, s12;
	s8 =	sadd.s32 $0x69200, s12;
	s17 =	sand.u32 $0x1, s6  }
0xa: {  	s9 =	sadd.s32 $0x7200, s12;
	s6 =	stileid.u32;
	s10 =	sadd.s32 $0x6EA00, s12  }
0xb: {  	s11 =	sadd.s32 $0x71200, s12;
	s12 =	sadd.s32 $0x99200, s12;
	s15 =	smul.u32 $0x50000, s6  }
.Ltmp0:
0xc: {  	_ =	strace $0x8000004A;
	s13 =	ssub.s32 $0x2, s17;
	(pc) =	sbr.rel .LBB2_1-.Ltmp0, $4  }
0xd: {  	s31 =	sshll.u32 s6, $0x6;
	p0 =	sne.s32 s17, $0x0;
	s14 =	sshrl.u32 s13, $0x1  }
0xe: {  	s16 =	ssub.s32 s13, s14;
	s30 =	sshrl.u32 s15, $0x2;
	s13 =	smul.u32 $0x2C00, s6  }
0xf: {  	s14 =	sor.u32 $0x1C01, s31;
	s15 =	smul.u32 $0x2800, s6;
	s18 =	sadd.s32 s30, s3  }
0x10: {  	s16 =	smax.u32 s16, $0x1;
	s17 =	sshrl.u32 s18, $0x3;
	s18 =	simm.s32 $0x1  }
.LBB2_7:
0x11: {  	s25 =	sshrl.u32 s26, $0x3;
	[sflag:s18] =	ssyncset.done $0x0  }
0x12: {  	s25 =	sadd.s32 s8, s25;
	[sflag:s18] =	ssyncadd.s32 $0xFFFFC000  }
0x13: {  	[tilespmem:s19], [sflag:$0x1] =	stream.linear.gather [hbm4b:s25+s4], $0x80, $0x38;
	[tilespmem:$0x18100] =	vst v63  }
0x14: {  	_ =	swait.ge [sflag:s18], $0x80  }
0x15: {  	[sflag:s18] =	ssyncset.done $0x0  }
0x16: {  	[sflag:s18] =	ssyncadd.s32 $0xFFFFFF80  }
0x17: {  	[tilespmem:s21], [sflag:$0x1] =	stream.indirect.gather [hbm4b:s2+s20], $0x80, s19, s20, $0xb8;
	[tilespmem:$0x18100] =	vst v63  }
0x18: {  	_ =	swait.ge [sflag:s18], $0x4000  }
0x19: {  	s24 =	sshrl.u32 s24, $0x3;
	[sflag:s18] =	ssyncset.done $0x0  }
0x1a: {  	s24 =	sadd.s32 s9, s24;
	[sflag:s18] =	ssyncadd.s32 $0xFFFFC000  }
0x1b: {  	[tilespmem:s22], [sflag:$0x1] =	stream.linear.gather [hbm4b:s24+s4], $0x80, $0x38;
	[tilespmem:$0x18100] =	vst v63  }
0x1c: {  	_ =	swait.ge [sflag:s18], $0x80  }
0x1d: {  	[sflag:s18] =	ssyncset.done $0x0  }
0x1e: {  	[sflag:s18] =	ssyncadd.s32 $0xFFFFFF80  }
0x1f: {  	[spmem:s3] =	stream.indirect.scatter.add.f32 [tilespmem:s21], [sflag:$0x1], $0x80, s22, s20, $0xb8;
	[tilespmem:$0x18100] =	vst v63  }
0x20: {  	_ =	swait.ge [sflag:s18], $0x4000  }
0x21: {  	[sflag:s18] =	ssyncset.done $0x0  }
0x22: {  	s24 =	smov.u32 s12;
	[sflag:s18] =	ssyncadd.s32 $0xFFFFC000  }
.LBB2_8:
0x23: {  	s23 =	sadd.s32 $0x1, s23  }
0x24: {  	p1 =	sne.s32 s23, s16  }
.Ltmp1:
0x25: {  	s24 =	sadd.s32 s24, s15;
	[bflag:$0x0] =	sbarrier.arrive $0xFFFF;
	(pc) =	sbr.rel @!p1 .LBB2_9-.Ltmp1, $4  }
0x26: {  	[hbm:s24], [sflag:s14] =	dma.local [spmem:s17], $0x2800  }
0x27: {  	_ =	swait.ge [sflag:s18], $0x2800  }
0x28: {  	[sflag:s18] =	ssyncset.done $0x0  }
0x29: {  	[sflag:s18] =	ssyncadd.s32 $0xFFFFD800  }
.LBB2_1:
0x2a: {  	[spmem:s17], [sflag:s14] =	dma.local [hbm:s10], $0x2800  }
.Ltmp2:
0x2b: {  	_ =	swait.ge [sflag:s18], $0x2800;
	(pc) =	sbr.rel @p0 .LBB2_5-.Ltmp2, $4  }
0x2c: {  	s24 =	sand.u32 $0x3C00, s4;
	[sflag:s18] =	ssyncset.done $0x0  }
0x2d: {  	s25 =	sand.u32 $0x380, s4;
	s26 =	sadd.s32 s13, s24;
	[sflag:s18] =	ssyncadd.s32 $0xFFFFD800  }
0x2e: {  	s26 =	sor.u32 s25, s26;
	[bflag:$0x0] =	sbarrier.arrive $0xFFFF  }
0x2f: {  	s26 =	sshrl.u32 s26, $0x3  }
0x30: {  	s26 =	sadd.s32 s5, s26  }
0x31: {  	[tilespmem:s19], [sflag:$0x1] =	stream.linear.gather [hbm4b:s26+s4], $0x80, $0x38;
	[tilespmem:$0x18100] =	vst v63  }
0x32: {  	_ =	swait.ge [sflag:s18], $0x80  }
0x33: {  	[sflag:s18] =	ssyncset.done $0x0  }
0x34: {  	s24 =	sadd.s32 s15, s24;
	[sflag:s18] =	ssyncadd.s32 $0xFFFFFF80  }
0x35: {  	[tilespmem:s21], [sflag:$0x1] =	stream.indirect.gather [hbm4b:s1+s20], $0x80, s19, s20, $0xb8;
	[tilespmem:$0x18100] =	vst v63  }
0x36: {  	s24 =	sor.u32 s25, s24;
	_ =	swait.ge [sflag:s18], $0x4000  }
0x37: {  	s24 =	sshrl.u32 s24, $0x3;
	[sflag:s18] =	ssyncset.done $0x0  }
0x38: {  	s30 =	simm.s32 $0x80;
	s24 =	sadd.s32 s7, s24;
	[sflag:s18] =	ssyncadd.s32 $0xFFFFC000  }
0x39: {  	[tilespmem:s22], [sflag:$0x1] =	stream.linear.gather [hbm4b:s24+s4], $0x80, $0x38;
	[tilespmem:$0x18100] =	vst v63  }
0x3a: {  	s31 =	sand.u32 $0x3C00, s30;
	_ =	swait.ge [sflag:s18], $0x80  }
0x3b: {  	s25 =	simm.s32 $0x100;
	s28 =	sadd.s32 s13, s31;
	[sflag:s18] =	ssyncset.done $0x0  }
0x3c: {  	s29 =	sadd.s32 s15, s31;
	s24 =	sand.u32 $0x380, s30;
	[sflag:s18] =	ssyncadd.s32 $0xFFFFFF80  }
0x3d: {  	[spmem:s3] =	stream.indirect.scatter.add.f32 [tilespmem:s21], [sflag:$0x1], $0x80, s22, s20, $0xb8;
	[tilespmem:$0x18100] =	vst v63  }
0x3e: {  	s26 =	sor.u32 s24, s28;
	s24 =	sor.u32 s24, s29;
	_ =	swait.ge [sflag:s18], $0x4000  }
.LBB2_3:
0x3f: {  	s26 =	sshrl.u32 s26, $0x3  }
0x40: {  	[sflag:s18] =	ssyncset.done $0x0;
	s28 =	smov.u32 s25;
	s29 =	sadd.s32 $0x80, s25  }
0x41: {  	p1 =	seq.s32 s25, $0x2780;
	s25 =	sadd.s32 s5, s26;
	[sflag:s18] =	ssyncadd.s32 $0xFFFFC000  }
0x42: {  	[tilespmem:s19], [sflag:$0x1] =	stream.linear.gather [hbm4b:s25+s4], $0x80, $0x38;
	[tilespmem:$0x18100] =	vst v63  }
0x43: {  	_ =	swait.ge [sflag:s18], $0x80  }
0x44: {  	[sflag:s18] =	ssyncset.done $0x0  }
0x45: {  	[sflag:s18] =	ssyncadd.s32 $0xFFFFFF80  }
0x46: {  	[tilespmem:s21], [sflag:$0x1] =	stream.indirect.gather [hbm4b:s1+s20], $0x80, s19, s20, $0xb8;
	[tilespmem:$0x18100] =	vst v63  }
0x47: {  	_ =	swait.ge [sflag:s18], $0x4000  }
0x48: {  	s24 =	sshrl.u32 s24, $0x3;
	[sflag:s18] =	ssyncset.done $0x0  }
0x49: {  	s24 =	sadd.s32 s7, s24;
	[sflag:s18] =	ssyncadd.s32 $0xFFFFC000  }
0x4a: {  	[tilespmem:s22], [sflag:$0x1] =	stream.linear.gather [hbm4b:s24+s4], $0x80, $0x38;
	[tilespmem:$0x18100] =	vst v63  }
0x4b: {  	_ =	swait.ge [sflag:s18], $0x80  }
.Ltmp3:
0x4c: {  	s24 =	sand.u32 $0x3C00, s28;
	[sflag:s18] =	ssyncset.done $0x0;
	(pc) =	sbr.rel @!p1 .LBB2_3-.Ltmp3, $4  }
0x4d: {  	s25 =	sand.u32 $0x380, s28;
	s26 =	sadd.s32 s13, s24;
	[sflag:s18] =	ssyncadd.s32 $0xFFFFFF80  }
0x4e: {  	s24 =	sadd.s32 s15, s24;
	s26 =	sor.u32 s25, s26  }
0x4f: {  	[spmem:s3] =	stream.indirect.scatter.add.f32 [tilespmem:s21], [sflag:$0x1], $0x80, s22, s20, $0xb8;
	[tilespmem:$0x18100] =	vst v63  }
0x50: {  	s24 =	sor.u32 s25, s24;
	s25 =	smov.u32 s29;
	_ =	swait.ge [sflag:s18], $0x4000  }
0x51: {  	s25 =	sshrl.u32 s26, $0x3;
	[sflag:s18] =	ssyncset.done $0x0  }
0x52: {  	s25 =	sadd.s32 s5, s25;
	[sflag:s18] =	ssyncadd.s32 $0xFFFFC000  }
0x53: {  	[tilespmem:s19], [sflag:$0x1] =	stream.linear.gather [hbm4b:s25+s4], $0x80, $0x38;
	[tilespmem:$0x18100] =	vst v63  }
0x54: {  	_ =	swait.ge [sflag:s18], $0x80  }
0x55: {  	[sflag:s18] =	ssyncset.done $0x0  }
0x56: {  	[sflag:s18] =	ssyncadd.s32 $0xFFFFFF80  }
0x57: {  	[tilespmem:s21], [sflag:$0x1] =	stream.indirect.gather [hbm4b:s1+s20], $0x80, s19, s20, $0xb8;
	[tilespmem:$0x18100] =	vst v63  }
0x58: {  	_ =	swait.ge [sflag:s18], $0x4000  }
0x59: {  	s24 =	sshrl.u32 s24, $0x3;
	[sflag:s18] =	ssyncset.done $0x0  }
0x5a: {  	s24 =	sadd.s32 s7, s24;
	[sflag:s18] =	ssyncadd.s32 $0xFFFFC000  }
0x5b: {  	[tilespmem:s22], [sflag:$0x1] =	stream.linear.gather [hbm4b:s24+s4], $0x80, $0x38;
	[tilespmem:$0x18100] =	vst v63  }
0x5c: {  	_ =	swait.ge [sflag:s18], $0x80  }
0x5d: {  	[sflag:s18] =	ssyncset.done $0x0  }
.Ltmp4:
0x5e: {  	[sflag:s18] =	ssyncadd.s32 $0xFFFFFF80;
	(pc) =	sbr.rel .LBB2_8-.Ltmp4, $4  }
0x5f: {  	[spmem:s3] =	stream.indirect.scatter.add.f32 [tilespmem:s21], [sflag:$0x1], $0x80, s22, s20, $0xb8;
	[tilespmem:$0x18100] =	vst v63  }
0x60: {  	_ =	swait.ge [sflag:s18], $0x4000  }
0x61: {  	[sflag:s18] =	ssyncset.done $0x0  }
0x62: {  	s24 =	smov.u32 s11;
	[sflag:s18] =	ssyncadd.s32 $0xFFFFC000  }
.LBB2_5:
0x63: {  	s26 =	sadd.s32 s8, s26  }
0x64: {  	[tilespmem:s19], [sflag:$0x1] =	stream.linear.gather [hbm4b:s26+s4], $0x80, $0x38;
	[tilespmem:$0x18100] =	vst v63  }
0x65: {  	_ =	swait.ge [sflag:s18], $0x80  }
0x66: {  	[sflag:s18] =	ssyncset.done $0x0  }
0x67: {  	s24 =	sadd.s32 s15, s24;
	[sflag:s18] =	ssyncadd.s32 $0xFFFFFF80  }
0x68: {  	[tilespmem:s21], [sflag:$0x1] =	stream.indirect.gather [hbm4b:s2+s20], $0x80, s19, s20, $0xb8;
	[tilespmem:$0x18100] =	vst v63  }
0x69: {  	s24 =	sor.u32 s25, s24;
	_ =	swait.ge [sflag:s18], $0x4000  }
0x6a: {  	s24 =	sshrl.u32 s24, $0x3;
	[sflag:s18] =	ssyncset.done $0x0  }
0x6b: {  	s30 =	simm.s32 $0x80;
	s24 =	sadd.s32 s9, s24;
	[sflag:s18] =	ssyncadd.s32 $0xFFFFC000  }
0x6c: {  	[tilespmem:s22], [sflag:$0x1] =	stream.linear.gather [hbm4b:s24+s4], $0x80, $0x38;
	[tilespmem:$0x18100] =	vst v63  }
0x6d: {  	s31 =	sand.u32 $0x3C00, s30;
	_ =	swait.ge [sflag:s18], $0x80  }
0x6e: {  	s25 =	simm.s32 $0x100;
	s28 =	sadd.s32 s13, s31;
	[sflag:s18] =	ssyncset.done $0x0  }
0x6f: {  	s29 =	sadd.s32 s15, s31;
	s24 =	sand.u32 $0x380, s30;
	[sflag:s18] =	ssyncadd.s32 $0xFFFFFF80  }
0x70: {  	[spmem:s3] =	stream.indirect.scatter.add.f32 [tilespmem:s21], [sflag:$0x1], $0x80, s22, s20, $0xb8;
	[tilespmem:$0x18100] =	vst v63  }
0x71: {  	s26 =	sor.u32 s24, s28;
	s24 =	sor.u32 s24, s29;
	_ =	swait.ge [sflag:s18], $0x4000  }
.LBB2_6:
0x72: {  	s26 =	sshrl.u32 s26, $0x3  }
0x73: {  	[sflag:s18] =	ssyncset.done $0x0;
	s28 =	smov.u32 s25;
	s29 =	sadd.s32 $0x80, s25  }
0x74: {  	p1 =	sne.s32 s25, $0x2780;
	s25 =	sadd.s32 s8, s26;
	[sflag:s18] =	ssyncadd.s32 $0xFFFFC000  }
0x75: {  	[tilespmem:s19], [sflag:$0x1] =	stream.linear.gather [hbm4b:s25+s4], $0x80, $0x38;
	[tilespmem:$0x18100] =	vst v63  }
0x76: {  	_ =	swait.ge [sflag:s18], $0x80  }
0x77: {  	[sflag:s18] =	ssyncset.done $0x0  }
0x78: {  	[sflag:s18] =	ssyncadd.s32 $0xFFFFFF80  }
0x79: {  	[tilespmem:s21], [sflag:$0x1] =	stream.indirect.gather [hbm4b:s2+s20], $0x80, s19, s20, $0xb8;
	[tilespmem:$0x18100] =	vst v63  }
0x7a: {  	_ =	swait.ge [sflag:s18], $0x4000  }
0x7b: {  	s24 =	sshrl.u32 s24, $0x3;
	[sflag:s18] =	ssyncset.done $0x0  }
0x7c: {  	s24 =	sadd.s32 s9, s24;
	[sflag:s18] =	ssyncadd.s32 $0xFFFFC000  }
0x7d: {  	[tilespmem:s22], [sflag:$0x1] =	stream.linear.gather [hbm4b:s24+s4], $0x80, $0x38;
	[tilespmem:$0x18100] =	vst v63  }
0x7e: {  	_ =	swait.ge [sflag:s18], $0x80  }
.Ltmp5:
0x7f: {  	s24 =	sand.u32 $0x3C00, s28;
	[sflag:s18] =	ssyncset.done $0x0;
	(pc) =	sbr.rel @p1 .LBB2_6-.Ltmp5, $4  }
0x80: {  	s25 =	sand.u32 $0x380, s28;
	s26 =	sadd.s32 s13, s24;
	[sflag:s18] =	ssyncadd.s32 $0xFFFFFF80  }
0x81: {  	s24 =	sadd.s32 s15, s24;
	s26 =	sor.u32 s25, s26  }
0x82: {  	[spmem:s3] =	stream.indirect.scatter.add.f32 [tilespmem:s21], [sflag:$0x1], $0x80, s22, s20, $0xb8;
	[tilespmem:$0x18100] =	vst v63  }
0x83: {  	s24 =	sor.u32 s25, s24;
	s25 =	smov.u32 s29;
	_ =	swait.ge [sflag:s18], $0x4000  }
.Ltmp6:
0x84: {  	_ = 	snop;
	(pc) =	sbr.rel .LBB2_7-.Ltmp6, $1  }
0x85: {  	_ =	sdelay $0x3  }
.LBB2_9:
0x86: {  	_ =	sfence.sel $0x180000  }
0x87: {  	[bflag:$0x0] =	sbarrier.arrive $0xFFFF  }
0x88: {  	p0 =	sne.s32 s6, $0x0;
	_ =	strace $0x9000004A  }
0x89: {  	s0 =	sadd.s32 @!p0 $0x100000, s0;
	[bflag:$0x2] =	sbarrier.arrive $0xFFFF  }
0x8a: {  	[sflag:s0] =	ssyncadd.tile.s32 @!p0 $0x1;
	_ =	shalt  }
.Lfunc_end2:
_tile_overlayer_lowered:
.L_overlay_start_2:
0x8b: {  	(tag) =	ssettag $0x2  }
0x8c: {  	s0 =	rddreg [dreg:$0x0];
	s2 =	stileid.u32  }
0x8d: {  	s1 =	rddreg [dreg:$0x1];
	p0 =	sne.s32 s2, $0x0  }
0x8e: {  	s3 =	rddreg [dreg:$0x2];
	[bflag:$0x3] =	sbarrier.arrive $0xFFFF;
	s2 =	simm.s32 @!p0 $0x1C01  }
0x8f: {  	[timem:s3], [sflag:s2] =	dma.local @!p0 [hbm:s0], s1  }
0x90: {  	s0 =	simm.s32 @!p0 $0x1  }
0x91: {  	_ =	swait.ge @!p0 [sflag:s0], s1  }
0x92: {  	s1 =	ssub.s32 @!p0 $0x0, s1;
	[sflag:s0] =	ssyncset.done @!p0 $0x0  }
0x93: {  	[sflag:s0] =	ssyncadd.s32 @!p0 s1  }
0x94: {  	[bflag:$0x3] =	sbarrier.arrive $0xFFFF  }
0x95: {  	_ =	shalt  }

// kernel: sc_segsum.7.cloned.1.call-start
scs
__scs_entry_jumppad:
0x0: {  	(pc) =	sbr.rel $0x88, $3  }
0x1: {  	(tag) =	ssettag $0x0;
	lr =	simm.s32 $0x1  }
0x2: {  	[smem:$0x3F87] =	sst lr;
	_ =	strace $0xD0000000  }
0x3: {  	_ = 	snop  }
0x4: {  	_ = 	snop  }
0x5: {  	_ = 	snop  }
0x6: {  	_ = 	snop  }
0x7: {  	_ = 	snop  }
__scs_overlays_trampoline_lowered:
0x8: {  	[smem:$0x3F96] =	sst s0  }
0x9: {  	[smem:$0x3F97] =	sst s1  }
0xa: {  	[smem:$0x3F98] =	sst s2  }
0xb: {  	[smem:$0x3F99] =	sst s3  }
0xc: {  	[smem:$0x3F9A] =	sst s4  }
0xd: {  	[smem:$0x3F9B] =	sst s5  }
0xe: {  	[smem:$0x3F9C] =	sst s6  }
0xf: {  	[smem:$0x3F9D] =	sst s7  }
0x10: {  	[smem:$0x3F9E] =	sst s8  }
0x11: {  	[smem:$0x3F9F] =	sst s9;
	s0 =	simm.s32 @!p0 $0x0  }
0x12: {  	s1 =	sld [smem:$0x3F85];
	s0 =	simm.s32 @p0 $0x1  }
0x13: {  	[smem:$0x3FA0] =	sst s0;
	s0 =	simm.s32 @!p1 $0x0  }
0x14: {  	s2 =	sld [smem:$0x3F84];
	s0 =	simm.s32 @p1 $0x1  }
0x15: {  	[smem:$0x3FA1] =	sst s0;
	s0 =	simm.s32 @!p2 $0x0  }
0x16: {  	s3 =	sld [smem:$0x3FDB];
	s0 =	simm.s32 @p2 $0x1  }
0x17: {  	s4 =	simm.s32 $0x1BF5;
	[smem:$0x3FA3] =	sst s0  }
0x18: {  	s0 =	sld [smem:$0x3F86];
	_ =	swait.ge [sflag:s4], $0x0  }
0x19: {  	s7 =	sld [smem:$0x3F87]  }
0x1a: {  	s8 =	sadd.s32 $0xFFFFE003, lr  }
0x1b: {  	s9 =	sadd.s32 $0xFFFFFEF7, lr;
	s5 =	simm.s32 $0xFFFFFFFF;
	p2 =	slt.u32 s8, $0xFFFFF086  }
0x1c: {  	p1 =	slt.u32 s9, $0xF7A;
	s5 =	simm.s32 @!p2 $0x0  }
0x1d: {  	s5 =	simm.s32 @p1 $0x1;
	p0 =	seq.s32 s7, s2  }
0x1e: {  	s7 =	smul.u32 @!p0 $0xF7A, s2;
	p2 =	seq.s32 @!p0 s5, $0x0  }
0x1f: {  	s9 =	smul.u32 $0xF7A, s1;
	s8 =	simm.s32 @!p0 $0x1BF5;
	p2 =	por !p2, p0  }
0x20: {  	[sflag:s8] =	ssyncset.s32 @!p0 $0xFFFFF086;
	s6 =	sadd.s32 @!p0 s3, s7;
	s7 =	simm.s32 @!p0 $0x108  }
0x21: {  	s3 =	sadd.s32 s3, s9;
	s6 =	sadd.s32 @!p0 $0x88, s6;
	s7 =	simm.s32 @p2 $0x1082  }
0x22: {  	[simem:s7], [sflag:s8] =	dma.local @!p0 [hbm:s6], $0xF7A  }
0x23: {  	s9 =	sor.u32 $0xD0000000, s2;
	s6 =	simm.s32 $0x108;
	_ =	swait.ge @!p0 [sflag:s8], $0x0  }
0x24: {  	s3 =	sadd.s32 $0x88, s3;
	s6 =	simm.s32 @!p1 $0x1082;
	[sflag:s4] =	ssyncset.s32 $0xFFFFF086  }
0x25: {  	[simem:s6], [sflag:s4] =	dma.local [hbm:s3], $0xF7A  }
0x26: {  	[smem:$0x3F87] =	sst s1;
	(tag) =	ssettag s2;
	_ =	strace s9  }
0x27: {  	s1 =	sld [smem:$0x3F97]  }
0x28: {  	s2 =	sld [smem:$0x3F98]  }
0x29: {  	s4 =	sld [smem:$0x3F9A]  }
0x2a: {  	p0 =	seq.s32 s5, $0x0;
	s5 =	sld [smem:$0x3F9B]  }
0x2b: {  	s6 =	sld [smem:$0x3F9C]  }
0x2c: {  	s7 =	sld [smem:$0x3F9D]  }
0x2d: {  	s3 =	simm.s32 $0x108;
	s8 =	sld [smem:$0x3F9E]  }
0x2e: {  	s3 =	simm.s32 @!p0 $0x1082;
	s9 =	sld [smem:$0x3F9F]  }
0x2f: {  	lr =	sadd.s32 s0, s3;
	s0 =	sld [smem:$0x3F96]  }
0x30: {  	s3 =	sld [smem:$0x3F99]  }
0x31: {  	[smem:$0x3FA2] =	sst s10  }
0x32: {  	s10 =	sld [smem:$0x3FA0];
	_ =	sdelay $0x3  }
0x33: {  	p0 =	seq.s32 s10, $0x1;
	s10 =	sld [smem:$0x3FA2];
	_ =	sdelay $0x3  }
0x34: {  	[smem:$0x3FA2] =	sst s10  }
0x35: {  	s10 =	sld [smem:$0x3FA1];
	_ =	sdelay $0x3  }
0x36: {  	p1 =	seq.s32 s10, $0x1;
	s10 =	sld [smem:$0x3FA2];
	_ =	sdelay $0x3  }
0x37: {  	[smem:$0x3FA2] =	sst s10  }
0x38: {  	s10 =	sld [smem:$0x3FA3]  }
0x39: {  	_ = 	snop;
	(pc) =	sbr.ind lr, $3  }
0x3a: {  	_ = 	snop  }
0x3b: {  	_ = 	snop  }
0x3c: {  	p2 =	seq.s32 s10, $0x1;
	s10 =	sld [smem:$0x3FA2]  }
0x3d: {  	_ =	shalt  }
0x3e: {  	_ =	shalt  }
0x3f: {  	_ =	shalt  }
0x40: {  	_ =	shalt  }
0x41: {  	_ =	shalt  }
0x42: {  	_ =	shalt  }
0x43: {  	_ =	shalt  }
0x44: {  	_ =	shalt  }
0x45: {  	_ =	shalt  }
0x46: {  	_ =	shalt  }
0x47: {  	_ =	shalt  }
0x48: {  	_ =	shalt  }
0x49: {  	_ =	shalt  }
0x4a: {  	_ =	shalt  }
0x4b: {  	_ =	shalt  }
0x4c: {  	_ =	shalt  }
0x4d: {  	_ =	shalt  }
0x4e: {  	_ =	shalt  }
0x4f: {  	_ =	shalt  }
0x50: {  	_ =	shalt  }
0x51: {  	_ =	shalt  }
0x52: {  	_ =	shalt  }
0x53: {  	_ =	shalt  }
0x54: {  	_ =	shalt  }
0x55: {  	_ =	shalt  }
0x56: {  	_ =	shalt  }
0x57: {  	_ =	shalt  }
0x58: {  	_ =	shalt  }
0x59: {  	_ =	shalt  }
0x5a: {  	_ =	shalt  }
0x5b: {  	_ =	shalt  }
0x5c: {  	_ =	shalt  }
0x5d: {  	_ =	shalt  }
0x5e: {  	_ =	shalt  }
0x5f: {  	_ =	shalt  }
0x60: {  	_ =	shalt  }
0x61: {  	_ =	shalt  }
0x62: {  	_ =	shalt  }
0x63: {  	_ =	shalt  }
0x64: {  	_ =	shalt  }
0x65: {  	_ =	shalt  }
0x66: {  	_ =	shalt  }
0x67: {  	_ =	shalt  }
0x68: {  	_ =	shalt  }
0x69: {  	_ =	shalt  }
0x6a: {  	_ =	shalt  }
0x6b: {  	_ =	shalt  }
0x6c: {  	_ =	shalt  }
0x6d: {  	_ =	shalt  }
0x6e: {  	_ =	shalt  }
0x6f: {  	_ =	shalt  }
0x70: {  	_ =	shalt  }
0x71: {  	_ =	shalt  }
0x72: {  	_ =	shalt  }
0x73: {  	_ =	shalt  }
0x74: {  	_ =	shalt  }
0x75: {  	_ =	shalt  }
0x76: {  	_ =	shalt  }
0x77: {  	_ =	shalt  }
0x78: {  	_ =	shalt  }
0x79: {  	_ =	shalt  }
0x7a: {  	_ =	shalt  }
0x7b: {  	_ =	shalt  }
0x7c: {  	_ =	shalt  }
0x7d: {  	_ =	shalt  }
0x7e: {  	_ =	shalt  }
0x7f: {  	_ =	shalt  }
0x80: {  	_ =	shalt  }
0x81: {  	_ =	shalt  }
0x82: {  	_ =	shalt  }
0x83: {  	_ =	shalt  }
0x84: {  	_ =	shalt  }
0x85: {  	_ =	shalt  }
0x86: {  	_ =	shalt  }
0x87: {  	_ =	shalt  }
.Lfunc_end0:
.L_simem_size_0:
called_computation.2_lowered:
.L_overlay_start_0:
0x88: {  	s2 =	sld [smem:$0x3FD9]  }
0x89: {  	s3 =	sld [smem:$0x3FFE];
	_ =	sdelay $0x1  }
0x8a: {  	s1 =	srdreg.scid  }
0x8b: {  	s0 =	sand.u32 $0x1, s1  }
0x8c: {  	s16 =	sshll.u32 s0, $0xA;
	s2 =	sadd.s32 s3, s2  }
0x8d: {  	s2 =	sadd.s32 s2, s16  }
0x8e: {  	[smem:$0x3FAE] =	sst s2  }
0x8f: {  	_ = 	snop  }
0x90: {  	(tm) =	ssettm $0x1  }
0x91: {  	s17 =	sld [smem:$0x3FFB];
	_ =	sdelay $0x3  }
0x92: {  	_ =	strace s17  }
0x93: {  	s2 =	sld [smem:$0x3FFC];
	_ =	sdelay $0x3  }
0x94: {  	_ =	strace s2  }
0x95: {  	s2 =	sld [smem:$0x3FFD];
	_ =	sdelay $0x3  }
0x96: {  	_ =	strace s2  }
0x97: {  	_ =	strace $0x8FFFFFFF  }
0x98: {  	s18 =	sld [smem:$0x3FDB];
	_ =	sdelay $0x1  }
0x99: {  	s19 =	simm.s32 $_scs_section_size  }
0x9a: {  	s4 =	simm.s32 $_size__tile_overlayer_lowered;
	s5 =	simm.s32 $_tile_overlayer_lowered  }
0x9b: {  	s22 =	simm.s32 $0x1BFF;
	s21 =	sshll.u32 s5, $0x1;
	s2 =	sadd.s32 s19, s18  }
0x9c: {  	s6 =	simm.s32 $0x0;
	s20 =	sshll.u32 s4, $0x1;
	s4 =	sadd.s32 s21, s2  }
0x9d: {  	[timem:s6], [sflag:s22] =	dma.local [hbm:s4], s20  }
0x9e: {  	_ =	swait.ge [sflag:s22], s20  }
0x9f: {  	s3 =	ssub.s32 $0x0, s20;
	[sflag:s22] =	ssyncset.done $0x0  }
0xa0: {  	[sflag:s22] =	ssyncadd.s32 s3;
	_ =	sdelay $0x1  }
0xa1: {  	s23 =	simm.s32 $0x1B8B  }
0xa2: {  	_ =	swait.ge [sflag:s23], $0x1  }
0xa3: {  	[sflag:s23] =	ssyncset.done $0x0  }
0xa4: {  	s25 =	simm.s32 $0x1B8E;
	s24 =	sld [smem:$0x3FFE];
	[sflag:s23] =	ssyncadd.s32 $0xFFFFFFFF  }
0xa5: {  	s26 =	simm.s32 $execute0_lowered;
	[smem:$0x3FD2] =	sst s25  }
0xa6: {  	s4 =	sshll.u32 s26, $0x1;
	_ =	strace $0x8000004C;
	[dreg:$0x1] =	wrdreg $0xFFFFFFFF  }
0xa7: {  	s28 =	simm.s32 $_size_execute0_lowered;
	s2 =	sadd.s32 s2, s4;
	[dreg:$0x0] =	wrdreg $0x0  }
0xa8: {  	s4 =	sshll.u32 s28, $0x1;
	[dreg:$0x2] =	wrdreg s2  }
0xa9: {  	[dreg:$0x3] =	wrdreg s4  }
0xaa: {  	[dreg:$0x4] =	wrdreg $0xC0  }
0xab: {  	_ =	task [dreg:s6], $0x5FFFF  }
0xac: {  	[dreg:$0x1] =	wrdreg $0xFFFFFFFF  }
0xad: {  	[dreg:$0x0] =	wrdreg $0x60  }
0xae: {  	[dreg:$0x2] =	wrdreg s24  }
0xaf: {  	[dreg:$0x3] =	wrdreg $0x0  }
0xb0: {  	[dreg:$0x4] =	wrdreg $0x9  }
0xb1: {  	_ =	task.clear_ibuf [dreg:s6], $0x5FFFF;
	_ =	strace $0x9000004C  }
0xb2: {  	s29 =	simm.s32 $0x9;
	_ =	strace $0x8000004E  }
0xb3: {  	_ =	swait.ge [sflag:s29], $0x1  }
0xb4: {  	[sflag:s29] =	ssyncadd.s32 $0xFFFFFFFF  }
0xb5: {  	_ =	strace $0x9000004E  }
0xb6: {  	_ =	sfence  }
0xb7: {  	s30 =	sld [smem:$0x0];
	_ =	sdelay $0x2  }
0xb8: {  	s31 =	sshll.u32 s1, $0xD;
	s1 =	sshrl.u32 s1, $0x2  }
0xb9: {  	s3 =	sand.u32 $0x4000, s31;
	s1 =	sadd.s32 s1, s30  }
0xba: {  	s0 =	sor.u32 s3, s0;
	s1 =	sshll.u32 s1, $0x11  }
0xbb: {  	s0 =	sor.u32 s1, s0  }
0xbc: {  	s0 =	sadd.s32 $0x8F2B, s0  }
0xbd: {  	[sflag:s0] =	ssyncadd.remote.s32 $0x1  }
0xbe: {  	_ =	sfence.sel $0xFFFF  }
0xbf: {  	[dreg:$0x0] =	wrdreg $0xFFFFFFFF;
	(pc) =	sbr.abs _section_cstart, $3  }
0xc0: {  	[dreg:$0x1] =	wrdreg $0xFFFFFFFF  }
0xc1: {  	_ =	task.clear_ibuf [dreg:s6], $0x2FFFF;
	_ =	strace $0x9FFFFFFF  }
0xc2: {  	(tm) =	ssettm $0x7FFFFFFF  }
0xc3: {  	_ =	shalt  }
tec
execute0_lowered:
.L_overlay_start_1:
0x0: {  	(tag) =	ssettag $0x1  }
0x1: {  	s12 =	rddreg [dreg:$0x0]  }
0x2: {  	s1 =	rddreg [dreg:$0x1]  }
0x3: {  	s0 =	rddreg [dreg:$0x2];
	s2 =	simm.s32 $0x0;
	s6 =	srdreg.scid  }
0x4: {  	s19 =	simm.s32 $0x14000;
	s20 =	simm.s32 $0x80;
	s21 =	simm.s32 $0x14100  }
0x5: {  	s22 =	simm.s32 $0x14080;
	s23 =	simm.s32 $0x0;
	[smem:$0x7FF] =	sst s2  }
0x6: {  	s3 =	sadd.s32 $0x6EA00, s12;
	s4 =	sadd.s32 $0x95C00, s12;
	s5 =	sadd.s32 $0x63A00, s12  }
0x7: {  	s7 =	sadd.s32 $0xC200, s12;
	s8 =	sadd.s32 $0x69200, s12;
	s17 =	sand.u32 $0x1, s6  }
0x8: {  	s9 =	sadd.s32 $0x7200, s12;
	s6 =	stileid.u32;
	s11 =	sadd.s32 $0x15D600, s12  }
0x9: {  	s10 =	sadd.s32 $0x11200, s12;
	s12 =	sadd.s32 $0x185600, s12;
	s15 =	smul.u32 $0x50000, s6  }
.Ltmp0:
0xa: {  	_ =	strace $0x8000004D;
	s13 =	ssub.s32 $0x2, s17;
	(pc) =	sbr.rel .LBB2_1-.Ltmp0, $4  }
0xb: {  	s31 =	sshll.u32 s6, $0x6;
	p0 =	sne.s32 s17, $0x0;
	s14 =	sshrl.u32 s13, $0x1  }
0xc: {  	s16 =	ssub.s32 s13, s14;
	s30 =	sshrl.u32 s15, $0x2;
	s13 =	smul.u32 $0x2C00, s6  }
0xd: {  	s14 =	sor.u32 $0x1C01, s31;
	s15 =	smul.u32 $0x2800, s6;
	s18 =	sadd.s32 s30, s1  }
0xe: {  	s16 =	smax.u32 s16, $0x1;
	s17 =	sshrl.u32 s18, $0x3;
	s18 =	simm.s32 $0x1  }
.LBB2_7:
0xf: {  	s25 =	sshrl.u32 s26, $0x3;
	[sflag:s18] =	ssyncset.done $0x0  }
0x10: {  	s25 =	sadd.s32 s8, s25;
	[sflag:s18] =	ssyncadd.s32 $0xFFFFC000  }
0x11: {  	[tilespmem:s19], [sflag:$0x1] =	stream.linear.gather [hbm4b:s25+s2], $0x80, $0x38;
	[tilespmem:$0x18100] =	vst v63  }
0x12: {  	_ =	swait.ge [sflag:s18], $0x80  }
0x13: {  	[sflag:s18] =	ssyncset.done $0x0  }
0x14: {  	[sflag:s18] =	ssyncadd.s32 $0xFFFFFF80  }
0x15: {  	[tilespmem:s21], [sflag:$0x1] =	stream.indirect.gather [hbm4b:s4+s20], $0x80, s19, s20, $0xb8;
	[tilespmem:$0x18100] =	vst v63  }
0x16: {  	_ =	swait.ge [sflag:s18], $0x4000  }
0x17: {  	s24 =	sshrl.u32 s24, $0x3;
	[sflag:s18] =	ssyncset.done $0x0  }
0x18: {  	s24 =	sadd.s32 s9, s24;
	[sflag:s18] =	ssyncadd.s32 $0xFFFFC000  }
0x19: {  	[tilespmem:s22], [sflag:$0x1] =	stream.linear.gather [hbm4b:s24+s2], $0x80, $0x38;
	[tilespmem:$0x18100] =	vst v63  }
0x1a: {  	_ =	swait.ge [sflag:s18], $0x80  }
0x1b: {  	[sflag:s18] =	ssyncset.done $0x0  }
0x1c: {  	[sflag:s18] =	ssyncadd.s32 $0xFFFFFF80  }
0x1d: {  	[spmem:s1] =	stream.indirect.scatter.add.f32 [tilespmem:s21], [sflag:$0x1], $0x80, s22, s20, $0xb8;
	[tilespmem:$0x18100] =	vst v63  }
0x1e: {  	_ =	swait.ge [sflag:s18], $0x4000  }
0x1f: {  	[sflag:s18] =	ssyncset.done $0x0  }
0x20: {  	s24 =	smov.u32 s12;
	[sflag:s18] =	ssyncadd.s32 $0xFFFFC000  }
.LBB2_8:
0x21: {  	s23 =	sadd.s32 $0x1, s23  }
0x22: {  	p1 =	sne.s32 s23, s16  }
.Ltmp1:
0x23: {  	s24 =	sadd.s32 s24, s15;
	[bflag:$0x0] =	sbarrier.arrive $0xFFFF;
	(pc) =	sbr.rel @!p1 .LBB2_9-.Ltmp1, $4  }
0x24: {  	[hbm:s24], [sflag:s14] =	dma.local [spmem:s17], $0x2800  }
0x25: {  	_ =	swait.ge [sflag:s18], $0x2800  }
0x26: {  	[sflag:s18] =	ssyncset.done $0x0  }
0x27: {  	[sflag:s18] =	ssyncadd.s32 $0xFFFFD800  }
.LBB2_1:
0x28: {  	[spmem:s17], [sflag:s14] =	dma.local [hbm:s10], $0x2800  }
.Ltmp2:
0x29: {  	_ =	swait.ge [sflag:s18], $0x2800;
	(pc) =	sbr.rel @p0 .LBB2_5-.Ltmp2, $4  }
0x2a: {  	s24 =	sand.u32 $0x3C00, s2;
	[sflag:s18] =	ssyncset.done $0x0  }
0x2b: {  	s25 =	sand.u32 $0x380, s2;
	s26 =	sadd.s32 s13, s24;
	[sflag:s18] =	ssyncadd.s32 $0xFFFFD800  }
0x2c: {  	s26 =	sor.u32 s25, s26;
	[bflag:$0x0] =	sbarrier.arrive $0xFFFF  }
0x2d: {  	s26 =	sshrl.u32 s26, $0x3  }
0x2e: {  	s26 =	sadd.s32 s5, s26  }
0x2f: {  	[tilespmem:s19], [sflag:$0x1] =	stream.linear.gather [hbm4b:s26+s2], $0x80, $0x38;
	[tilespmem:$0x18100] =	vst v63  }
0x30: {  	_ =	swait.ge [sflag:s18], $0x80  }
0x31: {  	[sflag:s18] =	ssyncset.done $0x0  }
0x32: {  	s24 =	sadd.s32 s15, s24;
	[sflag:s18] =	ssyncadd.s32 $0xFFFFFF80  }
0x33: {  	[tilespmem:s21], [sflag:$0x1] =	stream.indirect.gather [hbm4b:s3+s20], $0x80, s19, s20, $0xb8;
	[tilespmem:$0x18100] =	vst v63  }
0x34: {  	s24 =	sor.u32 s25, s24;
	_ =	swait.ge [sflag:s18], $0x4000  }
0x35: {  	s24 =	sshrl.u32 s24, $0x3;
	[sflag:s18] =	ssyncset.done $0x0  }
0x36: {  	s30 =	simm.s32 $0x80;
	s24 =	sadd.s32 s7, s24;
	[sflag:s18] =	ssyncadd.s32 $0xFFFFC000  }
0x37: {  	[tilespmem:s22], [sflag:$0x1] =	stream.linear.gather [hbm4b:s24+s2], $0x80, $0x38;
	[tilespmem:$0x18100] =	vst v63  }
0x38: {  	s31 =	sand.u32 $0x3C00, s30;
	_ =	swait.ge [sflag:s18], $0x80  }
0x39: {  	s25 =	simm.s32 $0x100;
	s28 =	sadd.s32 s13, s31;
	[sflag:s18] =	ssyncset.done $0x0  }
0x3a: {  	s29 =	sadd.s32 s15, s31;
	s24 =	sand.u32 $0x380, s30;
	[sflag:s18] =	ssyncadd.s32 $0xFFFFFF80  }
0x3b: {  	[spmem:s1] =	stream.indirect.scatter.add.f32 [tilespmem:s21], [sflag:$0x1], $0x80, s22, s20, $0xb8;
	[tilespmem:$0x18100] =	vst v63  }
0x3c: {  	s26 =	sor.u32 s24, s28;
	s24 =	sor.u32 s24, s29;
	_ =	swait.ge [sflag:s18], $0x4000  }
.LBB2_3:
0x3d: {  	s26 =	sshrl.u32 s26, $0x3  }
0x3e: {  	[sflag:s18] =	ssyncset.done $0x0;
	s28 =	smov.u32 s25;
	s29 =	sadd.s32 $0x80, s25  }
0x3f: {  	p1 =	seq.s32 s25, $0x2780;
	s25 =	sadd.s32 s5, s26;
	[sflag:s18] =	ssyncadd.s32 $0xFFFFC000  }
0x40: {  	[tilespmem:s19], [sflag:$0x1] =	stream.linear.gather [hbm4b:s25+s2], $0x80, $0x38;
	[tilespmem:$0x18100] =	vst v63  }
0x41: {  	_ =	swait.ge [sflag:s18], $0x80  }
0x42: {  	[sflag:s18] =	ssyncset.done $0x0  }
0x43: {  	[sflag:s18] =	ssyncadd.s32 $0xFFFFFF80  }
0x44: {  	[tilespmem:s21], [sflag:$0x1] =	stream.indirect.gather [hbm4b:s3+s20], $0x80, s19, s20, $0xb8;
	[tilespmem:$0x18100] =	vst v63  }
0x45: {  	_ =	swait.ge [sflag:s18], $0x4000  }
0x46: {  	s24 =	sshrl.u32 s24, $0x3;
	[sflag:s18] =	ssyncset.done $0x0  }
0x47: {  	s24 =	sadd.s32 s7, s24;
	[sflag:s18] =	ssyncadd.s32 $0xFFFFC000  }
0x48: {  	[tilespmem:s22], [sflag:$0x1] =	stream.linear.gather [hbm4b:s24+s2], $0x80, $0x38;
	[tilespmem:$0x18100] =	vst v63  }
0x49: {  	_ =	swait.ge [sflag:s18], $0x80  }
.Ltmp3:
0x4a: {  	s24 =	sand.u32 $0x3C00, s28;
	[sflag:s18] =	ssyncset.done $0x0;
	(pc) =	sbr.rel @!p1 .LBB2_3-.Ltmp3, $4  }
0x4b: {  	s25 =	sand.u32 $0x380, s28;
	s26 =	sadd.s32 s13, s24;
	[sflag:s18] =	ssyncadd.s32 $0xFFFFFF80  }
0x4c: {  	s24 =	sadd.s32 s15, s24;
	s26 =	sor.u32 s25, s26  }
0x4d: {  	[spmem:s1] =	stream.indirect.scatter.add.f32 [tilespmem:s21], [sflag:$0x1], $0x80, s22, s20, $0xb8;
	[tilespmem:$0x18100] =	vst v63  }
0x4e: {  	s24 =	sor.u32 s25, s24;
	s25 =	smov.u32 s29;
	_ =	swait.ge [sflag:s18], $0x4000  }
0x4f: {  	s25 =	sshrl.u32 s26, $0x3;
	[sflag:s18] =	ssyncset.done $0x0  }
0x50: {  	s25 =	sadd.s32 s5, s25;
	[sflag:s18] =	ssyncadd.s32 $0xFFFFC000  }
0x51: {  	[tilespmem:s19], [sflag:$0x1] =	stream.linear.gather [hbm4b:s25+s2], $0x80, $0x38;
	[tilespmem:$0x18100] =	vst v63  }
0x52: {  	_ =	swait.ge [sflag:s18], $0x80  }
0x53: {  	[sflag:s18] =	ssyncset.done $0x0  }
0x54: {  	[sflag:s18] =	ssyncadd.s32 $0xFFFFFF80  }
0x55: {  	[tilespmem:s21], [sflag:$0x1] =	stream.indirect.gather [hbm4b:s3+s20], $0x80, s19, s20, $0xb8;
	[tilespmem:$0x18100] =	vst v63  }
0x56: {  	_ =	swait.ge [sflag:s18], $0x4000  }
0x57: {  	s24 =	sshrl.u32 s24, $0x3;
	[sflag:s18] =	ssyncset.done $0x0  }
0x58: {  	s24 =	sadd.s32 s7, s24;
	[sflag:s18] =	ssyncadd.s32 $0xFFFFC000  }
0x59: {  	[tilespmem:s22], [sflag:$0x1] =	stream.linear.gather [hbm4b:s24+s2], $0x80, $0x38;
	[tilespmem:$0x18100] =	vst v63  }
0x5a: {  	_ =	swait.ge [sflag:s18], $0x80  }
0x5b: {  	[sflag:s18] =	ssyncset.done $0x0  }
.Ltmp4:
0x5c: {  	[sflag:s18] =	ssyncadd.s32 $0xFFFFFF80;
	(pc) =	sbr.rel .LBB2_8-.Ltmp4, $4  }
0x5d: {  	[spmem:s1] =	stream.indirect.scatter.add.f32 [tilespmem:s21], [sflag:$0x1], $0x80, s22, s20, $0xb8;
	[tilespmem:$0x18100] =	vst v63  }
0x5e: {  	_ =	swait.ge [sflag:s18], $0x4000  }
0x5f: {  	[sflag:s18] =	ssyncset.done $0x0  }
0x60: {  	s24 =	smov.u32 s11;
	[sflag:s18] =	ssyncadd.s32 $0xFFFFC000  }
.LBB2_5:
0x61: {  	s26 =	sadd.s32 s8, s26  }
0x62: {  	[tilespmem:s19], [sflag:$0x1] =	stream.linear.gather [hbm4b:s26+s2], $0x80, $0x38;
	[tilespmem:$0x18100] =	vst v63  }
0x63: {  	_ =	swait.ge [sflag:s18], $0x80  }
0x64: {  	[sflag:s18] =	ssyncset.done $0x0  }
0x65: {  	s24 =	sadd.s32 s15, s24;
	[sflag:s18] =	ssyncadd.s32 $0xFFFFFF80  }
0x66: {  	[tilespmem:s21], [sflag:$0x1] =	stream.indirect.gather [hbm4b:s4+s20], $0x80, s19, s20, $0xb8;
	[tilespmem:$0x18100] =	vst v63  }
0x67: {  	s24 =	sor.u32 s25, s24;
	_ =	swait.ge [sflag:s18], $0x4000  }
0x68: {  	s24 =	sshrl.u32 s24, $0x3;
	[sflag:s18] =	ssyncset.done $0x0  }
0x69: {  	s30 =	simm.s32 $0x80;
	s24 =	sadd.s32 s9, s24;
	[sflag:s18] =	ssyncadd.s32 $0xFFFFC000  }
0x6a: {  	[tilespmem:s22], [sflag:$0x1] =	stream.linear.gather [hbm4b:s24+s2], $0x80, $0x38;
	[tilespmem:$0x18100] =	vst v63  }
0x6b: {  	s31 =	sand.u32 $0x3C00, s30;
	_ =	swait.ge [sflag:s18], $0x80  }
0x6c: {  	s25 =	simm.s32 $0x100;
	s28 =	sadd.s32 s13, s31;
	[sflag:s18] =	ssyncset.done $0x0  }
0x6d: {  	s29 =	sadd.s32 s15, s31;
	s24 =	sand.u32 $0x380, s30;
	[sflag:s18] =	ssyncadd.s32 $0xFFFFFF80  }
0x6e: {  	[spmem:s1] =	stream.indirect.scatter.add.f32 [tilespmem:s21], [sflag:$0x1], $0x80, s22, s20, $0xb8;
	[tilespmem:$0x18100] =	vst v63  }
0x6f: {  	s26 =	sor.u32 s24, s28;
	s24 =	sor.u32 s24, s29;
	_ =	swait.ge [sflag:s18], $0x4000  }
.LBB2_6:
0x70: {  	s26 =	sshrl.u32 s26, $0x3  }
0x71: {  	[sflag:s18] =	ssyncset.done $0x0;
	s28 =	smov.u32 s25;
	s29 =	sadd.s32 $0x80, s25  }
0x72: {  	p1 =	sne.s32 s25, $0x2780;
	s25 =	sadd.s32 s8, s26;
	[sflag:s18] =	ssyncadd.s32 $0xFFFFC000  }
0x73: {  	[tilespmem:s19], [sflag:$0x1] =	stream.linear.gather [hbm4b:s25+s2], $0x80, $0x38;
	[tilespmem:$0x18100] =	vst v63  }
0x74: {  	_ =	swait.ge [sflag:s18], $0x80  }
0x75: {  	[sflag:s18] =	ssyncset.done $0x0  }
0x76: {  	[sflag:s18] =	ssyncadd.s32 $0xFFFFFF80  }
0x77: {  	[tilespmem:s21], [sflag:$0x1] =	stream.indirect.gather [hbm4b:s4+s20], $0x80, s19, s20, $0xb8;
	[tilespmem:$0x18100] =	vst v63  }
0x78: {  	_ =	swait.ge [sflag:s18], $0x4000  }
0x79: {  	s24 =	sshrl.u32 s24, $0x3;
	[sflag:s18] =	ssyncset.done $0x0  }
0x7a: {  	s24 =	sadd.s32 s9, s24;
	[sflag:s18] =	ssyncadd.s32 $0xFFFFC000  }
0x7b: {  	[tilespmem:s22], [sflag:$0x1] =	stream.linear.gather [hbm4b:s24+s2], $0x80, $0x38;
	[tilespmem:$0x18100] =	vst v63  }
0x7c: {  	_ =	swait.ge [sflag:s18], $0x80  }
.Ltmp5:
0x7d: {  	s24 =	sand.u32 $0x3C00, s28;
	[sflag:s18] =	ssyncset.done $0x0;
	(pc) =	sbr.rel @p1 .LBB2_6-.Ltmp5, $4  }
0x7e: {  	s25 =	sand.u32 $0x380, s28;
	s26 =	sadd.s32 s13, s24;
	[sflag:s18] =	ssyncadd.s32 $0xFFFFFF80  }
0x7f: {  	s24 =	sadd.s32 s15, s24;
	s26 =	sor.u32 s25, s26  }
0x80: {  	[spmem:s1] =	stream.indirect.scatter.add.f32 [tilespmem:s21], [sflag:$0x1], $0x80, s22, s20, $0xb8;
	[tilespmem:$0x18100] =	vst v63  }
0x81: {  	s24 =	sor.u32 s25, s24;
	s25 =	smov.u32 s29;
	_ =	swait.ge [sflag:s18], $0x4000  }
.Ltmp6:
0x82: {  	_ = 	snop;
	(pc) =	sbr.rel .LBB2_7-.Ltmp6, $1  }
0x83: {  	_ =	sdelay $0x3  }
.LBB2_9:
0x84: {  	_ =	sfence.sel $0x180000  }
0x85: {  	[bflag:$0x0] =	sbarrier.arrive $0xFFFF  }
0x86: {  	p0 =	sne.s32 s6, $0x0;
	_ =	strace $0x9000004D  }
0x87: {  	s0 =	sadd.s32 @!p0 $0x100000, s0;
	[bflag:$0x2] =	sbarrier.arrive $0xFFFF  }
0x88: {  	[sflag:s0] =	ssyncadd.tile.s32 @!p0 $0x1;
	_ =	shalt  }
.Lfunc_end2:
_tile_overlayer_lowered:
.L_overlay_start_2:
0x89: {  	(tag) =	ssettag $0x2  }
0x8a: {  	s0 =	rddreg [dreg:$0x0];
	s2 =	stileid.u32  }
0x8b: {  	s1 =	rddreg [dreg:$0x1];
	p0 =	sne.s32 s2, $0x0  }
0x8c: {  	s3 =	rddreg [dreg:$0x2];
	[bflag:$0x3] =	sbarrier.arrive $0xFFFF;
	s2 =	simm.s32 @!p0 $0x1C01  }
0x8d: {  	[timem:s3], [sflag:s2] =	dma.local @!p0 [hbm:s0], s1  }
0x8e: {  	s0 =	simm.s32 @!p0 $0x1  }
0x8f: {  	_ =	swait.ge @!p0 [sflag:s0], s1  }
0x90: {  	s1 =	ssub.s32 @!p0 $0x0, s1;
	[sflag:s0] =	ssyncset.done @!p0 $0x0  }
0x91: {  	[sflag:s0] =	ssyncadd.s32 @!p0 s1  }
0x92: {  	[bflag:$0x3] =	sbarrier.arrive $0xFFFF  }
0x93: {  	_ =	shalt  }

</sc_bundles>
